<compile_context>
chip_gen: v7x
topology: tpu7x:2x2x1
jax: 0.10.2.dev20260603
libtpu: 0.0.44.dev20260713+nightly
codegen_flags: <defaults>
</compile_context>

<pallas_src>
import functools

import jax
import jax.numpy as jnp
from jax import lax
from jax.experimental import pallas as pl
from jax.experimental.pallas import tpu as pltpu
from jax.experimental.pallas import tpu_sc as plsc

N = 10000
E = 320000
D = 128
NC = 2
NS = 16
NW = NC * NS
EPW = E // NW
CH = 100
NCHUNK = EPW // CH
RPT = N // NS

_sc_mesh = plsc.VectorSubcoreMesh(core_axis_name="c", subcore_axis_name="s")


NACC = 10240
RPTD = NACC // NS


@functools.partial(
    pl.kernel,
    out_type=jax.ShapeDtypeStruct((NC, NACC), jnp.float32),
    mesh=_sc_mesh,
    scratch_types=[
        pltpu.VMEM((NCHUNK, 1, CH), jnp.int32),
        pltpu.VMEM((128,), jnp.float32),
        pltpu.VMEM((RPTD,), jnp.float32),
        pltpu.VMEM_SHARED((NACC,), jnp.float32),
        pltpu.SemaphoreType.DMA,
        pltpu.SemaphoreType.DMA,
        pltpu.SemaphoreType.DMA,
        pltpu.SemaphoreType.DMA,
    ],
)
def _deg_kernel(dst_hbm, parts_hbm, dstv, ones, zbuf, dacc, csem0, csem1,
                csem2, csem3):
    c = lax.axis_index("c")
    sid = lax.axis_index("s")
    wid = c * NS + sid
    pltpu.sync_copy(dst_hbm.at[wid], dstv)

    def fill_ones(i, _):
        ones[pl.ds(i * 16, 16)] = jnp.full((16,), 1.0, jnp.float32)
        return 0

    lax.fori_loop(0, 128 // 16, fill_ones, 0)

    def fill_zero(i, _):
        zbuf[pl.ds(i * 16, 16)] = jnp.zeros((16,), jnp.float32)
        return 0

    lax.fori_loop(0, RPTD // 16, fill_zero, 0)
    pltpu.sync_copy(zbuf, dacc.at[pl.ds(sid * RPTD, RPTD)])
    plsc.subcore_barrier()

    csems = (csem0, csem1, csem2, csem3)

    def fire_c(j, b):
        pltpu.async_copy(ones.at[pl.ds(0, CH)], dacc.at[dstv.at[j, 0]],
                         csems[b], add=True)

    def wait_c(b):
        pltpu.make_async_copy(ones.at[pl.ds(0, CH)], dacc.at[dstv.at[0, 0]],
                              csems[b]).wait()

    def count_body(t, _):
        j = 4 * t
        for b in range(4):
            fire_c(j + b, b)
        for b in range(4):
            wait_c(b)
        return 0

    lax.fori_loop(0, NCHUNK // 4, count_body, 0)
    plsc.subcore_barrier()
    rows = pl.ds(sid * RPTD, RPTD)
    pltpu.sync_copy(dacc.at[rows], parts_hbm.at[c, rows])


GRP = 24
NGRP = NCHUNK // GRP
NBUF = 3
EPI = NCHUNK - NGRP * GRP
NACCM = 10112
RPTM = NACCM // NS


@functools.partial(
    pl.kernel,
    out_type=jax.ShapeDtypeStruct((NC, N, D), jnp.float32),
    mesh=_sc_mesh,
    scratch_types=[
        pltpu.VMEM((GRP, 1, CH), jnp.int32),
        pltpu.VMEM((GRP, 1, CH), jnp.int32),
        pltpu.VMEM((CH, D), jnp.float32),
        pltpu.VMEM((CH, D), jnp.float32),
        pltpu.VMEM((CH, D), jnp.float32),
        pltpu.VMEM_SHARED((NACCM, D), jnp.float32),
        pltpu.SemaphoreType.DMA,
        pltpu.SemaphoreType.DMA,
        pltpu.SemaphoreType.DMA,
        pltpu.SemaphoreType.DMA,
        pltpu.SemaphoreType.DMA,
        pltpu.SemaphoreType.DMA,
    ],
)
def _msg_kernel(src_hbm, dst_hbm, g_hbm, parts_hbm, si, di, s0, s1, s2,
                acc, gsem0, gsem1, gsem2, ssem0, ssem1, ssem2):
    c = lax.axis_index("c")
    sid = lax.axis_index("s")
    wid = c * NS + sid
    bufs = (s0, s1, s2)
    gsems = (gsem0, gsem1, gsem2)
    ssems = (ssem0, ssem1, ssem2)

    def zero_body(i, _):
        r = i // (D // 16)
        q = i % (D // 16)
        s0[r, pl.ds(q * 16, 16)] = jnp.zeros((16,), jnp.float32)
        return 0

    lax.fori_loop(0, CH * (D // 16), zero_body, 0)
    for q in range(6):
        pltpu.sync_copy(s0.at[pl.ds(0, 96)],
                        acc.at[pl.ds(sid * RPTM + q * 96, 96)])
    pltpu.sync_copy(s0.at[pl.ds(0, 56)],
                    acc.at[pl.ds(sid * RPTM + 576, 56)])
    plsc.subcore_barrier()

    def wait_s(b):
        pltpu.make_async_copy(bufs[b], acc.at[di.at[0, 0]], ssems[b]).wait()

    def wait_g(b, k):
        pltpu.make_async_copy(g_hbm.at[si.at[k, 0]], bufs[b],
                              gsems[b]).wait()

    def fire_g(b, k):
        pltpu.async_copy(g_hbm.at[si.at[k, 0]], bufs[b], gsems[b])

    def fire_s(b, k):
        pltpu.async_copy(bufs[b], acc.at[di.at[k, 0]], ssems[b], add=True)

    def load_idx(j0, n):
        pltpu.sync_copy(src_hbm.at[wid, pl.ds(j0, n)], si.at[pl.ds(0, n)])
        pltpu.sync_copy(dst_hbm.at[wid, pl.ds(j0, n)], di.at[pl.ds(0, n)])

    def drain3():
        for b in range(NBUF):
            wait_s(b)

    def group_body(t, _):
        @pl.when(t > 0)
        def _():
            drain3()

        load_idx(t * GRP, GRP)
        fire_g(0, 0)
        fire_g(1, 1)
        for k in range(GRP):
            b = k % NBUF
            wait_g(b, k)
            fire_s(b, k)
            if k <= GRP - 3:
                if k >= 1:
                    wait_s((k + 2) % NBUF)
                fire_g((k + 2) % NBUF, k + 2)
        return 0

    lax.fori_loop(0, NGRP, group_body, 0)

    drain3()
    load_idx(NGRP * GRP, EPI)
    fire_g(0, 0)
    fire_g(1, 1)
    wait_g(0, 0)
    fire_s(0, 0)
    fire_g(2, 2)
    wait_g(1, 1)
    fire_s(1, 1)
    wait_s(0)
    fire_g(0, 3)
    wait_g(2, 2)
    fire_s(2, 2)
    wait_g(0, 3)
    fire_s(0, 3)
    drain3()
    plsc.subcore_barrier()

    @pl.when(sid < NS - 1)
    def _():
        rows = pl.ds(sid * RPTM, RPTM)
        pltpu.sync_copy(acc.at[rows], parts_hbm.at[c, rows])

    @pl.when(sid == NS - 1)
    def _():
        rows = pl.ds((NS - 1) * RPTM, N - (NS - 1) * RPTM)
        pltpu.sync_copy(acc.at[rows], parts_hbm.at[c, rows])


def _blk_dinv(pt_ref):
    pt = pt_ref[...]
    return lax.rsqrt(1.0 + pt[:, 0] + pt[:, 1])[:, None]


def _g_body(x_ref, w_ref, pt_ref, g_ref):
    dinv = _blk_dinv(pt_ref)
    h = jnp.dot(x_ref[...], w_ref[...], preferred_element_type=jnp.float32)
    g_ref[...] = dinv * h


def _combine_body(p_ref, g_ref, pt_ref, x_ref, w0_ref, wt_ref, b_ref,
                  out_ref):
    dinv = _blk_dinv(pt_ref)
    b = b_ref[...]
    wt = wt_ref[...]
    s = dinv * (p_ref[0] + p_ref[1] + g_ref[...]) + b
    out_ref[...] = (
        s
        + jnp.dot(s, wt, preferred_element_type=jnp.float32)
        + jnp.dot(x_ref[...], w0_ref[...] - wt,
                  preferred_element_type=jnp.float32)
    )


_BLK = 1000
_GRID = N // _BLK


def _row_blk(i):
    return (i, 0)


def _g_kernel(x, w_conv, dinv):
    return pl.pallas_call(
        _g_body,
        grid=(_GRID,),
        in_specs=[
            pl.BlockSpec((_BLK, D), _row_blk),
            pl.BlockSpec((D, D), lambda i: (0, 0)),
            pl.BlockSpec((_BLK, NC), _row_blk),
        ],
        out_specs=pl.BlockSpec((_BLK, D), _row_blk),
        out_shape=jax.ShapeDtypeStruct((N, D), jnp.float32),
    )(x, w_conv, dinv)


def _combine_kernel(p, g, dinv, x, w0, wt, b2):
    return pl.pallas_call(
        _combine_body,
        grid=(_GRID,),
        in_specs=[
            pl.BlockSpec((NC, _BLK, D), lambda i: (0, i, 0)),
            pl.BlockSpec((_BLK, D), _row_blk),
            pl.BlockSpec((_BLK, NC), _row_blk),
            pl.BlockSpec((_BLK, D), _row_blk),
            pl.BlockSpec((D, D), lambda i: (0, 0)),
            pl.BlockSpec((D, D), lambda i: (0, 0)),
            pl.BlockSpec((1, D), lambda i: (0, 0)),
        ],
        out_specs=pl.BlockSpec((_BLK, D), _row_blk),
        out_shape=jax.ShapeDtypeStruct((N, D), jnp.float32),
    )(p, g, dinv, x, w0, wt, b2)


def kernel(x, edge_index, W_conv, b_conv, W0, Wt):
    src = edge_index[0]
    src_r = src.reshape(NW, NCHUNK, 1, CH)
    dst_r = edge_index[1].reshape(NW, NCHUNK, 1, CH)
    partsT = _deg_kernel(dst_r)[:, :N].T
    g = _g_kernel(x, W_conv, partsT)
    p = _msg_kernel(src_r, dst_r, g)
    return _combine_kernel(p, g, partsT, x, W0, Wt, b_conv.reshape(1, D))

# --- scband reference (transcript-rebuilt; emitter-appended) ---
"""Pipeline reference for scband-dgcn-20409684591159 (READ-ONLY COPY).

The authoritative reference and input builder live on the scoring server;
editing this copy changes nothing except your own understanding.
"""

import jax, jax.numpy as jnp
import numpy as np

N = 10000
E = 320000
D = 128

def setup_inputs(seed: int = 0) -> dict:
    key = jax.random.key(seed)
    k1, k2, k3, k4, k5, k6 = jax.random.split(key, 6)
    x = jax.random.normal(k1, (N, D), dtype=jnp.float32)
    edge_index = jax.random.randint(k2, (2, E), 0, N, dtype=jnp.int32)
    # GCNConv learned params (glorot-ish scale) and bias
    W_conv = jax.random.normal(k3, (D, D), dtype=jnp.float32) * (1.0 / np.sqrt(D))
    b_conv = jnp.zeros((D,), dtype=jnp.float32)
    # DGCN extra parameter matrices (torch.randn in original)
    W0 = jax.random.normal(k4, (D, D), dtype=jnp.float32)
    Wt = jax.random.normal(k5, (D, D), dtype=jnp.float32)
    return {"x": x, "edge_index": edge_index, "W_conv": W_conv, "b_conv": b_conv, "W0": W0, "Wt": Wt}

def _gcn_conv(x, edge_index, W_conv, b_conv):
    # Faithful PyG GCNConv: add self-loops, symmetric deg-normalization, linear, scatter-add, bias
    n = x.shape[0]
    src = edge_index[0]
    dst = edge_index[1]
    loop = jnp.arange(n, dtype=src.dtype)
    src = jnp.concatenate([src, loop])
    dst = jnp.concatenate([dst, loop])
    deg = jnp.zeros((n,), dtype=x.dtype).at[dst].add(1.0)
    dinv = jnp.where(deg > 0, deg ** -0.5, 0.0)
    norm = dinv[src] * dinv[dst]
    h = x @ W_conv
    msg = h[src] * norm[:, None]
    out = jnp.zeros_like(h).at[dst].add(msg)
    return out + b_conv

def reference(x, edge_index, W_conv, b_conv, W0, Wt):
    h_neigh = _gcn_conv(x, edge_index, W_conv, b_conv)
    h_self = x @ W0
    h_change = (h_neigh - x) @ Wt
    h_combined = h_neigh + h_self + h_change
    return h_combined

if __name__ == "__main__":
    import jax
    _d = setup_inputs()
    print(jax.jit(kernel)(*tuple(_d.values())))

</pallas_src>

<mosaic_0001>
#map = affine_map<(d0, d1) -> (0, 0, 0, 0)>
#map1 = affine_map<(d0, d1) -> (0, 0)>
#map2 = affine_map<(d0, d1) -> (0, 0, 0)>
module attributes {stable_mosaic.version = 14 : i64} {
  func.func @_msg_kernel(%arg0: i32, %arg1: i32, %arg2: memref<32x100x1x100xi32, #tpu.memory_space<hbm>>, %arg3: memref<32x100x1x100xi32, #tpu.memory_space<hbm>>, %arg4: memref<10000x128xf32, #tpu.memory_space<hbm>>, %arg5: memref<2x10000x128xf32, #tpu.memory_space<hbm>>, %arg6: memref<24x1x100xi32, #tpu.memory_space<vmem>>, %arg7: memref<24x1x100xi32, #tpu.memory_space<vmem>>, %arg8: memref<100x128xf32, #tpu.memory_space<vmem>>, %arg9: memref<100x128xf32, #tpu.memory_space<vmem>>, %arg10: memref<100x128xf32, #tpu.memory_space<vmem>>, %arg11: memref<10112x128xf32, #tpu.memory_space<vmem_shared>>, %arg12: memref<!tpu.dma_semaphore, #tpu.memory_space<semaphore_mem>>, %arg13: memref<!tpu.dma_semaphore, #tpu.memory_space<semaphore_mem>>, %arg14: memref<!tpu.dma_semaphore, #tpu.memory_space<semaphore_mem>>, %arg15: memref<!tpu.dma_semaphore, #tpu.memory_space<semaphore_mem>>, %arg16: memref<!tpu.dma_semaphore, #tpu.memory_space<semaphore_mem>>, %arg17: memref<!tpu.dma_semaphore, #tpu.memory_space<semaphore_mem>>) attributes {dimension_semantics = [#tpu.dimension_semantics<core_parallel>, #tpu.dimension_semantics<subcore_parallel>], iteration_bounds = array<i64: 2, 16>, scalar_prefetch = 0 : i64, scratch_operands = 12 : i64, tpu.core_type = #tpu.core_type<sc_vector_subcore>, window_params = [{transform_indices = #map}, {transform_indices = #map}, {transform_indices = #map1}, {transform_indices = #map2}]} {
    %mul3A = arith.constant 16 : i32
    %mul3A_0 = arith.muli %arg0, %mul3A : i32
    %add3A = arith.addi %mul3A_0, %arg1 : i32
    %scan3A = arith.constant 0 : i32
    %scan3A_1 = arith.constant 0 : i32
    %scan3A_2 = arith.constant 800 : i32
    %scan3A_3 = arith.addi %scan3A_1, %scan3A_2 : i32
    %scan3A_4 = arith.constant 1 : i32
    %scan3A_5 = scf.for %scan3A_199 = %scan3A_1 to %scan3A_3 step %scan3A_4 iter_args(%scan3A_200 = %scan3A) -> (i32)  : i32 {
      %jit3A = arith.constant 8 : i32
      %div3A = arith.divsi %scan3A_199, %jit3A : i32
      %sign3A = arith.constant 0 : i32
      %sign3A_201 = arith.cmpi sgt, %scan3A_199, %sign3A : i32
      %sign3A_202 = arith.extui %sign3A_201 : i1 to i32
      %sign3A_203 = arith.constant 0 : i32
      %sign3A_204 = arith.cmpi slt, %scan3A_199, %sign3A_203 : i32
      %sign3A_205 = arith.extui %sign3A_204 : i1 to i32
      %sign3A_206 = arith.subi %sign3A_202, %sign3A_205 : i32
      %sign3A_207 = arith.constant 0 : i32
      %sign3A_208 = arith.cmpi sgt, %jit3A, %sign3A_207 : i32
      %sign3A_209 = arith.extui %sign3A_208 : i1 to i32
      %sign3A_210 = arith.constant 0 : i32
      %sign3A_211 = arith.cmpi slt, %jit3A, %sign3A_210 : i32
      %sign3A_212 = arith.extui %sign3A_211 : i1 to i32
      %sign3A_213 = arith.subi %sign3A_209, %sign3A_212 : i32
      %ne3A = arith.cmpi ne, %sign3A_206, %sign3A_213 : i32
      %rem3A = arith.remsi %scan3A_199, %jit3A : i32
      %ne3A_214 = arith.constant 0 : i32
      %ne3A_215 = arith.cmpi ne, %rem3A, %ne3A_214 : i32
      %and3A = arith.andi %ne3A, %ne3A_215 : i1
      %sub3A = arith.constant 1 : i32
      %sub3A_216 = arith.subi %div3A, %sub3A : i32
      %select_n3A = arith.select %and3A, %sub3A_216, %div3A : i32
      %jit3A_217 = arith.constant 8 : i32
      %eq3A_218 = arith.constant 0 : i32
      %eq3A_219 = arith.cmpi eq, %jit3A_217, %eq3A_218 : i32
      %jit3A_220 = arith.constant 1 : i32
      %select_n3A_221 = arith.select %eq3A_219, %jit3A_220, %jit3A_217 : i32
      %rem3A_222 = arith.remsi %scan3A_199, %select_n3A_221 : i32
      %ne3A_223 = arith.constant 0 : i32
      %ne3A_224 = arith.cmpi ne, %rem3A_222, %ne3A_223 : i32
      %lt3A_225 = arith.constant 0 : i32
      %lt3A_226 = arith.cmpi slt, %rem3A_222, %lt3A_225 : i32
      %lt3A_227 = arith.constant 0 : i32
      %lt3A_228 = arith.cmpi slt, %select_n3A_221, %lt3A_227 : i32
      %ne3A_229 = arith.xori %lt3A_226, %lt3A_228 : i1
      %and3A_230 = arith.andi %ne3A_229, %ne3A_224 : i1
      %add3A_231 = arith.addi %rem3A_222, %select_n3A_221 : i32
      %select_n3A_232 = arith.select %and3A_230, %add3A_231, %rem3A_222 : i32
      %broadcast_in_dim3A = arith.constant 0.000000e+00 : f32
      %broadcast_in_dim3A_233 = vector.broadcast %broadcast_in_dim3A : f32 to vector<16xf32>
      %mul3A_234 = arith.constant 16 : i32
      %mul3A_235 = arith.muli %select_n3A_232, %mul3A_234 : i32
      %swap3A = arith.index_cast %select_n3A : i32 to index
      %swap3A_236 = arith.index_cast %mul3A_235 : i32 to index
      %swap3A_237 = tpu.vector_load %arg8[%swap3A, %swap3A_236] {strides = array<i32>} : memref<100x128xf32, #tpu.memory_space<vmem>>, vector<1x16xf32>,
      %swap3A_238 = vector.shape_cast %swap3A_237 : vector<1x16xf32> to vector<16xf32>
      %swap3A_239 = vector.shape_cast %broadcast_in_dim3A_233 : vector<16xf32> to vector<1x16xf32>
      tpu.vector_store %arg8[%swap3A, %swap3A_236], %swap3A_239 {strides = array<i32>} : memref<100x128xf32, #tpu.memory_space<vmem>>, vector<1x16xf32>,
      %scan3A_240 = arith.constant 0 : i32
      scf.yield %scan3A_240 : i32
    }
    %scan3A_6 = arith.constant 800 : i32
    %mul3A_7 = arith.constant 632 : i32
    %mul3A_8 = arith.muli %arg1, %mul3A_7 : i32
    %add3A_9 = arith.constant 0 : i32
    %add3A_10 = arith.addi %mul3A_8, %add3A_9 : i32
    "tpu.region"() ({
      %run_scoped3A = tpu.sem_alloc : memref<!tpu.dma_semaphore, #tpu.memory_space<semaphore_mem>>
      %dma_start3A_199 = arith.constant 0 : i32
      %dma_start3A_200 = arith.constant 0 : i32
      %dma_start3A_201 = tpu.memref_slice %arg8[%dma_start3A_199, %dma_start3A_200] : memref<100x128xf32, #tpu.memory_space<vmem>> -> memref<96x128xf32, #tpu.memory_space<vmem>>
      %dma_start3A_202 = arith.constant 0 : i32
      %dma_start3A_203 = tpu.memref_slice %arg11[%add3A_10, %dma_start3A_202] : memref<10112x128xf32, #tpu.memory_space<vmem_shared>> -> memref<96x128xf32, #tpu.memory_space<vmem_shared>>
      %dma_start3A_204 = arith.constant 0 : i32
      %dma_start3A_205 = tpu.memref_slice %arg11[%add3A_10, %dma_start3A_204] : memref<10112x128xf32, #tpu.memory_space<vmem_shared>> -> memref<96x128xf32, #tpu.memory_space<vmem_shared>>
      %dma_start3A_206 = arith.constant 0 : i32
      %dma_start3A_207 = arith.constant 0 : i32
      %dma_start3A_208 = tpu.memref_slice %arg8[%dma_start3A_206, %dma_start3A_207] : memref<100x128xf32, #tpu.memory_space<vmem>> -> memref<96x128xf32, #tpu.memory_space<vmem>>
      tpu.enqueue_dma source(%dma_start3A_208 : memref<96x128xf32, #tpu.memory_space<vmem>>) target(%dma_start3A_205 : memref<96x128xf32, #tpu.memory_space<vmem_shared>>) target_semaphore(%run_scoped3A : memref<!tpu.dma_semaphore, #tpu.memory_space<semaphore_mem>>)
      %dma_wait3A_209 = arith.constant 0 : i32
      %dma_wait3A_210 = arith.constant 0 : i32
      %dma_wait3A_211 = tpu.memref_slice %arg8[%dma_wait3A_209, %dma_wait3A_210] : memref<100x128xf32, #tpu.memory_space<vmem>> -> memref<96x128xf32, #tpu.memory_space<vmem>>
      %dma_wait3A_212 = arith.constant 0 : i32
      %dma_wait3A_213 = tpu.memref_slice %arg11[%add3A_10, %dma_wait3A_212] : memref<10112x128xf32, #tpu.memory_space<vmem_shared>> -> memref<96x128xf32, #tpu.memory_space<vmem_shared>>
      %dma_wait3A_214 = arith.constant 0 : i32
      %dma_wait3A_215 = tpu.memref_slice %arg11[%add3A_10, %dma_wait3A_214] : memref<10112x128xf32, #tpu.memory_space<vmem_shared>> -> memref<96x128xf32, #tpu.memory_space<vmem_shared>>
      %dma_wait3A_216 = arith.constant 0 : i32
      %dma_wait3A_217 = arith.constant 0 : i32
      %dma_wait3A_218 = tpu.memref_slice %arg8[%dma_wait3A_216, %dma_wait3A_217] : memref<100x128xf32, #tpu.memory_space<vmem>> -> memref<96x128xf32, #tpu.memory_space<vmem>>
      tpu.wait_dma2 semaphore(%run_scoped3A : memref<!tpu.dma_semaphore, #tpu.memory_space<semaphore_mem>>) src(%dma_wait3A_218 : memref<96x128xf32, #tpu.memory_space<vmem>>) dst(%dma_wait3A_215 : memref<96x128xf32, #tpu.memory_space<vmem_shared>>)
      tpu.yield
    }) : () -> ()
    %mul3A_11 = arith.constant 632 : i32
    %mul3A_12 = arith.muli %arg1, %mul3A_11 : i32
    %add3A_13 = arith.constant 96 : i32
    %add3A_14 = arith.addi %mul3A_12, %add3A_13 : i32
    "tpu.region"() ({
      %run_scoped3A = tpu.sem_alloc : memref<!tpu.dma_semaphore, #tpu.memory_space<semaphore_mem>>
      %dma_start3A_199 = arith.constant 0 : i32
      %dma_start3A_200 = arith.constant 0 : i32
      %dma_start3A_201 = tpu.memref_slice %arg8[%dma_start3A_199, %dma_start3A_200] : memref<100x128xf32, #tpu.memory_space<vmem>> -> memref<96x128xf32, #tpu.memory_space<vmem>>
      %dma_start3A_202 = arith.constant 0 : i32
      %dma_start3A_203 = tpu.memref_slice %arg11[%add3A_14, %dma_start3A_202] : memref<10112x128xf32, #tpu.memory_space<vmem_shared>> -> memref<96x128xf32, #tpu.memory_space<vmem_shared>>
      %dma_start3A_204 = arith.constant 0 : i32
      %dma_start3A_205 = tpu.memref_slice %arg11[%add3A_14, %dma_start3A_204] : memref<10112x128xf32, #tpu.memory_space<vmem_shared>> -> memref<96x128xf32, #tpu.memory_space<vmem_shared>>
      %dma_start3A_206 = arith.constant 0 : i32
      %dma_start3A_207 = arith.constant 0 : i32
      %dma_start3A_208 = tpu.memref_slice %arg8[%dma_start3A_206, %dma_start3A_207] : memref<100x128xf32, #tpu.memory_space<vmem>> -> memref<96x128xf32, #tpu.memory_space<vmem>>
      tpu.enqueue_dma source(%dma_start3A_208 : memref<96x128xf32, #tpu.memory_space<vmem>>) target(%dma_start3A_205 : memref<96x128xf32, #tpu.memory_space<vmem_shared>>) target_semaphore(%run_scoped3A : memref<!tpu.dma_semaphore, #tpu.memory_space<semaphore_mem>>)
      %dma_wait3A_209 = arith.constant 0 : i32
      %dma_wait3A_210 = arith.constant 0 : i32
      %dma_wait3A_211 = tpu.memref_slice %arg8[%dma_wait3A_209, %dma_wait3A_210] : memref<100x128xf32, #tpu.memory_space<vmem>> -> memref<96x128xf32, #tpu.memory_space<vmem>>
      %dma_wait3A_212 = arith.constant 0 : i32
      %dma_wait3A_213 = tpu.memref_slice %arg11[%add3A_14, %dma_wait3A_212] : memref<10112x128xf32, #tpu.memory_space<vmem_shared>> -> memref<96x128xf32, #tpu.memory_space<vmem_shared>>
      %dma_wait3A_214 = arith.constant 0 : i32
      %dma_wait3A_215 = tpu.memref_slice %arg11[%add3A_14, %dma_wait3A_214] : memref<10112x128xf32, #tpu.memory_space<vmem_shared>> -> memref<96x128xf32, #tpu.memory_space<vmem_shared>>
      %dma_wait3A_216 = arith.constant 0 : i32
      %dma_wait3A_217 = arith.constant 0 : i32
      %dma_wait3A_218 = tpu.memref_slice %arg8[%dma_wait3A_216, %dma_wait3A_217] : memref<100x128xf32, #tpu.memory_space<vmem>> -> memref<96x128xf32, #tpu.memory_space<vmem>>
      tpu.wait_dma2 semaphore(%run_scoped3A : memref<!tpu.dma_semaphore, #tpu.memory_space<semaphore_mem>>) src(%dma_wait3A_218 : memref<96x128xf32, #tpu.memory_space<vmem>>) dst(%dma_wait3A_215 : memref<96x128xf32, #tpu.memory_space<vmem_shared>>)
      tpu.yield
    }) : () -> ()
    %mul3A_15 = arith.constant 632 : i32
    %mul3A_16 = arith.muli %arg1, %mul3A_15 : i32
    %add3A_17 = arith.constant 192 : i32
    %add3A_18 = arith.addi %mul3A_16, %add3A_17 : i32
    "tpu.region"() ({
      %run_scoped3A = tpu.sem_alloc : memref<!tpu.dma_semaphore, #tpu.memory_space<semaphore_mem>>
      %dma_start3A_199 = arith.constant 0 : i32
      %dma_start3A_200 = arith.constant 0 : i32
      %dma_start3A_201 = tpu.memref_slice %arg8[%dma_start3A_199, %dma_start3A_200] : memref<100x128xf32, #tpu.memory_space<vmem>> -> memref<96x128xf32, #tpu.memory_space<vmem>>
      %dma_start3A_202 = arith.constant 0 : i32
      %dma_start3A_203 = tpu.memref_slice %arg11[%add3A_18, %dma_start3A_202] : memref<10112x128xf32, #tpu.memory_space<vmem_shared>> -> memref<96x128xf32, #tpu.memory_space<vmem_shared>>
      %dma_start3A_204 = arith.constant 0 : i32
      %dma_start3A_205 = tpu.memref_slice %arg11[%add3A_18, %dma_start3A_204] : memref<10112x128xf32, #tpu.memory_space<vmem_shared>> -> memref<96x128xf32, #tpu.memory_space<vmem_shared>>
      %dma_start3A_206 = arith.constant 0 : i32
      %dma_start3A_207 = arith.constant 0 : i32
      %dma_start3A_208 = tpu.memref_slice %arg8[%dma_start3A_206, %dma_start3A_207] : memref<100x128xf32, #tpu.memory_space<vmem>> -> memref<96x128xf32, #tpu.memory_space<vmem>>
      tpu.enqueue_dma source(%dma_start3A_208 : memref<96x128xf32, #tpu.memory_space<vmem>>) target(%dma_start3A_205 : memref<96x128xf32, #tpu.memory_space<vmem_shared>>) target_semaphore(%run_scoped3A : memref<!tpu.dma_semaphore, #tpu.memory_space<semaphore_mem>>)
      %dma_wait3A_209 = arith.constant 0 : i32
      %dma_wait3A_210 = arith.constant 0 : i32
      %dma_wait3A_211 = tpu.memref_slice %arg8[%dma_wait3A_209, %dma_wait3A_210] : memref<100x128xf32, #tpu.memory_space<vmem>> -> memref<96x128xf32, #tpu.memory_space<vmem>>
      %dma_wait3A_212 = arith.constant 0 : i32
      %dma_wait3A_213 = tpu.memref_slice %arg11[%add3A_18, %dma_wait3A_212] : memref<10112x128xf32, #tpu.memory_space<vmem_shared>> -> memref<96x128xf32, #tpu.memory_space<vmem_shared>>
      %dma_wait3A_214 = arith.constant 0 : i32
      %dma_wait3A_215 = tpu.memref_slice %arg11[%add3A_18, %dma_wait3A_214] : memref<10112x128xf32, #tpu.memory_space<vmem_shared>> -> memref<96x128xf32, #tpu.memory_space<vmem_shared>>
      %dma_wait3A_216 = arith.constant 0 : i32
      %dma_wait3A_217 = arith.constant 0 : i32
      %dma_wait3A_218 = tpu.memref_slice %arg8[%dma_wait3A_216, %dma_wait3A_217] : memref<100x128xf32, #tpu.memory_space<vmem>> -> memref<96x128xf32, #tpu.memory_space<vmem>>
      tpu.wait_dma2 semaphore(%run_scoped3A : memref<!tpu.dma_semaphore, #tpu.memory_space<semaphore_mem>>) src(%dma_wait3A_218 : memref<96x128xf32, #tpu.memory_space<vmem>>) dst(%dma_wait3A_215 : memref<96x128xf32, #tpu.memory_space<vmem_shared>>)
      tpu.yield
    }) : () -> ()
    %mul3A_19 = arith.constant 632 : i32
    %mul3A_20 = arith.muli %arg1, %mul3A_19 : i32
    %add3A_21 = arith.constant 288 : i32
    %add3A_22 = arith.addi %mul3A_20, %add3A_21 : i32
    "tpu.region"() ({
      %run_scoped3A = tpu.sem_alloc : memref<!tpu.dma_semaphore, #tpu.memory_space<semaphore_mem>>
      %dma_start3A_199 = arith.constant 0 : i32
      %dma_start3A_200 = arith.constant 0 : i32
      %dma_start3A_201 = tpu.memref_slice %arg8[%dma_start3A_199, %dma_start3A_200] : memref<100x128xf32, #tpu.memory_space<vmem>> -> memref<96x128xf32, #tpu.memory_space<vmem>>
      %dma_start3A_202 = arith.constant 0 : i32
      %dma_start3A_203 = tpu.memref_slice %arg11[%add3A_22, %dma_start3A_202] : memref<10112x128xf32, #tpu.memory_space<vmem_shared>> -> memref<96x128xf32, #tpu.memory_space<vmem_shared>>
      %dma_start3A_204 = arith.constant 0 : i32
      %dma_start3A_205 = tpu.memref_slice %arg11[%add3A_22, %dma_start3A_204] : memref<10112x128xf32, #tpu.memory_space<vmem_shared>> -> memref<96x128xf32, #tpu.memory_space<vmem_shared>>
      %dma_start3A_206 = arith.constant 0 : i32
      %dma_start3A_207 = arith.constant 0 : i32
      %dma_start3A_208 = tpu.memref_slice %arg8[%dma_start3A_206, %dma_start3A_207] : memref<100x128xf32, #tpu.memory_space<vmem>> -> memref<96x128xf32, #tpu.memory_space<vmem>>
      tpu.enqueue_dma source(%dma_start3A_208 : memref<96x128xf32, #tpu.memory_space<vmem>>) target(%dma_start3A_205 : memref<96x128xf32, #tpu.memory_space<vmem_shared>>) target_semaphore(%run_scoped3A : memref<!tpu.dma_semaphore, #tpu.memory_space<semaphore_mem>>)
      %dma_wait3A_209 = arith.constant 0 : i32
      %dma_wait3A_210 = arith.constant 0 : i32
      %dma_wait3A_211 = tpu.memref_slice %arg8[%dma_wait3A_209, %dma_wait3A_210] : memref<100x128xf32, #tpu.memory_space<vmem>> -> memref<96x128xf32, #tpu.memory_space<vmem>>
      %dma_wait3A_212 = arith.constant 0 : i32
      %dma_wait3A_213 = tpu.memref_slice %arg11[%add3A_22, %dma_wait3A_212] : memref<10112x128xf32, #tpu.memory_space<vmem_shared>> -> memref<96x128xf32, #tpu.memory_space<vmem_shared>>
      %dma_wait3A_214 = arith.constant 0 : i32
      %dma_wait3A_215 = tpu.memref_slice %arg11[%add3A_22, %dma_wait3A_214] : memref<10112x128xf32, #tpu.memory_space<vmem_shared>> -> memref<96x128xf32, #tpu.memory_space<vmem_shared>>
      %dma_wait3A_216 = arith.constant 0 : i32
      %dma_wait3A_217 = arith.constant 0 : i32
      %dma_wait3A_218 = tpu.memref_slice %arg8[%dma_wait3A_216, %dma_wait3A_217] : memref<100x128xf32, #tpu.memory_space<vmem>> -> memref<96x128xf32, #tpu.memory_space<vmem>>
      tpu.wait_dma2 semaphore(%run_scoped3A : memref<!tpu.dma_semaphore, #tpu.memory_space<semaphore_mem>>) src(%dma_wait3A_218 : memref<96x128xf32, #tpu.memory_space<vmem>>) dst(%dma_wait3A_215 : memref<96x128xf32, #tpu.memory_space<vmem_shared>>)
      tpu.yield
    }) : () -> ()
    %mul3A_23 = arith.constant 632 : i32
    %mul3A_24 = arith.muli %arg1, %mul3A_23 : i32
    %add3A_25 = arith.constant 384 : i32
    %add3A_26 = arith.addi %mul3A_24, %add3A_25 : i32
    "tpu.region"() ({
      %run_scoped3A = tpu.sem_alloc : memref<!tpu.dma_semaphore, #tpu.memory_space<semaphore_mem>>
      %dma_start3A_199 = arith.constant 0 : i32
      %dma_start3A_200 = arith.constant 0 : i32
      %dma_start3A_201 = tpu.memref_slice %arg8[%dma_start3A_199, %dma_start3A_200] : memref<100x128xf32, #tpu.memory_space<vmem>> -> memref<96x128xf32, #tpu.memory_space<vmem>>
      %dma_start3A_202 = arith.constant 0 : i32
      %dma_start3A_203 = tpu.memref_slice %arg11[%add3A_26, %dma_start3A_202] : memref<10112x128xf32, #tpu.memory_space<vmem_shared>> -> memref<96x128xf32, #tpu.memory_space<vmem_shared>>
      %dma_start3A_204 = arith.constant 0 : i32
      %dma_start3A_205 = tpu.memref_slice %arg11[%add3A_26, %dma_start3A_204] : memref<10112x128xf32, #tpu.memory_space<vmem_shared>> -> memref<96x128xf32, #tpu.memory_space<vmem_shared>>
      %dma_start3A_206 = arith.constant 0 : i32
      %dma_start3A_207 = arith.constant 0 : i32
      %dma_start3A_208 = tpu.memref_slice %arg8[%dma_start3A_206, %dma_start3A_207] : memref<100x128xf32, #tpu.memory_space<vmem>> -> memref<96x128xf32, #tpu.memory_space<vmem>>
      tpu.enqueue_dma source(%dma_start3A_208 : memref<96x128xf32, #tpu.memory_space<vmem>>) target(%dma_start3A_205 : memref<96x128xf32, #tpu.memory_space<vmem_shared>>) target_semaphore(%run_scoped3A : memref<!tpu.dma_semaphore, #tpu.memory_space<semaphore_mem>>)
      %dma_wait3A_209 = arith.constant 0 : i32
      %dma_wait3A_210 = arith.constant 0 : i32
      %dma_wait3A_211 = tpu.memref_slice %arg8[%dma_wait3A_209, %dma_wait3A_210] : memref<100x128xf32, #tpu.memory_space<vmem>> -> memref<96x128xf32, #tpu.memory_space<vmem>>
      %dma_wait3A_212 = arith.constant 0 : i32
      %dma_wait3A_213 = tpu.memref_slice %arg11[%add3A_26, %dma_wait3A_212] : memref<10112x128xf32, #tpu.memory_space<vmem_shared>> -> memref<96x128xf32, #tpu.memory_space<vmem_shared>>
      %dma_wait3A_214 = arith.constant 0 : i32
      %dma_wait3A_215 = tpu.memref_slice %arg11[%add3A_26, %dma_wait3A_214] : memref<10112x128xf32, #tpu.memory_space<vmem_shared>> -> memref<96x128xf32, #tpu.memory_space<vmem_shared>>
      %dma_wait3A_216 = arith.constant 0 : i32
      %dma_wait3A_217 = arith.constant 0 : i32
      %dma_wait3A_218 = tpu.memref_slice %arg8[%dma_wait3A_216, %dma_wait3A_217] : memref<100x128xf32, #tpu.memory_space<vmem>> -> memref<96x128xf32, #tpu.memory_space<vmem>>
      tpu.wait_dma2 semaphore(%run_scoped3A : memref<!tpu.dma_semaphore, #tpu.memory_space<semaphore_mem>>) src(%dma_wait3A_218 : memref<96x128xf32, #tpu.memory_space<vmem>>) dst(%dma_wait3A_215 : memref<96x128xf32, #tpu.memory_space<vmem_shared>>)
      tpu.yield
    }) : () -> ()
    %mul3A_27 = arith.constant 632 : i32
    %mul3A_28 = arith.muli %arg1, %mul3A_27 : i32
    %add3A_29 = arith.constant 480 : i32
    %add3A_30 = arith.addi %mul3A_28, %add3A_29 : i32
    "tpu.region"() ({
      %run_scoped3A = tpu.sem_alloc : memref<!tpu.dma_semaphore, #tpu.memory_space<semaphore_mem>>
      %dma_start3A_199 = arith.constant 0 : i32
      %dma_start3A_200 = arith.constant 0 : i32
      %dma_start3A_201 = tpu.memref_slice %arg8[%dma_start3A_199, %dma_start3A_200] : memref<100x128xf32, #tpu.memory_space<vmem>> -> memref<96x128xf32, #tpu.memory_space<vmem>>
      %dma_start3A_202 = arith.constant 0 : i32
      %dma_start3A_203 = tpu.memref_slice %arg11[%add3A_30, %dma_start3A_202] : memref<10112x128xf32, #tpu.memory_space<vmem_shared>> -> memref<96x128xf32, #tpu.memory_space<vmem_shared>>
      %dma_start3A_204 = arith.constant 0 : i32
      %dma_start3A_205 = tpu.memref_slice %arg11[%add3A_30, %dma_start3A_204] : memref<10112x128xf32, #tpu.memory_space<vmem_shared>> -> memref<96x128xf32, #tpu.memory_space<vmem_shared>>
      %dma_start3A_206 = arith.constant 0 : i32
      %dma_start3A_207 = arith.constant 0 : i32
      %dma_start3A_208 = tpu.memref_slice %arg8[%dma_start3A_206, %dma_start3A_207] : memref<100x128xf32, #tpu.memory_space<vmem>> -> memref<96x128xf32, #tpu.memory_space<vmem>>
      tpu.enqueue_dma source(%dma_start3A_208 : memref<96x128xf32, #tpu.memory_space<vmem>>) target(%dma_start3A_205 : memref<96x128xf32, #tpu.memory_space<vmem_shared>>) target_semaphore(%run_scoped3A : memref<!tpu.dma_semaphore, #tpu.memory_space<semaphore_mem>>)
      %dma_wait3A_209 = arith.constant 0 : i32
      %dma_wait3A_210 = arith.constant 0 : i32
      %dma_wait3A_211 = tpu.memref_slice %arg8[%dma_wait3A_209, %dma_wait3A_210] : memref<100x128xf32, #tpu.memory_space<vmem>> -> memref<96x128xf32, #tpu.memory_space<vmem>>
      %dma_wait3A_212 = arith.constant 0 : i32
      %dma_wait3A_213 = tpu.memref_slice %arg11[%add3A_30, %dma_wait3A_212] : memref<10112x128xf32, #tpu.memory_space<vmem_shared>> -> memref<96x128xf32, #tpu.memory_space<vmem_shared>>
      %dma_wait3A_214 = arith.constant 0 : i32
      %dma_wait3A_215 = tpu.memref_slice %arg11[%add3A_30, %dma_wait3A_214] : memref<10112x128xf32, #tpu.memory_space<vmem_shared>> -> memref<96x128xf32, #tpu.memory_space<vmem_shared>>
      %dma_wait3A_216 = arith.constant 0 : i32
      %dma_wait3A_217 = arith.constant 0 : i32
      %dma_wait3A_218 = tpu.memref_slice %arg8[%dma_wait3A_216, %dma_wait3A_217] : memref<100x128xf32, #tpu.memory_space<vmem>> -> memref<96x128xf32, #tpu.memory_space<vmem>>
      tpu.wait_dma2 semaphore(%run_scoped3A : memref<!tpu.dma_semaphore, #tpu.memory_space<semaphore_mem>>) src(%dma_wait3A_218 : memref<96x128xf32, #tpu.memory_space<vmem>>) dst(%dma_wait3A_215 : memref<96x128xf32, #tpu.memory_space<vmem_shared>>)
      tpu.yield
    }) : () -> ()
    %mul3A_31 = arith.constant 632 : i32
    %mul3A_32 = arith.muli %arg1, %mul3A_31 : i32
    %add3A_33 = arith.constant 576 : i32
    %add3A_34 = arith.addi %mul3A_32, %add3A_33 : i32
    "tpu.region"() ({
      %run_scoped3A = tpu.sem_alloc : memref<!tpu.dma_semaphore, #tpu.memory_space<semaphore_mem>>
      %dma_start3A_199 = arith.constant 0 : i32
      %dma_start3A_200 = arith.constant 0 : i32
      %dma_start3A_201 = tpu.memref_slice %arg8[%dma_start3A_199, %dma_start3A_200] : memref<100x128xf32, #tpu.memory_space<vmem>> -> memref<56x128xf32, #tpu.memory_space<vmem>>
      %dma_start3A_202 = arith.constant 0 : i32
      %dma_start3A_203 = tpu.memref_slice %arg11[%add3A_34, %dma_start3A_202] : memref<10112x128xf32, #tpu.memory_space<vmem_shared>> -> memref<56x128xf32, #tpu.memory_space<vmem_shared>>
      %dma_start3A_204 = arith.constant 0 : i32
      %dma_start3A_205 = tpu.memref_slice %arg11[%add3A_34, %dma_start3A_204] : memref<10112x128xf32, #tpu.memory_space<vmem_shared>> -> memref<56x128xf32, #tpu.memory_space<vmem_shared>>
      %dma_start3A_206 = arith.constant 0 : i32
      %dma_start3A_207 = arith.constant 0 : i32
      %dma_start3A_208 = tpu.memref_slice %arg8[%dma_start3A_206, %dma_start3A_207] : memref<100x128xf32, #tpu.memory_space<vmem>> -> memref<56x128xf32, #tpu.memory_space<vmem>>
      tpu.enqueue_dma source(%dma_start3A_208 : memref<56x128xf32, #tpu.memory_space<vmem>>) target(%dma_start3A_205 : memref<56x128xf32, #tpu.memory_space<vmem_shared>>) target_semaphore(%run_scoped3A : memref<!tpu.dma_semaphore, #tpu.memory_space<semaphore_mem>>)
      %dma_wait3A_209 = arith.constant 0 : i32
      %dma_wait3A_210 = arith.constant 0 : i32
      %dma_wait3A_211 = tpu.memref_slice %arg8[%dma_wait3A_209, %dma_wait3A_210] : memref<100x128xf32, #tpu.memory_space<vmem>> -> memref<56x128xf32, #tpu.memory_space<vmem>>
      %dma_wait3A_212 = arith.constant 0 : i32
      %dma_wait3A_213 = tpu.memref_slice %arg11[%add3A_34, %dma_wait3A_212] : memref<10112x128xf32, #tpu.memory_space<vmem_shared>> -> memref<56x128xf32, #tpu.memory_space<vmem_shared>>
      %dma_wait3A_214 = arith.constant 0 : i32
      %dma_wait3A_215 = tpu.memref_slice %arg11[%add3A_34, %dma_wait3A_214] : memref<10112x128xf32, #tpu.memory_space<vmem_shared>> -> memref<56x128xf32, #tpu.memory_space<vmem_shared>>
      %dma_wait3A_216 = arith.constant 0 : i32
      %dma_wait3A_217 = arith.constant 0 : i32
      %dma_wait3A_218 = tpu.memref_slice %arg8[%dma_wait3A_216, %dma_wait3A_217] : memref<100x128xf32, #tpu.memory_space<vmem>> -> memref<56x128xf32, #tpu.memory_space<vmem>>
      tpu.wait_dma2 semaphore(%run_scoped3A : memref<!tpu.dma_semaphore, #tpu.memory_space<semaphore_mem>>) src(%dma_wait3A_218 : memref<56x128xf32, #tpu.memory_space<vmem>>) dst(%dma_wait3A_215 : memref<56x128xf32, #tpu.memory_space<vmem_shared>>)
      tpu.yield
    }) : () -> ()
    %barrier3A = arith.constant 0 : index
    tpu.barrier barrier_id(%barrier3A)
    %scan3A_35 = arith.constant 0 : i32
    %scan3A_36 = arith.constant 0 : i32
    %scan3A_37 = arith.constant 4 : i32
    %scan3A_38 = arith.addi %scan3A_36, %scan3A_37 : i32
    %scan3A_39 = arith.constant 1 : i32
    %scan3A_40 = scf.for %scan3A_199 = %scan3A_36 to %scan3A_38 step %scan3A_39 iter_args(%scan3A_200 = %scan3A_35) -> (i32)  : i32 {
      %gt3A = arith.constant 0 : i32
      %gt3A_201 = arith.cmpi sgt, %scan3A_199, %gt3A : i32
      %convert_element_type3A_202 = arith.extui %gt3A_201 : i1 to i32
      %cond3A_203 = arith.constant 0 : i32
      %cond3A_204 = arith.cmpi ne, %convert_element_type3A_202, %cond3A_203 : i32
      scf.if %cond3A_204 {
        %dma_wait3A_952 = arith.constant 0 : i32
        %dma_wait3A_953 = arith.constant 0 : i32
        %dma_wait3A_954 = arith.constant 0 : i32
        %dma_wait3A_955 = tpu.memref_slice %arg7[%dma_wait3A_952, %dma_wait3A_953, %dma_wait3A_954] : memref<24x1x100xi32, #tpu.memory_space<vmem>> -> memref<1x1x100xi32, #tpu.memory_space<vmem>>
        %dma_wait3A_956 = tpu.memref_squeeze %dma_wait3A_955 : memref<1x1x100xi32, #tpu.memory_space<vmem>> -> memref<100xi32, #tpu.memory_space<vmem>>
        %dma_wait3A_957 = arith.constant 0 : i32
        %dma_wait3A_958 = arith.constant 0 : i32
        %dma_wait3A_959 = tpu.memref_slice %arg11[%dma_wait3A_957, %dma_wait3A_958] : memref<10112x128xf32, #tpu.memory_space<vmem_shared>> -> memref<10112x128xf32, #tpu.memory_space<vmem_shared>>
        tpu.wait_indirect_dma semaphore(%arg15 : memref<!tpu.dma_semaphore, #tpu.memory_space<semaphore_mem>>) src(%arg8 : memref<100x128xf32, #tpu.memory_space<vmem>>) dst(%dma_wait3A_959 : memref<10112x128xf32, #tpu.memory_space<vmem_shared>>)
        %dma_wait3A_960 = arith.constant 0 : i32
        %dma_wait3A_961 = arith.constant 0 : i32
        %dma_wait3A_962 = arith.constant 0 : i32
        %dma_wait3A_963 = tpu.memref_slice %arg7[%dma_wait3A_960, %dma_wait3A_961, %dma_wait3A_962] : memref<24x1x100xi32, #tpu.memory_space<vmem>> -> memref<1x1x100xi32, #tpu.memory_space<vmem>>
        %dma_wait3A_964 = tpu.memref_squeeze %dma_wait3A_963 : memref<1x1x100xi32, #tpu.memory_space<vmem>> -> memref<100xi32, #tpu.memory_space<vmem>>
        %dma_wait3A_965 = arith.constant 0 : i32
        %dma_wait3A_966 = arith.constant 0 : i32
        %dma_wait3A_967 = tpu.memref_slice %arg11[%dma_wait3A_965, %dma_wait3A_966] : memref<10112x128xf32, #tpu.memory_space<vmem_shared>> -> memref<10112x128xf32, #tpu.memory_space<vmem_shared>>
        tpu.wait_indirect_dma semaphore(%arg16 : memref<!tpu.dma_semaphore, #tpu.memory_space<semaphore_mem>>) src(%arg9 : memref<100x128xf32, #tpu.memory_space<vmem>>) dst(%dma_wait3A_967 : memref<10112x128xf32, #tpu.memory_space<vmem_shared>>)
        %dma_wait3A_968 = arith.constant 0 : i32
        %dma_wait3A_969 = arith.constant 0 : i32
        %dma_wait3A_970 = arith.constant 0 : i32
        %dma_wait3A_971 = tpu.memref_slice %arg7[%dma_wait3A_968, %dma_wait3A_969, %dma_wait3A_970] : memref<24x1x100xi32, #tpu.memory_space<vmem>> -> memref<1x1x100xi32, #tpu.memory_space<vmem>>
        %dma_wait3A_972 = tpu.memref_squeeze %dma_wait3A_971 : memref<1x1x100xi32, #tpu.memory_space<vmem>> -> memref<100xi32, #tpu.memory_space<vmem>>
        %dma_wait3A_973 = arith.constant 0 : i32
        %dma_wait3A_974 = arith.constant 0 : i32
        %dma_wait3A_975 = tpu.memref_slice %arg11[%dma_wait3A_973, %dma_wait3A_974] : memref<10112x128xf32, #tpu.memory_space<vmem_shared>> -> memref<10112x128xf32, #tpu.memory_space<vmem_shared>>
        tpu.wait_indirect_dma semaphore(%arg17 : memref<!tpu.dma_semaphore, #tpu.memory_space<semaphore_mem>>) src(%arg10 : memref<100x128xf32, #tpu.memory_space<vmem>>) dst(%dma_wait3A_975 : memref<10112x128xf32, #tpu.memory_space<vmem_shared>>)
      } else {
      }
      %mul3A_205 = arith.constant 24 : i32
      %mul3A_206 = arith.muli %scan3A_199, %mul3A_205 : i32
      "tpu.region"() ({
        %run_scoped3A = tpu.sem_alloc : memref<!tpu.dma_semaphore, #tpu.memory_space<semaphore_mem>>
        %dma_start3A_952 = arith.constant 0 : i32
        %dma_start3A_953 = arith.constant 0 : i32
        %dma_start3A_954 = arith.constant 0 : i32
        %dma_start3A_955 = tpu.memref_slice %arg6[%dma_start3A_952, %dma_start3A_953, %dma_start3A_954] : memref<24x1x100xi32, #tpu.memory_space<vmem>> -> memref<24x1x100xi32, #tpu.memory_space<vmem>>
        %dma_start3A_956 = arith.constant 0 : i32
        %dma_start3A_957 = arith.constant 0 : i32
        %dma_start3A_958 = tpu.memref_slice %arg2[%add3A, %mul3A_206, %dma_start3A_956, %dma_start3A_957] : memref<32x100x1x100xi32, #tpu.memory_space<hbm>> -> memref<1x24x1x100xi32, #tpu.memory_space<hbm>>
        %dma_start3A_959 = tpu.memref_squeeze %dma_start3A_958 : memref<1x24x1x100xi32, #tpu.memory_space<hbm>> -> memref<24x1x100xi32, #tpu.memory_space<hbm>>
        %dma_start3A_960 = arith.constant 0 : i32
        %dma_start3A_961 = arith.constant 0 : i32
        %dma_start3A_962 = arith.constant 0 : i32
        %dma_start3A_963 = tpu.memref_slice %arg6[%dma_start3A_960, %dma_start3A_961, %dma_start3A_962] : memref<24x1x100xi32, #tpu.memory_space<vmem>> -> memref<24x1x100xi32, #tpu.memory_space<vmem>>
        %dma_start3A_964 = arith.constant 0 : i32
        %dma_start3A_965 = arith.constant 0 : i32
        %dma_start3A_966 = tpu.memref_slice %arg2[%add3A, %mul3A_206, %dma_start3A_964, %dma_start3A_965] : memref<32x100x1x100xi32, #tpu.memory_space<hbm>> -> memref<1x24x1x100xi32, #tpu.memory_space<hbm>>
        %dma_start3A_967 = tpu.memref_squeeze %dma_start3A_966 : memref<1x24x1x100xi32, #tpu.memory_space<hbm>> -> memref<24x1x100xi32, #tpu.memory_space<hbm>>
        tpu.enqueue_dma source(%dma_start3A_967 : memref<24x1x100xi32, #tpu.memory_space<hbm>>) target(%dma_start3A_963 : memref<24x1x100xi32, #tpu.memory_space<vmem>>) target_semaphore(%run_scoped3A : memref<!tpu.dma_semaphore, #tpu.memory_space<semaphore_mem>>)
        %dma_wait3A_968 = arith.constant 0 : i32
        %dma_wait3A_969 = arith.constant 0 : i32
        %dma_wait3A_970 = arith.constant 0 : i32
        %dma_wait3A_971 = tpu.memref_slice %arg6[%dma_wait3A_968, %dma_wait3A_969, %dma_wait3A_970] : memref<24x1x100xi32, #tpu.memory_space<vmem>> -> memref<24x1x100xi32, #tpu.memory_space<vmem>>
        %dma_wait3A_972 = arith.constant 0 : i32
        %dma_wait3A_973 = arith.constant 0 : i32
        %dma_wait3A_974 = tpu.memref_slice %arg2[%add3A, %mul3A_206, %dma_wait3A_972, %dma_wait3A_973] : memref<32x100x1x100xi32, #tpu.memory_space<hbm>> -> memref<1x24x1x100xi32, #tpu.memory_space<hbm>>
        %dma_wait3A_975 = tpu.memref_squeeze %dma_wait3A_974 : memref<1x24x1x100xi32, #tpu.memory_space<hbm>> -> memref<24x1x100xi32, #tpu.memory_space<hbm>>
        %dma_wait3A_976 = arith.constant 0 : i32
        %dma_wait3A_977 = arith.constant 0 : i32
        %dma_wait3A_978 = arith.constant 0 : i32
        %dma_wait3A_979 = tpu.memref_slice %arg6[%dma_wait3A_976, %dma_wait3A_977, %dma_wait3A_978] : memref<24x1x100xi32, #tpu.memory_space<vmem>> -> memref<24x1x100xi32, #tpu.memory_space<vmem>>
        %dma_wait3A_980 = arith.constant 0 : i32
        %dma_wait3A_981 = arith.constant 0 : i32
        %dma_wait3A_982 = tpu.memref_slice %arg2[%add3A, %mul3A_206, %dma_wait3A_980, %dma_wait3A_981] : memref<32x100x1x100xi32, #tpu.memory_space<hbm>> -> memref<1x24x1x100xi32, #tpu.memory_space<hbm>>
        %dma_wait3A_983 = tpu.memref_squeeze %dma_wait3A_982 : memref<1x24x1x100xi32, #tpu.memory_space<hbm>> -> memref<24x1x100xi32, #tpu.memory_space<hbm>>
        tpu.wait_dma2 semaphore(%run_scoped3A : memref<!tpu.dma_semaphore, #tpu.memory_space<semaphore_mem>>) src(%dma_wait3A_983 : memref<24x1x100xi32, #tpu.memory_space<hbm>>) dst(%dma_wait3A_979 : memref<24x1x100xi32, #tpu.memory_space<vmem>>)
        tpu.yield
      }) : () -> ()
      "tpu.region"() ({
        %run_scoped3A = tpu.sem_alloc : memref<!tpu.dma_semaphore, #tpu.memory_space<semaphore_mem>>
        %dma_start3A_952 = arith.constant 0 : i32
        %dma_start3A_953 = arith.constant 0 : i32
        %dma_start3A_954 = arith.constant 0 : i32
        %dma_start3A_955 = tpu.memref_slice %arg7[%dma_start3A_952, %dma_start3A_953, %dma_start3A_954] : memref<24x1x100xi32, #tpu.memory_space<vmem>> -> memref<24x1x100xi32, #tpu.memory_space<vmem>>
        %dma_start3A_956 = arith.constant 0 : i32
        %dma_start3A_957 = arith.constant 0 : i32
        %dma_start3A_958 = tpu.memref_slice %arg3[%add3A, %mul3A_206, %dma_start3A_956, %dma_start3A_957] : memref<32x100x1x100xi32, #tpu.memory_space<hbm>> -> memref<1x24x1x100xi32, #tpu.memory_space<hbm>>
        %dma_start3A_959 = tpu.memref_squeeze %dma_start3A_958 : memref<1x24x1x100xi32, #tpu.memory_space<hbm>> -> memref<24x1x100xi32, #tpu.memory_space<hbm>>
        %dma_start3A_960 = arith.constant 0 : i32
        %dma_start3A_961 = arith.constant 0 : i32
        %dma_start3A_962 = arith.constant 0 : i32
        %dma_start3A_963 = tpu.memref_slice %arg7[%dma_start3A_960, %dma_start3A_961, %dma_start3A_962] : memref<24x1x100xi32, #tpu.memory_space<vmem>> -> memref<24x1x100xi32, #tpu.memory_space<vmem>>
        %dma_start3A_964 = arith.constant 0 : i32
        %dma_start3A_965 = arith.constant 0 : i32
        %dma_start3A_966 = tpu.memref_slice %arg3[%add3A, %mul3A_206, %dma_start3A_964, %dma_start3A_965] : memref<32x100x1x100xi32, #tpu.memory_space<hbm>> -> memref<1x24x1x100xi32, #tpu.memory_space<hbm>>
        %dma_start3A_967 = tpu.memref_squeeze %dma_start3A_966 : memref<1x24x1x100xi32, #tpu.memory_space<hbm>> -> memref<24x1x100xi32, #tpu.memory_space<hbm>>
        tpu.enqueue_dma source(%dma_start3A_967 : memref<24x1x100xi32, #tpu.memory_space<hbm>>) target(%dma_start3A_963 : memref<24x1x100xi32, #tpu.memory_space<vmem>>) target_semaphore(%run_scoped3A : memref<!tpu.dma_semaphore, #tpu.memory_space<semaphore_mem>>)
        %dma_wait3A_968 = arith.constant 0 : i32
        %dma_wait3A_969 = arith.constant 0 : i32
        %dma_wait3A_970 = arith.constant 0 : i32
        %dma_wait3A_971 = tpu.memref_slice %arg7[%dma_wait3A_968, %dma_wait3A_969, %dma_wait3A_970] : memref<24x1x100xi32, #tpu.memory_space<vmem>> -> memref<24x1x100xi32, #tpu.memory_space<vmem>>
        %dma_wait3A_972 = arith.constant 0 : i32
        %dma_wait3A_973 = arith.constant 0 : i32
        %dma_wait3A_974 = tpu.memref_slice %arg3[%add3A, %mul3A_206, %dma_wait3A_972, %dma_wait3A_973] : memref<32x100x1x100xi32, #tpu.memory_space<hbm>> -> memref<1x24x1x100xi32, #tpu.memory_space<hbm>>
        %dma_wait3A_975 = tpu.memref_squeeze %dma_wait3A_974 : memref<1x24x1x100xi32, #tpu.memory_space<hbm>> -> memref<24x1x100xi32, #tpu.memory_space<hbm>>
        %dma_wait3A_976 = arith.constant 0 : i32
        %dma_wait3A_977 = arith.constant 0 : i32
        %dma_wait3A_978 = arith.constant 0 : i32
        %dma_wait3A_979 = tpu.memref_slice %arg7[%dma_wait3A_976, %dma_wait3A_977, %dma_wait3A_978] : memref<24x1x100xi32, #tpu.memory_space<vmem>> -> memref<24x1x100xi32, #tpu.memory_space<vmem>>
        %dma_wait3A_980 = arith.constant 0 : i32
        %dma_wait3A_981 = arith.constant 0 : i32
        %dma_wait3A_982 = tpu.memref_slice %arg3[%add3A, %mul3A_206, %dma_wait3A_980, %dma_wait3A_981] : memref<32x100x1x100xi32, #tpu.memory_space<hbm>> -> memref<1x24x1x100xi32, #tpu.memory_space<hbm>>
        %dma_wait3A_983 = tpu.memref_squeeze %dma_wait3A_982 : memref<1x24x1x100xi32, #tpu.memory_space<hbm>> -> memref<24x1x100xi32, #tpu.memory_space<hbm>>
        tpu.wait_dma2 semaphore(%run_scoped3A : memref<!tpu.dma_semaphore, #tpu.memory_space<semaphore_mem>>) src(%dma_wait3A_983 : memref<24x1x100xi32, #tpu.memory_space<hbm>>) dst(%dma_wait3A_979 : memref<24x1x100xi32, #tpu.memory_space<vmem>>)
        tpu.yield
      }) : () -> ()
      %dma_start3A_207 = arith.constant 0 : i32
      %dma_start3A_208 = arith.constant 0 : i32
      %dma_start3A_209 = arith.constant 0 : i32
      %dma_start3A_210 = tpu.memref_slice %arg6[%dma_start3A_207, %dma_start3A_208, %dma_start3A_209] : memref<24x1x100xi32, #tpu.memory_space<vmem>> -> memref<1x1x100xi32, #tpu.memory_space<vmem>>
      %dma_start3A_211 = tpu.memref_squeeze %dma_start3A_210 : memref<1x1x100xi32, #tpu.memory_space<vmem>> -> memref<100xi32, #tpu.memory_space<vmem>>
      %dma_start3A_212 = arith.constant 0 : i32
      %dma_start3A_213 = arith.constant 0 : i32
      %dma_start3A_214 = tpu.memref_slice %arg4[%dma_start3A_212, %dma_start3A_213] : memref<10000x128xf32, #tpu.memory_space<hbm>> -> memref<10000x128xf32, #tpu.memory_space<hbm>>
      tpu.enqueue_indirect_dma source(%dma_start3A_214 : memref<10000x128xf32, #tpu.memory_space<hbm>>) target(%arg8 : memref<100x128xf32, #tpu.memory_space<vmem>>) offsets(%dma_start3A_211 : memref<100xi32, #tpu.memory_space<vmem>>) semaphore(%arg12 : memref<!tpu.dma_semaphore, #tpu.memory_space<semaphore_mem>>)
      %dma_start3A_215 = arith.constant 1 : i32
      %dma_start3A_216 = arith.constant 0 : i32
      %dma_start3A_217 = arith.constant 0 : i32
      %dma_start3A_218 = tpu.memref_slice %arg6[%dma_start3A_215, %dma_start3A_216, %dma_start3A_217] : memref<24x1x100xi32, #tpu.memory_space<vmem>> -> memref<1x1x100xi32, #tpu.memory_space<vmem>>
      %dma_start3A_219 = tpu.memref_squeeze %dma_start3A_218 : memref<1x1x100xi32, #tpu.memory_space<vmem>> -> memref<100xi32, #tpu.memory_space<vmem>>
      %dma_start3A_220 = arith.constant 0 : i32
      %dma_start3A_221 = arith.constant 0 : i32
      %dma_start3A_222 = tpu.memref_slice %arg4[%dma_start3A_220, %dma_start3A_221] : memref<10000x128xf32, #tpu.memory_space<hbm>> -> memref<10000x128xf32, #tpu.memory_space<hbm>>
      tpu.enqueue_indirect_dma source(%dma_start3A_222 : memref<10000x128xf32, #tpu.memory_space<hbm>>) target(%arg9 : memref<100x128xf32, #tpu.memory_space<vmem>>) offsets(%dma_start3A_219 : memref<100xi32, #tpu.memory_space<vmem>>) semaphore(%arg13 : memref<!tpu.dma_semaphore, #tpu.memory_space<semaphore_mem>>)
      %dma_wait3A_223 = arith.constant 0 : i32
      %dma_wait3A_224 = arith.constant 0 : i32
      %dma_wait3A_225 = arith.constant 0 : i32
      %dma_wait3A_226 = tpu.memref_slice %arg6[%dma_wait3A_223, %dma_wait3A_224, %dma_wait3A_225] : memref<24x1x100xi32, #tpu.memory_space<vmem>> -> memref<1x1x100xi32, #tpu.memory_space<vmem>>
      %dma_wait3A_227 = tpu.memref_squeeze %dma_wait3A_226 : memref<1x1x100xi32, #tpu.memory_space<vmem>> -> memref<100xi32, #tpu.memory_space<vmem>>
      %dma_wait3A_228 = arith.constant 0 : i32
      %dma_wait3A_229 = arith.constant 0 : i32
      %dma_wait3A_230 = tpu.memref_slice %arg4[%dma_wait3A_228, %dma_wait3A_229] : memref<10000x128xf32, #tpu.memory_space<hbm>> -> memref<10000x128xf32, #tpu.memory_space<hbm>>
      tpu.wait_indirect_dma semaphore(%arg12 : memref<!tpu.dma_semaphore, #tpu.memory_space<semaphore_mem>>) src(%dma_wait3A_230 : memref<10000x128xf32, #tpu.memory_space<hbm>>) dst(%arg8 : memref<100x128xf32, #tpu.memory_space<vmem>>)
      %dma_start3A_231 = arith.constant 0 : i32
      %dma_start3A_232 = arith.constant 0 : i32
      %dma_start3A_233 = arith.constant 0 : i32
      %dma_start3A_234 = tpu.memref_slice %arg7[%dma_start3A_231, %dma_start3A_232, %dma_start3A_233] : memref<24x1x100xi32, #tpu.memory_space<vmem>> -> memref<1x1x100xi32, #tpu.memory_space<vmem>>
      %dma_start3A_235 = tpu.memref_squeeze %dma_start3A_234 : memref<1x1x100xi32, #tpu.memory_space<vmem>> -> memref<100xi32, #tpu.memory_space<vmem>>
      %dma_start3A_236 = arith.constant 0 : i32
      %dma_start3A_237 = arith.constant 0 : i32
      %dma_start3A_238 = tpu.memref_slice %arg11[%dma_start3A_236, %dma_start3A_237] : memref<10112x128xf32, #tpu.memory_space<vmem_shared>> -> memref<10112x128xf32, #tpu.memory_space<vmem_shared>>
      tpu.enqueue_indirect_dma source(%arg8 : memref<100x128xf32, #tpu.memory_space<vmem>>) target(%dma_start3A_238 : memref<10112x128xf32, #tpu.memory_space<vmem_shared>>) offsets(%dma_start3A_235 : memref<100xi32, #tpu.memory_space<vmem>>) semaphore(%arg15 : memref<!tpu.dma_semaphore, #tpu.memory_space<semaphore_mem>>) {add = true}
      %dma_start3A_239 = arith.constant 2 : i32
      %dma_start3A_240 = arith.constant 0 : i32
      %dma_start3A_241 = arith.constant 0 : i32
      %dma_start3A_242 = tpu.memref_slice %arg6[%dma_start3A_239, %dma_start3A_240, %dma_start3A_241] : memref<24x1x100xi32, #tpu.memory_space<vmem>> -> memref<1x1x100xi32, #tpu.memory_space<vmem>>
      %dma_start3A_243 = tpu.memref_squeeze %dma_start3A_242 : memref<1x1x100xi32, #tpu.memory_space<vmem>> -> memref<100xi32, #tpu.memory_space<vmem>>
      %dma_start3A_244 = arith.constant 0 : i32
      %dma_start3A_245 = arith.constant 0 : i32
      %dma_start3A_246 = tpu.memref_slice %arg4[%dma_start3A_244, %dma_start3A_245] : memref<10000x128xf32, #tpu.memory_space<hbm>> -> memref<10000x128xf32, #tpu.memory_space<hbm>>
      tpu.enqueue_indirect_dma source(%dma_start3A_246 : memref<10000x128xf32, #tpu.memory_space<hbm>>) target(%arg10 : memref<100x128xf32, #tpu.memory_space<vmem>>) offsets(%dma_start3A_243 : memref<100xi32, #tpu.memory_space<vmem>>) semaphore(%arg14 : memref<!tpu.dma_semaphore, #tpu.memory_space<semaphore_mem>>)
      %dma_wait3A_247 = arith.constant 1 : i32
      %dma_wait3A_248 = arith.constant 0 : i32
      %dma_wait3A_249 = arith.constant 0 : i32
      %dma_wait3A_250 = tpu.memref_slice %arg6[%dma_wait3A_247, %dma_wait3A_248, %dma_wait3A_249] : memref<24x1x100xi32, #tpu.memory_space<vmem>> -> memref<1x1x100xi32, #tpu.memory_space<vmem>>
      %dma_wait3A_251 = tpu.memref_squeeze %dma_wait3A_250 : memref<1x1x100xi32, #tpu.memory_space<vmem>> -> memref<100xi32, #tpu.memory_space<vmem>>
      %dma_wait3A_252 = arith.constant 0 : i32
      %dma_wait3A_253 = arith.constant 0 : i32
      %dma_wait3A_254 = tpu.memref_slice %arg4[%dma_wait3A_252, %dma_wait3A_253] : memref<10000x128xf32, #tpu.memory_space<hbm>> -> memref<10000x128xf32, #tpu.memory_space<hbm>>
      tpu.wait_indirect_dma semaphore(%arg13 : memref<!tpu.dma_semaphore, #tpu.memory_space<semaphore_mem>>) src(%dma_wait3A_254 : memref<10000x128xf32, #tpu.memory_space<hbm>>) dst(%arg9 : memref<100x128xf32, #tpu.memory_space<vmem>>)
      %dma_start3A_255 = arith.constant 1 : i32
      %dma_start3A_256 = arith.constant 0 : i32
      %dma_start3A_257 = arith.constant 0 : i32
      %dma_start3A_258 = tpu.memref_slice %arg7[%dma_start3A_255, %dma_start3A_256, %dma_start3A_257] : memref<24x1x100xi32, #tpu.memory_space<vmem>> -> memref<1x1x100xi32, #tpu.memory_space<vmem>>
      %dma_start3A_259 = tpu.memref_squeeze %dma_start3A_258 : memref<1x1x100xi32, #tpu.memory_space<vmem>> -> memref<100xi32, #tpu.memory_space<vmem>>
      %dma_start3A_260 = arith.constant 0 : i32
      %dma_start3A_261 = arith.constant 0 : i32
      %dma_start3A_262 = tpu.memref_slice %arg11[%dma_start3A_260, %dma_start3A_261] : memref<10112x128xf32, #tpu.memory_space<vmem_shared>> -> memref<10112x128xf32, #tpu.memory_space<vmem_shared>>
      tpu.enqueue_indirect_dma source(%arg9 : memref<100x128xf32, #tpu.memory_space<vmem>>) target(%dma_start3A_262 : memref<10112x128xf32, #tpu.memory_space<vmem_shared>>) offsets(%dma_start3A_259 : memref<100xi32, #tpu.memory_space<vmem>>) semaphore(%arg16 : memref<!tpu.dma_semaphore, #tpu.memory_space<semaphore_mem>>) {add = true}
      %dma_wait3A_263 = arith.constant 0 : i32
      %dma_wait3A_264 = arith.constant 0 : i32
      %dma_wait3A_265 = arith.constant 0 : i32
      %dma_wait3A_266 = tpu.memref_slice %arg7[%dma_wait3A_263, %dma_wait3A_264, %dma_wait3A_265] : memref<24x1x100xi32, #tpu.memory_space<vmem>> -> memref<1x1x100xi32, #tpu.memory_space<vmem>>
      %dma_wait3A_267 = tpu.memref_squeeze %dma_wait3A_266 : memref<1x1x100xi32, #tpu.memory_space<vmem>> -> memref<100xi32, #tpu.memory_space<vmem>>
      %dma_wait3A_268 = arith.constant 0 : i32
      %dma_wait3A_269 = arith.constant 0 : i32
      %dma_wait3A_270 = tpu.memref_slice %arg11[%dma_wait3A_268, %dma_wait3A_269] : memref<10112x128xf32, #tpu.memory_space<vmem_shared>> -> memref<10112x128xf32, #tpu.memory_space<vmem_shared>>
      tpu.wait_indirect_dma semaphore(%arg15 : memref<!tpu.dma_semaphore, #tpu.memory_space<semaphore_mem>>) src(%arg8 : memref<100x128xf32, #tpu.memory_space<vmem>>) dst(%dma_wait3A_270 : memref<10112x128xf32, #tpu.memory_space<vmem_shared>>)
      %dma_start3A_271 = arith.constant 3 : i32
      %dma_start3A_272 = arith.constant 0 : i32
      %dma_start3A_273 = arith.constant 0 : i32
      %dma_start3A_274 = tpu.memref_slice %arg6[%dma_start3A_271, %dma_start3A_272, %dma_start3A_273] : memref<24x1x100xi32, #tpu.memory_space<vmem>> -> memref<1x1x100xi32, #tpu.memory_space<vmem>>
      %dma_start3A_275 = tpu.memref_squeeze %dma_start3A_274 : memref<1x1x100xi32, #tpu.memory_space<vmem>> -> memref<100xi32, #tpu.memory_space<vmem>>
      %dma_start3A_276 = arith.constant 0 : i32
      %dma_start3A_277 = arith.constant 0 : i32
      %dma_start3A_278 = tpu.memref_slice %arg4[%dma_start3A_276, %dma_start3A_277] : memref<10000x128xf32, #tpu.memory_space<hbm>> -> memref<10000x128xf32, #tpu.memory_space<hbm>>
      tpu.enqueue_indirect_dma source(%dma_start3A_278 : memref<10000x128xf32, #tpu.memory_space<hbm>>) target(%arg8 : memref<100x128xf32, #tpu.memory_space<vmem>>) offsets(%dma_start3A_275 : memref<100xi32, #tpu.memory_space<vmem>>) semaphore(%arg12 : memref<!tpu.dma_semaphore, #tpu.memory_space<semaphore_mem>>)
      %dma_wait3A_279 = arith.constant 2 : i32
      %dma_wait3A_280 = arith.constant 0 : i32
      %dma_wait3A_281 = arith.constant 0 : i32
      %dma_wait3A_282 = tpu.memref_slice %arg6[%dma_wait3A_279, %dma_wait3A_280, %dma_wait3A_281] : memref<24x1x100xi32, #tpu.memory_space<vmem>> -> memref<1x1x100xi32, #tpu.memory_space<vmem>>
      %dma_wait3A_283 = tpu.memref_squeeze %dma_wait3A_282 : memref<1x1x100xi32, #tpu.memory_space<vmem>> -> memref<100xi32, #tpu.memory_space<vmem>>
      %dma_wait3A_284 = arith.constant 0 : i32
      %dma_wait3A_285 = arith.constant 0 : i32
      %dma_wait3A_286 = tpu.memref_slice %arg4[%dma_wait3A_284, %dma_wait3A_285] : memref<10000x128xf32, #tpu.memory_space<hbm>> -> memref<10000x128xf32, #tpu.memory_space<hbm>>
      tpu.wait_indirect_dma semaphore(%arg14 : memref<!tpu.dma_semaphore, #tpu.memory_space<semaphore_mem>>) src(%dma_wait3A_286 : memref<10000x128xf32, #tpu.memory_space<hbm>>) dst(%arg10 : memref<100x128xf32, #tpu.memory_space<vmem>>)
      %dma_start3A_287 = arith.constant 2 : i32
      %dma_start3A_288 = arith.constant 0 : i32
      %dma_start3A_289 = arith.constant 0 : i32
      %dma_start3A_290 = tpu.memref_slice %arg7[%dma_start3A_287, %dma_start3A_288, %dma_start3A_289] : memref<24x1x100xi32, #tpu.memory_space<vmem>> -> memref<1x1x100xi32, #tpu.memory_space<vmem>>
      %dma_start3A_291 = tpu.memref_squeeze %dma_start3A_290 : memref<1x1x100xi32, #tpu.memory_space<vmem>> -> memref<100xi32, #tpu.memory_space<vmem>>
      %dma_start3A_292 = arith.constant 0 : i32
      %dma_start3A_293 = arith.constant 0 : i32
      %dma_start3A_294 = tpu.memref_slice %arg11[%dma_start3A_292, %dma_start3A_293] : memref<10112x128xf32, #tpu.memory_space<vmem_shared>> -> memref<10112x128xf32, #tpu.memory_space<vmem_shared>>
      tpu.enqueue_indirect_dma source(%arg10 : memref<100x128xf32, #tpu.memory_space<vmem>>) target(%dma_start3A_294 : memref<10112x128xf32, #tpu.memory_space<vmem_shared>>) offsets(%dma_start3A_291 : memref<100xi32, #tpu.memory_space<vmem>>) semaphore(%arg17 : memref<!tpu.dma_semaphore, #tpu.memory_space<semaphore_mem>>) {add = true}
      %dma_wait3A_295 = arith.constant 0 : i32
      %dma_wait3A_296 = arith.constant 0 : i32
      %dma_wait3A_297 = arith.constant 0 : i32
      %dma_wait3A_298 = tpu.memref_slice %arg7[%dma_wait3A_295, %dma_wait3A_296, %dma_wait3A_297] : memref<24x1x100xi32, #tpu.memory_space<vmem>> -> memref<1x1x100xi32, #tpu.memory_space<vmem>>
      %dma_wait3A_299 = tpu.memref_squeeze %dma_wait3A_298 : memref<1x1x100xi32, #tpu.memory_space<vmem>> -> memref<100xi32, #tpu.memory_space<vmem>>
      %dma_wait3A_300 = arith.constant 0 : i32
      %dma_wait3A_301 = arith.constant 0 : i32
      %dma_wait3A_302 = tpu.memref_slice %arg11[%dma_wait3A_300, %dma_wait3A_301] : memref<10112x128xf32, #tpu.memory_space<vmem_shared>> -> memref<10112x128xf32, #tpu.memory_space<vmem_shared>>
      tpu.wait_indirect_dma semaphore(%arg16 : memref<!tpu.dma_semaphore, #tpu.memory_space<semaphore_mem>>) src(%arg9 : memref<100x128xf32, #tpu.memory_space<vmem>>) dst(%dma_wait3A_302 : memref<10112x128xf32, #tpu.memory_space<vmem_shared>>)
      %dma_start3A_303 = arith.constant 4 : i32
      %dma_start3A_304 = arith.constant 0 : i32
      %dma_start3A_305 = arith.constant 0 : i32
      %dma_start3A_306 = tpu.memref_slice %arg6[%dma_start3A_303, %dma_start3A_304, %dma_start3A_305] : memref<24x1x100xi32, #tpu.memory_space<vmem>> -> memref<1x1x100xi32, #tpu.memory_space<vmem>>
      %dma_start3A_307 = tpu.memref_squeeze %dma_start3A_306 : memref<1x1x100xi32, #tpu.memory_space<vmem>> -> memref<100xi32, #tpu.memory_space<vmem>>
      %dma_start3A_308 = arith.constant 0 : i32
      %dma_start3A_309 = arith.constant 0 : i32
      %dma_start3A_310 = tpu.memref_slice %arg4[%dma_start3A_308, %dma_start3A_309] : memref<10000x128xf32, #tpu.memory_space<hbm>> -> memref<10000x128xf32, #tpu.memory_space<hbm>>
      tpu.enqueue_indirect_dma source(%dma_start3A_310 : memref<10000x128xf32, #tpu.memory_space<hbm>>) target(%arg9 : memref<100x128xf32, #tpu.memory_space<vmem>>) offsets(%dma_start3A_307 : memref<100xi32, #tpu.memory_space<vmem>>) semaphore(%arg13 : memref<!tpu.dma_semaphore, #tpu.memory_space<semaphore_mem>>)
      %dma_wait3A_311 = arith.constant 3 : i32
      %dma_wait3A_312 = arith.constant 0 : i32
      %dma_wait3A_313 = arith.constant 0 : i32
      %dma_wait3A_314 = tpu.memref_slice %arg6[%dma_wait3A_311, %dma_wait3A_312, %dma_wait3A_313] : memref<24x1x100xi32, #tpu.memory_space<vmem>> -> memref<1x1x100xi32, #tpu.memory_space<vmem>>
      %dma_wait3A_315 = tpu.memref_squeeze %dma_wait3A_314 : memref<1x1x100xi32, #tpu.memory_space<vmem>> -> memref<100xi32, #tpu.memory_space<vmem>>
      %dma_wait3A_316 = arith.constant 0 : i32
      %dma_wait3A_317 = arith.constant 0 : i32
      %dma_wait3A_318 = tpu.memref_slice %arg4[%dma_wait3A_316, %dma_wait3A_317] : memref<10000x128xf32, #tpu.memory_space<hbm>> -> memref<10000x128xf32, #tpu.memory_space<hbm>>
      tpu.wait_indirect_dma semaphore(%arg12 : memref<!tpu.dma_semaphore, #tpu.memory_space<semaphore_mem>>) src(%dma_wait3A_318 : memref<10000x128xf32, #tpu.memory_space<hbm>>) dst(%arg8 : memref<100x128xf32, #tpu.memory_space<vmem>>)
      %dma_start3A_319 = arith.constant 3 : i32
      %dma_start3A_320 = arith.constant 0 : i32
      %dma_start3A_321 = arith.constant 0 : i32
      %dma_start3A_322 = tpu.memref_slice %arg7[%dma_start3A_319, %dma_start3A_320, %dma_start3A_321] : memref<24x1x100xi32, #tpu.memory_space<vmem>> -> memref<1x1x100xi32, #tpu.memory_space<vmem>>
      %dma_start3A_323 = tpu.memref_squeeze %dma_start3A_322 : memref<1x1x100xi32, #tpu.memory_space<vmem>> -> memref<100xi32, #tpu.memory_space<vmem>>
      %dma_start3A_324 = arith.constant 0 : i32
      %dma_start3A_325 = arith.constant 0 : i32
      %dma_start3A_326 = tpu.memref_slice %arg11[%dma_start3A_324, %dma_start3A_325] : memref<10112x128xf32, #tpu.memory_space<vmem_shared>> -> memref<10112x128xf32, #tpu.memory_space<vmem_shared>>
      tpu.enqueue_indirect_dma source(%arg8 : memref<100x128xf32, #tpu.memory_space<vmem>>) target(%dma_start3A_326 : memref<10112x128xf32, #tpu.memory_space<vmem_shared>>) offsets(%dma_start3A_323 : memref<100xi32, #tpu.memory_space<vmem>>) semaphore(%arg15 : memref<!tpu.dma_semaphore, #tpu.memory_space<semaphore_mem>>) {add = true}
      %dma_wait3A_327 = arith.constant 0 : i32
      %dma_wait3A_328 = arith.constant 0 : i32
      %dma_wait3A_329 = arith.constant 0 : i32
      %dma_wait3A_330 = tpu.memref_slice %arg7[%dma_wait3A_327, %dma_wait3A_328, %dma_wait3A_329] : memref<24x1x100xi32, #tpu.memory_space<vmem>> -> memref<1x1x100xi32, #tpu.memory_space<vmem>>
      %dma_wait3A_331 = tpu.memref_squeeze %dma_wait3A_330 : memref<1x1x100xi32, #tpu.memory_space<vmem>> -> memref<100xi32, #tpu.memory_space<vmem>>
      %dma_wait3A_332 = arith.constant 0 : i32
      %dma_wait3A_333 = arith.constant 0 : i32
      %dma_wait3A_334 = tpu.memref_slice %arg11[%dma_wait3A_332, %dma_wait3A_333] : memref<10112x128xf32, #tpu.memory_space<vmem_shared>> -> memref<10112x128xf32, #tpu.memory_space<vmem_shared>>
      tpu.wait_indirect_dma semaphore(%arg17 : memref<!tpu.dma_semaphore, #tpu.memory_space<semaphore_mem>>) src(%arg10 : memref<100x128xf32, #tpu.memory_space<vmem>>) dst(%dma_wait3A_334 : memref<10112x128xf32, #tpu.memory_space<vmem_shared>>)
      %dma_start3A_335 = arith.constant 5 : i32
      %dma_start3A_336 = arith.constant 0 : i32
      %dma_start3A_337 = arith.constant 0 : i32
      %dma_start3A_338 = tpu.memref_slice %arg6[%dma_start3A_335, %dma_start3A_336, %dma_start3A_337] : memref<24x1x100xi32, #tpu.memory_space<vmem>> -> memref<1x1x100xi32, #tpu.memory_space<vmem>>
      %dma_start3A_339 = tpu.memref_squeeze %dma_start3A_338 : memref<1x1x100xi32, #tpu.memory_space<vmem>> -> memref<100xi32, #tpu.memory_space<vmem>>
      %dma_start3A_340 = arith.constant 0 : i32
      %dma_start3A_341 = arith.constant 0 : i32
      %dma_start3A_342 = tpu.memref_slice %arg4[%dma_start3A_340, %dma_start3A_341] : memref<10000x128xf32, #tpu.memory_space<hbm>> -> memref<10000x128xf32, #tpu.memory_space<hbm>>
      tpu.enqueue_indirect_dma source(%dma_start3A_342 : memref<10000x128xf32, #tpu.memory_space<hbm>>) target(%arg10 : memref<100x128xf32, #tpu.memory_space<vmem>>) offsets(%dma_start3A_339 : memref<100xi32, #tpu.memory_space<vmem>>) semaphore(%arg14 : memref<!tpu.dma_semaphore, #tpu.memory_space<semaphore_mem>>)
      %dma_wait3A_343 = arith.constant 4 : i32
      %dma_wait3A_344 = arith.constant 0 : i32
      %dma_wait3A_345 = arith.constant 0 : i32
      %dma_wait3A_346 = tpu.memref_slice %arg6[%dma_wait3A_343, %dma_wait3A_344, %dma_wait3A_345] : memref<24x1x100xi32, #tpu.memory_space<vmem>> -> memref<1x1x100xi32, #tpu.memory_space<vmem>>
      %dma_wait3A_347 = tpu.memref_squeeze %dma_wait3A_346 : memref<1x1x100xi32, #tpu.memory_space<vmem>> -> memref<100xi32, #tpu.memory_space<vmem>>
      %dma_wait3A_348 = arith.constant 0 : i32
      %dma_wait3A_349 = arith.constant 0 : i32
      %dma_wait3A_350 = tpu.memref_slice %arg4[%dma_wait3A_348, %dma_wait3A_349] : memref<10000x128xf32, #tpu.memory_space<hbm>> -> memref<10000x128xf32, #tpu.memory_space<hbm>>
      tpu.wait_indirect_dma semaphore(%arg13 : memref<!tpu.dma_semaphore, #tpu.memory_space<semaphore_mem>>) src(%dma_wait3A_350 : memref<10000x128xf32, #tpu.memory_space<hbm>>) dst(%arg9 : memref<100x128xf32, #tpu.memory_space<vmem>>)
      %dma_start3A_351 = arith.constant 4 : i32
      %dma_start3A_352 = arith.constant 0 : i32
      %dma_start3A_353 = arith.constant 0 : i32
      %dma_start3A_354 = tpu.memref_slice %arg7[%dma_start3A_351, %dma_start3A_352, %dma_start3A_353] : memref<24x1x100xi32, #tpu.memory_space<vmem>> -> memref<1x1x100xi32, #tpu.memory_space<vmem>>
      %dma_start3A_355 = tpu.memref_squeeze %dma_start3A_354 : memref<1x1x100xi32, #tpu.memory_space<vmem>> -> memref<100xi32, #tpu.memory_space<vmem>>
      %dma_start3A_356 = arith.constant 0 : i32
      %dma_start3A_357 = arith.constant 0 : i32
      %dma_start3A_358 = tpu.memref_slice %arg11[%dma_start3A_356, %dma_start3A_357] : memref<10112x128xf32, #tpu.memory_space<vmem_shared>> -> memref<10112x128xf32, #tpu.memory_space<vmem_shared>>
      tpu.enqueue_indirect_dma source(%arg9 : memref<100x128xf32, #tpu.memory_space<vmem>>) target(%dma_start3A_358 : memref<10112x128xf32, #tpu.memory_space<vmem_shared>>) offsets(%dma_start3A_355 : memref<100xi32, #tpu.memory_space<vmem>>) semaphore(%arg16 : memref<!tpu.dma_semaphore, #tpu.memory_space<semaphore_mem>>) {add = true}
      %dma_wait3A_359 = arith.constant 0 : i32
      %dma_wait3A_360 = arith.constant 0 : i32
      %dma_wait3A_361 = arith.constant 0 : i32
      %dma_wait3A_362 = tpu.memref_slice %arg7[%dma_wait3A_359, %dma_wait3A_360, %dma_wait3A_361] : memref<24x1x100xi32, #tpu.memory_space<vmem>> -> memref<1x1x100xi32, #tpu.memory_space<vmem>>
      %dma_wait3A_363 = tpu.memref_squeeze %dma_wait3A_362 : memref<1x1x100xi32, #tpu.memory_space<vmem>> -> memref<100xi32, #tpu.memory_space<vmem>>
      %dma_wait3A_364 = arith.constant 0 : i32
      %dma_wait3A_365 = arith.constant 0 : i32
      %dma_wait3A_366 = tpu.memref_slice %arg11[%dma_wait3A_364, %dma_wait3A_365] : memref<10112x128xf32, #tpu.memory_space<vmem_shared>> -> memref<10112x128xf32, #tpu.memory_space<vmem_shared>>
      tpu.wait_indirect_dma semaphore(%arg15 : memref<!tpu.dma_semaphore, #tpu.memory_space<semaphore_mem>>) src(%arg8 : memref<100x128xf32, #tpu.memory_space<vmem>>) dst(%dma_wait3A_366 : memref<10112x128xf32, #tpu.memory_space<vmem_shared>>)
      %dma_start3A_367 = arith.constant 6 : i32
      %dma_start3A_368 = arith.constant 0 : i32
      %dma_start3A_369 = arith.constant 0 : i32
      %dma_start3A_370 = tpu.memref_slice %arg6[%dma_start3A_367, %dma_start3A_368, %dma_start3A_369] : memref<24x1x100xi32, #tpu.memory_space<vmem>> -> memref<1x1x100xi32, #tpu.memory_space<vmem>>
      %dma_start3A_371 = tpu.memref_squeeze %dma_start3A_370 : memref<1x1x100xi32, #tpu.memory_space<vmem>> -> memref<100xi32, #tpu.memory_space<vmem>>
      %dma_start3A_372 = arith.constant 0 : i32
      %dma_start3A_373 = arith.constant 0 : i32
      %dma_start3A_374 = tpu.memref_slice %arg4[%dma_start3A_372, %dma_start3A_373] : memref<10000x128xf32, #tpu.memory_space<hbm>> -> memref<10000x128xf32, #tpu.memory_space<hbm>>
      tpu.enqueue_indirect_dma source(%dma_start3A_374 : memref<10000x128xf32, #tpu.memory_space<hbm>>) target(%arg8 : memref<100x128xf32, #tpu.memory_space<vmem>>) offsets(%dma_start3A_371 : memref<100xi32, #tpu.memory_space<vmem>>) semaphore(%arg12 : memref<!tpu.dma_semaphore, #tpu.memory_space<semaphore_mem>>)
      %dma_wait3A_375 = arith.constant 5 : i32
      %dma_wait3A_376 = arith.constant 0 : i32
      %dma_wait3A_377 = arith.constant 0 : i32
      %dma_wait3A_378 = tpu.memref_slice %arg6[%dma_wait3A_375, %dma_wait3A_376, %dma_wait3A_377] : memref<24x1x100xi32, #tpu.memory_space<vmem>> -> memref<1x1x100xi32, #tpu.memory_space<vmem>>
      %dma_wait3A_379 = tpu.memref_squeeze %dma_wait3A_378 : memref<1x1x100xi32, #tpu.memory_space<vmem>> -> memref<100xi32, #tpu.memory_space<vmem>>
      %dma_wait3A_380 = arith.constant 0 : i32
      %dma_wait3A_381 = arith.constant 0 : i32
      %dma_wait3A_382 = tpu.memref_slice %arg4[%dma_wait3A_380, %dma_wait3A_381] : memref<10000x128xf32, #tpu.memory_space<hbm>> -> memref<10000x128xf32, #tpu.memory_space<hbm>>
      tpu.wait_indirect_dma semaphore(%arg14 : memref<!tpu.dma_semaphore, #tpu.memory_space<semaphore_mem>>) src(%dma_wait3A_382 : memref<10000x128xf32, #tpu.memory_space<hbm>>) dst(%arg10 : memref<100x128xf32, #tpu.memory_space<vmem>>)
      %dma_start3A_383 = arith.constant 5 : i32
      %dma_start3A_384 = arith.constant 0 : i32
      %dma_start3A_385 = arith.constant 0 : i32
      %dma_start3A_386 = tpu.memref_slice %arg7[%dma_start3A_383, %dma_start3A_384, %dma_start3A_385] : memref<24x1x100xi32, #tpu.memory_space<vmem>> -> memref<1x1x100xi32, #tpu.memory_space<vmem>>
      %dma_start3A_387 = tpu.memref_squeeze %dma_start3A_386 : memref<1x1x100xi32, #tpu.memory_space<vmem>> -> memref<100xi32, #tpu.memory_space<vmem>>
      %dma_start3A_388 = arith.constant 0 : i32
      %dma_start3A_389 = arith.constant 0 : i32
      %dma_start3A_390 = tpu.memref_slice %arg11[%dma_start3A_388, %dma_start3A_389] : memref<10112x128xf32, #tpu.memory_space<vmem_shared>> -> memref<10112x128xf32, #tpu.memory_space<vmem_shared>>
      tpu.enqueue_indirect_dma source(%arg10 : memref<100x128xf32, #tpu.memory_space<vmem>>) target(%dma_start3A_390 : memref<10112x128xf32, #tpu.memory_space<vmem_shared>>) offsets(%dma_start3A_387 : memref<100xi32, #tpu.memory_space<vmem>>) semaphore(%arg17 : memref<!tpu.dma_semaphore, #tpu.memory_space<semaphore_mem>>) {add = true}
      %dma_wait3A_391 = arith.constant 0 : i32
      %dma_wait3A_392 = arith.constant 0 : i32
      %dma_wait3A_393 = arith.constant 0 : i32
      %dma_wait3A_394 = tpu.memref_slice %arg7[%dma_wait3A_391, %dma_wait3A_392, %dma_wait3A_393] : memref<24x1x100xi32, #tpu.memory_space<vmem>> -> memref<1x1x100xi32, #tpu.memory_space<vmem>>
      %dma_wait3A_395 = tpu.memref_squeeze %dma_wait3A_394 : memref<1x1x100xi32, #tpu.memory_space<vmem>> -> memref<100xi32, #tpu.memory_space<vmem>>
      %dma_wait3A_396 = arith.constant 0 : i32
      %dma_wait3A_397 = arith.constant 0 : i32
      %dma_wait3A_398 = tpu.memref_slice %arg11[%dma_wait3A_396, %dma_wait3A_397] : memref<10112x128xf32, #tpu.memory_space<vmem_shared>> -> memref<10112x128xf32, #tpu.memory_space<vmem_shared>>
      tpu.wait_indirect_dma semaphore(%arg16 : memref<!tpu.dma_semaphore, #tpu.memory_space<semaphore_mem>>) src(%arg9 : memref<100x128xf32, #tpu.memory_space<vmem>>) dst(%dma_wait3A_398 : memref<10112x128xf32, #tpu.memory_space<vmem_shared>>)
      %dma_start3A_399 = arith.constant 7 : i32
      %dma_start3A_400 = arith.constant 0 : i32
      %dma_start3A_401 = arith.constant 0 : i32
      %dma_start3A_402 = tpu.memref_slice %arg6[%dma_start3A_399, %dma_start3A_400, %dma_start3A_401] : memref<24x1x100xi32, #tpu.memory_space<vmem>> -> memref<1x1x100xi32, #tpu.memory_space<vmem>>
      %dma_start3A_403 = tpu.memref_squeeze %dma_start3A_402 : memref<1x1x100xi32, #tpu.memory_space<vmem>> -> memref<100xi32, #tpu.memory_space<vmem>>
      %dma_start3A_404 = arith.constant 0 : i32
      %dma_start3A_405 = arith.constant 0 : i32
      %dma_start3A_406 = tpu.memref_slice %arg4[%dma_start3A_404, %dma_start3A_405] : memref<10000x128xf32, #tpu.memory_space<hbm>> -> memref<10000x128xf32, #tpu.memory_space<hbm>>
      tpu.enqueue_indirect_dma source(%dma_start3A_406 : memref<10000x128xf32, #tpu.memory_space<hbm>>) target(%arg9 : memref<100x128xf32, #tpu.memory_space<vmem>>) offsets(%dma_start3A_403 : memref<100xi32, #tpu.memory_space<vmem>>) semaphore(%arg13 : memref<!tpu.dma_semaphore, #tpu.memory_space<semaphore_mem>>)
      %dma_wait3A_407 = arith.constant 6 : i32
      %dma_wait3A_408 = arith.constant 0 : i32
      %dma_wait3A_409 = arith.constant 0 : i32
      %dma_wait3A_410 = tpu.memref_slice %arg6[%dma_wait3A_407, %dma_wait3A_408, %dma_wait3A_409] : memref<24x1x100xi32, #tpu.memory_space<vmem>> -> memref<1x1x100xi32, #tpu.memory_space<vmem>>
      %dma_wait3A_411 = tpu.memref_squeeze %dma_wait3A_410 : memref<1x1x100xi32, #tpu.memory_space<vmem>> -> memref<100xi32, #tpu.memory_space<vmem>>
      %dma_wait3A_412 = arith.constant 0 : i32
      %dma_wait3A_413 = arith.constant 0 : i32
      %dma_wait3A_414 = tpu.memref_slice %arg4[%dma_wait3A_412, %dma_wait3A_413] : memref<10000x128xf32, #tpu.memory_space<hbm>> -> memref<10000x128xf32, #tpu.memory_space<hbm>>
      tpu.wait_indirect_dma semaphore(%arg12 : memref<!tpu.dma_semaphore, #tpu.memory_space<semaphore_mem>>) src(%dma_wait3A_414 : memref<10000x128xf32, #tpu.memory_space<hbm>>) dst(%arg8 : memref<100x128xf32, #tpu.memory_space<vmem>>)
      %dma_start3A_415 = arith.constant 6 : i32
      %dma_start3A_416 = arith.constant 0 : i32
      %dma_start3A_417 = arith.constant 0 : i32
      %dma_start3A_418 = tpu.memref_slice %arg7[%dma_start3A_415, %dma_start3A_416, %dma_start3A_417] : memref<24x1x100xi32, #tpu.memory_space<vmem>> -> memref<1x1x100xi32, #tpu.memory_space<vmem>>
      %dma_start3A_419 = tpu.memref_squeeze %dma_start3A_418 : memref<1x1x100xi32, #tpu.memory_space<vmem>> -> memref<100xi32, #tpu.memory_space<vmem>>
      %dma_start3A_420 = arith.constant 0 : i32
      %dma_start3A_421 = arith.constant 0 : i32
      %dma_start3A_422 = tpu.memref_slice %arg11[%dma_start3A_420, %dma_start3A_421] : memref<10112x128xf32, #tpu.memory_space<vmem_shared>> -> memref<10112x128xf32, #tpu.memory_space<vmem_shared>>
      tpu.enqueue_indirect_dma source(%arg8 : memref<100x128xf32, #tpu.memory_space<vmem>>) target(%dma_start3A_422 : memref<10112x128xf32, #tpu.memory_space<vmem_shared>>) offsets(%dma_start3A_419 : memref<100xi32, #tpu.memory_space<vmem>>) semaphore(%arg15 : memref<!tpu.dma_semaphore, #tpu.memory_space<semaphore_mem>>) {add = true}
      %dma_wait3A_423 = arith.constant 0 : i32
      %dma_wait3A_424 = arith.constant 0 : i32
      %dma_wait3A_425 = arith.constant 0 : i32
      %dma_wait3A_426 = tpu.memref_slice %arg7[%dma_wait3A_423, %dma_wait3A_424, %dma_wait3A_425] : memref<24x1x100xi32, #tpu.memory_space<vmem>> -> memref<1x1x100xi32, #tpu.memory_space<vmem>>
      %dma_wait3A_427 = tpu.memref_squeeze %dma_wait3A_426 : memref<1x1x100xi32, #tpu.memory_space<vmem>> -> memref<100xi32, #tpu.memory_space<vmem>>
      %dma_wait3A_428 = arith.constant 0 : i32
      %dma_wait3A_429 = arith.constant 0 : i32
      %dma_wait3A_430 = tpu.memref_slice %arg11[%dma_wait3A_428, %dma_wait3A_429] : memref<10112x128xf32, #tpu.memory_space<vmem_shared>> -> memref<10112x128xf32, #tpu.memory_space<vmem_shared>>
      tpu.wait_indirect_dma semaphore(%arg17 : memref<!tpu.dma_semaphore, #tpu.memory_space<semaphore_mem>>) src(%arg10 : memref<100x128xf32, #tpu.memory_space<vmem>>) dst(%dma_wait3A_430 : memref<10112x128xf32, #tpu.memory_space<vmem_shared>>)
      %dma_start3A_431 = arith.constant 8 : i32
      %dma_start3A_432 = arith.constant 0 : i32
      %dma_start3A_433 = arith.constant 0 : i32
      %dma_start3A_434 = tpu.memref_slice %arg6[%dma_start3A_431, %dma_start3A_432, %dma_start3A_433] : memref<24x1x100xi32, #tpu.memory_space<vmem>> -> memref<1x1x100xi32, #tpu.memory_space<vmem>>
      %dma_start3A_435 = tpu.memref_squeeze %dma_start3A_434 : memref<1x1x100xi32, #tpu.memory_space<vmem>> -> memref<100xi32, #tpu.memory_space<vmem>>
      %dma_start3A_436 = arith.constant 0 : i32
      %dma_start3A_437 = arith.constant 0 : i32
      %dma_start3A_438 = tpu.memref_slice %arg4[%dma_start3A_436, %dma_start3A_437] : memref<10000x128xf32, #tpu.memory_space<hbm>> -> memref<10000x128xf32, #tpu.memory_space<hbm>>
      tpu.enqueue_indirect_dma source(%dma_start3A_438 : memref<10000x128xf32, #tpu.memory_space<hbm>>) target(%arg10 : memref<100x128xf32, #tpu.memory_space<vmem>>) offsets(%dma_start3A_435 : memref<100xi32, #tpu.memory_space<vmem>>) semaphore(%arg14 : memref<!tpu.dma_semaphore, #tpu.memory_space<semaphore_mem>>)
      %dma_wait3A_439 = arith.constant 7 : i32
      %dma_wait3A_440 = arith.constant 0 : i32
      %dma_wait3A_441 = arith.constant 0 : i32
      %dma_wait3A_442 = tpu.memref_slice %arg6[%dma_wait3A_439, %dma_wait3A_440, %dma_wait3A_441] : memref<24x1x100xi32, #tpu.memory_space<vmem>> -> memref<1x1x100xi32, #tpu.memory_space<vmem>>
      %dma_wait3A_443 = tpu.memref_squeeze %dma_wait3A_442 : memref<1x1x100xi32, #tpu.memory_space<vmem>> -> memref<100xi32, #tpu.memory_space<vmem>>
      %dma_wait3A_444 = arith.constant 0 : i32
      %dma_wait3A_445 = arith.constant 0 : i32
      %dma_wait3A_446 = tpu.memref_slice %arg4[%dma_wait3A_444, %dma_wait3A_445] : memref<10000x128xf32, #tpu.memory_space<hbm>> -> memref<10000x128xf32, #tpu.memory_space<hbm>>
      tpu.wait_indirect_dma semaphore(%arg13 : memref<!tpu.dma_semaphore, #tpu.memory_space<semaphore_mem>>) src(%dma_wait3A_446 : memref<10000x128xf32, #tpu.memory_space<hbm>>) dst(%arg9 : memref<100x128xf32, #tpu.memory_space<vmem>>)
      %dma_start3A_447 = arith.constant 7 : i32
      %dma_start3A_448 = arith.constant 0 : i32
      %dma_start3A_449 = arith.constant 0 : i32
      %dma_start3A_450 = tpu.memref_slice %arg7[%dma_start3A_447, %dma_start3A_448, %dma_start3A_449] : memref<24x1x100xi32, #tpu.memory_space<vmem>> -> memref<1x1x100xi32, #tpu.memory_space<vmem>>
      %dma_start3A_451 = tpu.memref_squeeze %dma_start3A_450 : memref<1x1x100xi32, #tpu.memory_space<vmem>> -> memref<100xi32, #tpu.memory_space<vmem>>
      %dma_start3A_452 = arith.constant 0 : i32
      %dma_start3A_453 = arith.constant 0 : i32
      %dma_start3A_454 = tpu.memref_slice %arg11[%dma_start3A_452, %dma_start3A_453] : memref<10112x128xf32, #tpu.memory_space<vmem_shared>> -> memref<10112x128xf32, #tpu.memory_space<vmem_shared>>
      tpu.enqueue_indirect_dma source(%arg9 : memref<100x128xf32, #tpu.memory_space<vmem>>) target(%dma_start3A_454 : memref<10112x128xf32, #tpu.memory_space<vmem_shared>>) offsets(%dma_start3A_451 : memref<100xi32, #tpu.memory_space<vmem>>) semaphore(%arg16 : memref<!tpu.dma_semaphore, #tpu.memory_space<semaphore_mem>>) {add = true}
      %dma_wait3A_455 = arith.constant 0 : i32
      %dma_wait3A_456 = arith.constant 0 : i32
      %dma_wait3A_457 = arith.constant 0 : i32
      %dma_wait3A_458 = tpu.memref_slice %arg7[%dma_wait3A_455, %dma_wait3A_456, %dma_wait3A_457] : memref<24x1x100xi32, #tpu.memory_space<vmem>> -> memref<1x1x100xi32, #tpu.memory_space<vmem>>
      %dma_wait3A_459 = tpu.memref_squeeze %dma_wait3A_458 : memref<1x1x100xi32, #tpu.memory_space<vmem>> -> memref<100xi32, #tpu.memory_space<vmem>>
      %dma_wait3A_460 = arith.constant 0 : i32
      %dma_wait3A_461 = arith.constant 0 : i32
      %dma_wait3A_462 = tpu.memref_slice %arg11[%dma_wait3A_460, %dma_wait3A_461] : memref<10112x128xf32, #tpu.memory_space<vmem_shared>> -> memref<10112x128xf32, #tpu.memory_space<vmem_shared>>
      tpu.wait_indirect_dma semaphore(%arg15 : memref<!tpu.dma_semaphore, #tpu.memory_space<semaphore_mem>>) src(%arg8 : memref<100x128xf32, #tpu.memory_space<vmem>>) dst(%dma_wait3A_462 : memref<10112x128xf32, #tpu.memory_space<vmem_shared>>)
      %dma_start3A_463 = arith.constant 9 : i32
      %dma_start3A_464 = arith.constant 0 : i32
      %dma_start3A_465 = arith.constant 0 : i32
      %dma_start3A_466 = tpu.memref_slice %arg6[%dma_start3A_463, %dma_start3A_464, %dma_start3A_465] : memref<24x1x100xi32, #tpu.memory_space<vmem>> -> memref<1x1x100xi32, #tpu.memory_space<vmem>>
      %dma_start3A_467 = tpu.memref_squeeze %dma_start3A_466 : memref<1x1x100xi32, #tpu.memory_space<vmem>> -> memref<100xi32, #tpu.memory_space<vmem>>
      %dma_start3A_468 = arith.constant 0 : i32
      %dma_start3A_469 = arith.constant 0 : i32
      %dma_start3A_470 = tpu.memref_slice %arg4[%dma_start3A_468, %dma_start3A_469] : memref<10000x128xf32, #tpu.memory_space<hbm>> -> memref<10000x128xf32, #tpu.memory_space<hbm>>
      tpu.enqueue_indirect_dma source(%dma_start3A_470 : memref<10000x128xf32, #tpu.memory_space<hbm>>) target(%arg8 : memref<100x128xf32, #tpu.memory_space<vmem>>) offsets(%dma_start3A_467 : memref<100xi32, #tpu.memory_space<vmem>>) semaphore(%arg12 : memref<!tpu.dma_semaphore, #tpu.memory_space<semaphore_mem>>)
      %dma_wait3A_471 = arith.constant 8 : i32
      %dma_wait3A_472 = arith.constant 0 : i32
      %dma_wait3A_473 = arith.constant 0 : i32
      %dma_wait3A_474 = tpu.memref_slice %arg6[%dma_wait3A_471, %dma_wait3A_472, %dma_wait3A_473] : memref<24x1x100xi32, #tpu.memory_space<vmem>> -> memref<1x1x100xi32, #tpu.memory_space<vmem>>
      %dma_wait3A_475 = tpu.memref_squeeze %dma_wait3A_474 : memref<1x1x100xi32, #tpu.memory_space<vmem>> -> memref<100xi32, #tpu.memory_space<vmem>>
      %dma_wait3A_476 = arith.constant 0 : i32
      %dma_wait3A_477 = arith.constant 0 : i32
      %dma_wait3A_478 = tpu.memref_slice %arg4[%dma_wait3A_476, %dma_wait3A_477] : memref<10000x128xf32, #tpu.memory_space<hbm>> -> memref<10000x128xf32, #tpu.memory_space<hbm>>
      tpu.wait_indirect_dma semaphore(%arg14 : memref<!tpu.dma_semaphore, #tpu.memory_space<semaphore_mem>>) src(%dma_wait3A_478 : memref<10000x128xf32, #tpu.memory_space<hbm>>) dst(%arg10 : memref<100x128xf32, #tpu.memory_space<vmem>>)
      %dma_start3A_479 = arith.constant 8 : i32
      %dma_start3A_480 = arith.constant 0 : i32
      %dma_start3A_481 = arith.constant 0 : i32
      %dma_start3A_482 = tpu.memref_slice %arg7[%dma_start3A_479, %dma_start3A_480, %dma_start3A_481] : memref<24x1x100xi32, #tpu.memory_space<vmem>> -> memref<1x1x100xi32, #tpu.memory_space<vmem>>
      %dma_start3A_483 = tpu.memref_squeeze %dma_start3A_482 : memref<1x1x100xi32, #tpu.memory_space<vmem>> -> memref<100xi32, #tpu.memory_space<vmem>>
      %dma_start3A_484 = arith.constant 0 : i32
      %dma_start3A_485 = arith.constant 0 : i32
      %dma_start3A_486 = tpu.memref_slice %arg11[%dma_start3A_484, %dma_start3A_485] : memref<10112x128xf32, #tpu.memory_space<vmem_shared>> -> memref<10112x128xf32, #tpu.memory_space<vmem_shared>>
      tpu.enqueue_indirect_dma source(%arg10 : memref<100x128xf32, #tpu.memory_space<vmem>>) target(%dma_start3A_486 : memref<10112x128xf32, #tpu.memory_space<vmem_shared>>) offsets(%dma_start3A_483 : memref<100xi32, #tpu.memory_space<vmem>>) semaphore(%arg17 : memref<!tpu.dma_semaphore, #tpu.memory_space<semaphore_mem>>) {add = true}
      %dma_wait3A_487 = arith.constant 0 : i32
      %dma_wait3A_488 = arith.constant 0 : i32
      %dma_wait3A_489 = arith.constant 0 : i32
      %dma_wait3A_490 = tpu.memref_slice %arg7[%dma_wait3A_487, %dma_wait3A_488, %dma_wait3A_489] : memref<24x1x100xi32, #tpu.memory_space<vmem>> -> memref<1x1x100xi32, #tpu.memory_space<vmem>>
      %dma_wait3A_491 = tpu.memref_squeeze %dma_wait3A_490 : memref<1x1x100xi32, #tpu.memory_space<vmem>> -> memref<100xi32, #tpu.memory_space<vmem>>
      %dma_wait3A_492 = arith.constant 0 : i32
      %dma_wait3A_493 = arith.constant 0 : i32
      %dma_wait3A_494 = tpu.memref_slice %arg11[%dma_wait3A_492, %dma_wait3A_493] : memref<10112x128xf32, #tpu.memory_space<vmem_shared>> -> memref<10112x128xf32, #tpu.memory_space<vmem_shared>>
      tpu.wait_indirect_dma semaphore(%arg16 : memref<!tpu.dma_semaphore, #tpu.memory_space<semaphore_mem>>) src(%arg9 : memref<100x128xf32, #tpu.memory_space<vmem>>) dst(%dma_wait3A_494 : memref<10112x128xf32, #tpu.memory_space<vmem_shared>>)
      %dma_start3A_495 = arith.constant 10 : i32
      %dma_start3A_496 = arith.constant 0 : i32
      %dma_start3A_497 = arith.constant 0 : i32
      %dma_start3A_498 = tpu.memref_slice %arg6[%dma_start3A_495, %dma_start3A_496, %dma_start3A_497] : memref<24x1x100xi32, #tpu.memory_space<vmem>> -> memref<1x1x100xi32, #tpu.memory_space<vmem>>
      %dma_start3A_499 = tpu.memref_squeeze %dma_start3A_498 : memref<1x1x100xi32, #tpu.memory_space<vmem>> -> memref<100xi32, #tpu.memory_space<vmem>>
      %dma_start3A_500 = arith.constant 0 : i32
      %dma_start3A_501 = arith.constant 0 : i32
      %dma_start3A_502 = tpu.memref_slice %arg4[%dma_start3A_500, %dma_start3A_501] : memref<10000x128xf32, #tpu.memory_space<hbm>> -> memref<10000x128xf32, #tpu.memory_space<hbm>>
      tpu.enqueue_indirect_dma source(%dma_start3A_502 : memref<10000x128xf32, #tpu.memory_space<hbm>>) target(%arg9 : memref<100x128xf32, #tpu.memory_space<vmem>>) offsets(%dma_start3A_499 : memref<100xi32, #tpu.memory_space<vmem>>) semaphore(%arg13 : memref<!tpu.dma_semaphore, #tpu.memory_space<semaphore_mem>>)
      %dma_wait3A_503 = arith.constant 9 : i32
      %dma_wait3A_504 = arith.constant 0 : i32
      %dma_wait3A_505 = arith.constant 0 : i32
      %dma_wait3A_506 = tpu.memref_slice %arg6[%dma_wait3A_503, %dma_wait3A_504, %dma_wait3A_505] : memref<24x1x100xi32, #tpu.memory_space<vmem>> -> memref<1x1x100xi32, #tpu.memory_space<vmem>>
      %dma_wait3A_507 = tpu.memref_squeeze %dma_wait3A_506 : memref<1x1x100xi32, #tpu.memory_space<vmem>> -> memref<100xi32, #tpu.memory_space<vmem>>
      %dma_wait3A_508 = arith.constant 0 : i32
      %dma_wait3A_509 = arith.constant 0 : i32
      %dma_wait3A_510 = tpu.memref_slice %arg4[%dma_wait3A_508, %dma_wait3A_509] : memref<10000x128xf32, #tpu.memory_space<hbm>> -> memref<10000x128xf32, #tpu.memory_space<hbm>>
      tpu.wait_indirect_dma semaphore(%arg12 : memref<!tpu.dma_semaphore, #tpu.memory_space<semaphore_mem>>) src(%dma_wait3A_510 : memref<10000x128xf32, #tpu.memory_space<hbm>>) dst(%arg8 : memref<100x128xf32, #tpu.memory_space<vmem>>)
      %dma_start3A_511 = arith.constant 9 : i32
      %dma_start3A_512 = arith.constant 0 : i32
      %dma_start3A_513 = arith.constant 0 : i32
      %dma_start3A_514 = tpu.memref_slice %arg7[%dma_start3A_511, %dma_start3A_512, %dma_start3A_513] : memref<24x1x100xi32, #tpu.memory_space<vmem>> -> memref<1x1x100xi32, #tpu.memory_space<vmem>>
      %dma_start3A_515 = tpu.memref_squeeze %dma_start3A_514 : memref<1x1x100xi32, #tpu.memory_space<vmem>> -> memref<100xi32, #tpu.memory_space<vmem>>
      %dma_start3A_516 = arith.constant 0 : i32
      %dma_start3A_517 = arith.constant 0 : i32
      %dma_start3A_518 = tpu.memref_slice %arg11[%dma_start3A_516, %dma_start3A_517] : memref<10112x128xf32, #tpu.memory_space<vmem_shared>> -> memref<10112x128xf32, #tpu.memory_space<vmem_shared>>
      tpu.enqueue_indirect_dma source(%arg8 : memref<100x128xf32, #tpu.memory_space<vmem>>) target(%dma_start3A_518 : memref<10112x128xf32, #tpu.memory_space<vmem_shared>>) offsets(%dma_start3A_515 : memref<100xi32, #tpu.memory_space<vmem>>) semaphore(%arg15 : memref<!tpu.dma_semaphore, #tpu.memory_space<semaphore_mem>>) {add = true}
      %dma_wait3A_519 = arith.constant 0 : i32
      %dma_wait3A_520 = arith.constant 0 : i32
      %dma_wait3A_521 = arith.constant 0 : i32
      %dma_wait3A_522 = tpu.memref_slice %arg7[%dma_wait3A_519, %dma_wait3A_520, %dma_wait3A_521] : memref<24x1x100xi32, #tpu.memory_space<vmem>> -> memref<1x1x100xi32, #tpu.memory_space<vmem>>
      %dma_wait3A_523 = tpu.memref_squeeze %dma_wait3A_522 : memref<1x1x100xi32, #tpu.memory_space<vmem>> -> memref<100xi32, #tpu.memory_space<vmem>>
      %dma_wait3A_524 = arith.constant 0 : i32
      %dma_wait3A_525 = arith.constant 0 : i32
      %dma_wait3A_526 = tpu.memref_slice %arg11[%dma_wait3A_524, %dma_wait3A_525] : memref<10112x128xf32, #tpu.memory_space<vmem_shared>> -> memref<10112x128xf32, #tpu.memory_space<vmem_shared>>
      tpu.wait_indirect_dma semaphore(%arg17 : memref<!tpu.dma_semaphore, #tpu.memory_space<semaphore_mem>>) src(%arg10 : memref<100x128xf32, #tpu.memory_space<vmem>>) dst(%dma_wait3A_526 : memref<10112x128xf32, #tpu.memory_space<vmem_shared>>)
      %dma_start3A_527 = arith.constant 11 : i32
      %dma_start3A_528 = arith.constant 0 : i32
      %dma_start3A_529 = arith.constant 0 : i32
      %dma_start3A_530 = tpu.memref_slice %arg6[%dma_start3A_527, %dma_start3A_528, %dma_start3A_529] : memref<24x1x100xi32, #tpu.memory_space<vmem>> -> memref<1x1x100xi32, #tpu.memory_space<vmem>>
      %dma_start3A_531 = tpu.memref_squeeze %dma_start3A_530 : memref<1x1x100xi32, #tpu.memory_space<vmem>> -> memref<100xi32, #tpu.memory_space<vmem>>
      %dma_start3A_532 = arith.constant 0 : i32
      %dma_start3A_533 = arith.constant 0 : i32
      %dma_start3A_534 = tpu.memref_slice %arg4[%dma_start3A_532, %dma_start3A_533] : memref<10000x128xf32, #tpu.memory_space<hbm>> -> memref<10000x128xf32, #tpu.memory_space<hbm>>
      tpu.enqueue_indirect_dma source(%dma_start3A_534 : memref<10000x128xf32, #tpu.memory_space<hbm>>) target(%arg10 : memref<100x128xf32, #tpu.memory_space<vmem>>) offsets(%dma_start3A_531 : memref<100xi32, #tpu.memory_space<vmem>>) semaphore(%arg14 : memref<!tpu.dma_semaphore, #tpu.memory_space<semaphore_mem>>)
      %dma_wait3A_535 = arith.constant 10 : i32
      %dma_wait3A_536 = arith.constant 0 : i32
      %dma_wait3A_537 = arith.constant 0 : i32
      %dma_wait3A_538 = tpu.memref_slice %arg6[%dma_wait3A_535, %dma_wait3A_536, %dma_wait3A_537] : memref<24x1x100xi32, #tpu.memory_space<vmem>> -> memref<1x1x100xi32, #tpu.memory_space<vmem>>
      %dma_wait3A_539 = tpu.memref_squeeze %dma_wait3A_538 : memref<1x1x100xi32, #tpu.memory_space<vmem>> -> memref<100xi32, #tpu.memory_space<vmem>>
      %dma_wait3A_540 = arith.constant 0 : i32
      %dma_wait3A_541 = arith.constant 0 : i32
      %dma_wait3A_542 = tpu.memref_slice %arg4[%dma_wait3A_540, %dma_wait3A_541] : memref<10000x128xf32, #tpu.memory_space<hbm>> -> memref<10000x128xf32, #tpu.memory_space<hbm>>
      tpu.wait_indirect_dma semaphore(%arg13 : memref<!tpu.dma_semaphore, #tpu.memory_space<semaphore_mem>>) src(%dma_wait3A_542 : memref<10000x128xf32, #tpu.memory_space<hbm>>) dst(%arg9 : memref<100x128xf32, #tpu.memory_space<vmem>>)
      %dma_start3A_543 = arith.constant 10 : i32
      %dma_start3A_544 = arith.constant 0 : i32
      %dma_start3A_545 = arith.constant 0 : i32
      %dma_start3A_546 = tpu.memref_slice %arg7[%dma_start3A_543, %dma_start3A_544, %dma_start3A_545] : memref<24x1x100xi32, #tpu.memory_space<vmem>> -> memref<1x1x100xi32, #tpu.memory_space<vmem>>
      %dma_start3A_547 = tpu.memref_squeeze %dma_start3A_546 : memref<1x1x100xi32, #tpu.memory_space<vmem>> -> memref<100xi32, #tpu.memory_space<vmem>>
      %dma_start3A_548 = arith.constant 0 : i32
      %dma_start3A_549 = arith.constant 0 : i32
      %dma_start3A_550 = tpu.memref_slice %arg11[%dma_start3A_548, %dma_start3A_549] : memref<10112x128xf32, #tpu.memory_space<vmem_shared>> -> memref<10112x128xf32, #tpu.memory_space<vmem_shared>>
      tpu.enqueue_indirect_dma source(%arg9 : memref<100x128xf32, #tpu.memory_space<vmem>>) target(%dma_start3A_550 : memref<10112x128xf32, #tpu.memory_space<vmem_shared>>) offsets(%dma_start3A_547 : memref<100xi32, #tpu.memory_space<vmem>>) semaphore(%arg16 : memref<!tpu.dma_semaphore, #tpu.memory_space<semaphore_mem>>) {add = true}
      %dma_wait3A_551 = arith.constant 0 : i32
      %dma_wait3A_552 = arith.constant 0 : i32
      %dma_wait3A_553 = arith.constant 0 : i32
      %dma_wait3A_554 = tpu.memref_slice %arg7[%dma_wait3A_551, %dma_wait3A_552, %dma_wait3A_553] : memref<24x1x100xi32, #tpu.memory_space<vmem>> -> memref<1x1x100xi32, #tpu.memory_space<vmem>>
      %dma_wait3A_555 = tpu.memref_squeeze %dma_wait3A_554 : memref<1x1x100xi32, #tpu.memory_space<vmem>> -> memref<100xi32, #tpu.memory_space<vmem>>
      %dma_wait3A_556 = arith.constant 0 : i32
      %dma_wait3A_557 = arith.constant 0 : i32
      %dma_wait3A_558 = tpu.memref_slice %arg11[%dma_wait3A_556, %dma_wait3A_557] : memref<10112x128xf32, #tpu.memory_space<vmem_shared>> -> memref<10112x128xf32, #tpu.memory_space<vmem_shared>>
      tpu.wait_indirect_dma semaphore(%arg15 : memref<!tpu.dma_semaphore, #tpu.memory_space<semaphore_mem>>) src(%arg8 : memref<100x128xf32, #tpu.memory_space<vmem>>) dst(%dma_wait3A_558 : memref<10112x128xf32, #tpu.memory_space<vmem_shared>>)
      %dma_start3A_559 = arith.constant 12 : i32
      %dma_start3A_560 = arith.constant 0 : i32
      %dma_start3A_561 = arith.constant 0 : i32
      %dma_start3A_562 = tpu.memref_slice %arg6[%dma_start3A_559, %dma_start3A_560, %dma_start3A_561] : memref<24x1x100xi32, #tpu.memory_space<vmem>> -> memref<1x1x100xi32, #tpu.memory_space<vmem>>
      %dma_start3A_563 = tpu.memref_squeeze %dma_start3A_562 : memref<1x1x100xi32, #tpu.memory_space<vmem>> -> memref<100xi32, #tpu.memory_space<vmem>>
      %dma_start3A_564 = arith.constant 0 : i32
      %dma_start3A_565 = arith.constant 0 : i32
      %dma_start3A_566 = tpu.memref_slice %arg4[%dma_start3A_564, %dma_start3A_565] : memref<10000x128xf32, #tpu.memory_space<hbm>> -> memref<10000x128xf32, #tpu.memory_space<hbm>>
      tpu.enqueue_indirect_dma source(%dma_start3A_566 : memref<10000x128xf32, #tpu.memory_space<hbm>>) target(%arg8 : memref<100x128xf32, #tpu.memory_space<vmem>>) offsets(%dma_start3A_563 : memref<100xi32, #tpu.memory_space<vmem>>) semaphore(%arg12 : memref<!tpu.dma_semaphore, #tpu.memory_space<semaphore_mem>>)
      %dma_wait3A_567 = arith.constant 11 : i32
      %dma_wait3A_568 = arith.constant 0 : i32
      %dma_wait3A_569 = arith.constant 0 : i32
      %dma_wait3A_570 = tpu.memref_slice %arg6[%dma_wait3A_567, %dma_wait3A_568, %dma_wait3A_569] : memref<24x1x100xi32, #tpu.memory_space<vmem>> -> memref<1x1x100xi32, #tpu.memory_space<vmem>>
      %dma_wait3A_571 = tpu.memref_squeeze %dma_wait3A_570 : memref<1x1x100xi32, #tpu.memory_space<vmem>> -> memref<100xi32, #tpu.memory_space<vmem>>
      %dma_wait3A_572 = arith.constant 0 : i32
      %dma_wait3A_573 = arith.constant 0 : i32
      %dma_wait3A_574 = tpu.memref_slice %arg4[%dma_wait3A_572, %dma_wait3A_573] : memref<10000x128xf32, #tpu.memory_space<hbm>> -> memref<10000x128xf32, #tpu.memory_space<hbm>>
      tpu.wait_indirect_dma semaphore(%arg14 : memref<!tpu.dma_semaphore, #tpu.memory_space<semaphore_mem>>) src(%dma_wait3A_574 : memref<10000x128xf32, #tpu.memory_space<hbm>>) dst(%arg10 : memref<100x128xf32, #tpu.memory_space<vmem>>)
      %dma_start3A_575 = arith.constant 11 : i32
      %dma_start3A_576 = arith.constant 0 : i32
      %dma_start3A_577 = arith.constant 0 : i32
      %dma_start3A_578 = tpu.memref_slice %arg7[%dma_start3A_575, %dma_start3A_576, %dma_start3A_577] : memref<24x1x100xi32, #tpu.memory_space<vmem>> -> memref<1x1x100xi32, #tpu.memory_space<vmem>>
      %dma_start3A_579 = tpu.memref_squeeze %dma_start3A_578 : memref<1x1x100xi32, #tpu.memory_space<vmem>> -> memref<100xi32, #tpu.memory_space<vmem>>
      %dma_start3A_580 = arith.constant 0 : i32
      %dma_start3A_581 = arith.constant 0 : i32
      %dma_start3A_582 = tpu.memref_slice %arg11[%dma_start3A_580, %dma_start3A_581] : memref<10112x128xf32, #tpu.memory_space<vmem_shared>> -> memref<10112x128xf32, #tpu.memory_space<vmem_shared>>
      tpu.enqueue_indirect_dma source(%arg10 : memref<100x128xf32, #tpu.memory_space<vmem>>) target(%dma_start3A_582 : memref<10112x128xf32, #tpu.memory_space<vmem_shared>>) offsets(%dma_start3A_579 : memref<100xi32, #tpu.memory_space<vmem>>) semaphore(%arg17 : memref<!tpu.dma_semaphore, #tpu.memory_space<semaphore_mem>>) {add = true}
      %dma_wait3A_583 = arith.constant 0 : i32
      %dma_wait3A_584 = arith.constant 0 : i32
      %dma_wait3A_585 = arith.constant 0 : i32
      %dma_wait3A_586 = tpu.memref_slice %arg7[%dma_wait3A_583, %dma_wait3A_584, %dma_wait3A_585] : memref<24x1x100xi32, #tpu.memory_space<vmem>> -> memref<1x1x100xi32, #tpu.memory_space<vmem>>
      %dma_wait3A_587 = tpu.memref_squeeze %dma_wait3A_586 : memref<1x1x100xi32, #tpu.memory_space<vmem>> -> memref<100xi32, #tpu.memory_space<vmem>>
      %dma_wait3A_588 = arith.constant 0 : i32
      %dma_wait3A_589 = arith.constant 0 : i32
      %dma_wait3A_590 = tpu.memref_slice %arg11[%dma_wait3A_588, %dma_wait3A_589] : memref<10112x128xf32, #tpu.memory_space<vmem_shared>> -> memref<10112x128xf32, #tpu.memory_space<vmem_shared>>
      tpu.wait_indirect_dma semaphore(%arg16 : memref<!tpu.dma_semaphore, #tpu.memory_space<semaphore_mem>>) src(%arg9 : memref<100x128xf32, #tpu.memory_space<vmem>>) dst(%dma_wait3A_590 : memref<10112x128xf32, #tpu.memory_space<vmem_shared>>)
      %dma_start3A_591 = arith.constant 13 : i32
      %dma_start3A_592 = arith.constant 0 : i32
      %dma_start3A_593 = arith.constant 0 : i32
      %dma_start3A_594 = tpu.memref_slice %arg6[%dma_start3A_591, %dma_start3A_592, %dma_start3A_593] : memref<24x1x100xi32, #tpu.memory_space<vmem>> -> memref<1x1x100xi32, #tpu.memory_space<vmem>>
      %dma_start3A_595 = tpu.memref_squeeze %dma_start3A_594 : memref<1x1x100xi32, #tpu.memory_space<vmem>> -> memref<100xi32, #tpu.memory_space<vmem>>
      %dma_start3A_596 = arith.constant 0 : i32
      %dma_start3A_597 = arith.constant 0 : i32
      %dma_start3A_598 = tpu.memref_slice %arg4[%dma_start3A_596, %dma_start3A_597] : memref<10000x128xf32, #tpu.memory_space<hbm>> -> memref<10000x128xf32, #tpu.memory_space<hbm>>
      tpu.enqueue_indirect_dma source(%dma_start3A_598 : memref<10000x128xf32, #tpu.memory_space<hbm>>) target(%arg9 : memref<100x128xf32, #tpu.memory_space<vmem>>) offsets(%dma_start3A_595 : memref<100xi32, #tpu.memory_space<vmem>>) semaphore(%arg13 : memref<!tpu.dma_semaphore, #tpu.memory_space<semaphore_mem>>)
      %dma_wait3A_599 = arith.constant 12 : i32
      %dma_wait3A_600 = arith.constant 0 : i32
      %dma_wait3A_601 = arith.constant 0 : i32
      %dma_wait3A_602 = tpu.memref_slice %arg6[%dma_wait3A_599, %dma_wait3A_600, %dma_wait3A_601] : memref<24x1x100xi32, #tpu.memory_space<vmem>> -> memref<1x1x100xi32, #tpu.memory_space<vmem>>
      %dma_wait3A_603 = tpu.memref_squeeze %dma_wait3A_602 : memref<1x1x100xi32, #tpu.memory_space<vmem>> -> memref<100xi32, #tpu.memory_space<vmem>>
      %dma_wait3A_604 = arith.constant 0 : i32
      %dma_wait3A_605 = arith.constant 0 : i32
      %dma_wait3A_606 = tpu.memref_slice %arg4[%dma_wait3A_604, %dma_wait3A_605] : memref<10000x128xf32, #tpu.memory_space<hbm>> -> memref<10000x128xf32, #tpu.memory_space<hbm>>
      tpu.wait_indirect_dma semaphore(%arg12 : memref<!tpu.dma_semaphore, #tpu.memory_space<semaphore_mem>>) src(%dma_wait3A_606 : memref<10000x128xf32, #tpu.memory_space<hbm>>) dst(%arg8 : memref<100x128xf32, #tpu.memory_space<vmem>>)
      %dma_start3A_607 = arith.constant 12 : i32
      %dma_start3A_608 = arith.constant 0 : i32
      %dma_start3A_609 = arith.constant 0 : i32
      %dma_start3A_610 = tpu.memref_slice %arg7[%dma_start3A_607, %dma_start3A_608, %dma_start3A_609] : memref<24x1x100xi32, #tpu.memory_space<vmem>> -> memref<1x1x100xi32, #tpu.memory_space<vmem>>
      %dma_start3A_611 = tpu.memref_squeeze %dma_start3A_610 : memref<1x1x100xi32, #tpu.memory_space<vmem>> -> memref<100xi32, #tpu.memory_space<vmem>>
      %dma_start3A_612 = arith.constant 0 : i32
      %dma_start3A_613 = arith.constant 0 : i32
      %dma_start3A_614 = tpu.memref_slice %arg11[%dma_start3A_612, %dma_start3A_613] : memref<10112x128xf32, #tpu.memory_space<vmem_shared>> -> memref<10112x128xf32, #tpu.memory_space<vmem_shared>>
      tpu.enqueue_indirect_dma source(%arg8 : memref<100x128xf32, #tpu.memory_space<vmem>>) target(%dma_start3A_614 : memref<10112x128xf32, #tpu.memory_space<vmem_shared>>) offsets(%dma_start3A_611 : memref<100xi32, #tpu.memory_space<vmem>>) semaphore(%arg15 : memref<!tpu.dma_semaphore, #tpu.memory_space<semaphore_mem>>) {add = true}
      %dma_wait3A_615 = arith.constant 0 : i32
      %dma_wait3A_616 = arith.constant 0 : i32
      %dma_wait3A_617 = arith.constant 0 : i32
      %dma_wait3A_618 = tpu.memref_slice %arg7[%dma_wait3A_615, %dma_wait3A_616, %dma_wait3A_617] : memref<24x1x100xi32, #tpu.memory_space<vmem>> -> memref<1x1x100xi32, #tpu.memory_space<vmem>>
      %dma_wait3A_619 = tpu.memref_squeeze %dma_wait3A_618 : memref<1x1x100xi32, #tpu.memory_space<vmem>> -> memref<100xi32, #tpu.memory_space<vmem>>
      %dma_wait3A_620 = arith.constant 0 : i32
      %dma_wait3A_621 = arith.constant 0 : i32
      %dma_wait3A_622 = tpu.memref_slice %arg11[%dma_wait3A_620, %dma_wait3A_621] : memref<10112x128xf32, #tpu.memory_space<vmem_shared>> -> memref<10112x128xf32, #tpu.memory_space<vmem_shared>>
      tpu.wait_indirect_dma semaphore(%arg17 : memref<!tpu.dma_semaphore, #tpu.memory_space<semaphore_mem>>) src(%arg10 : memref<100x128xf32, #tpu.memory_space<vmem>>) dst(%dma_wait3A_622 : memref<10112x128xf32, #tpu.memory_space<vmem_shared>>)
      %dma_start3A_623 = arith.constant 14 : i32
      %dma_start3A_624 = arith.constant 0 : i32
      %dma_start3A_625 = arith.constant 0 : i32
      %dma_start3A_626 = tpu.memref_slice %arg6[%dma_start3A_623, %dma_start3A_624, %dma_start3A_625] : memref<24x1x100xi32, #tpu.memory_space<vmem>> -> memref<1x1x100xi32, #tpu.memory_space<vmem>>
      %dma_start3A_627 = tpu.memref_squeeze %dma_start3A_626 : memref<1x1x100xi32, #tpu.memory_space<vmem>> -> memref<100xi32, #tpu.memory_space<vmem>>
      %dma_start3A_628 = arith.constant 0 : i32
      %dma_start3A_629 = arith.constant 0 : i32
      %dma_start3A_630 = tpu.memref_slice %arg4[%dma_start3A_628, %dma_start3A_629] : memref<10000x128xf32, #tpu.memory_space<hbm>> -> memref<10000x128xf32, #tpu.memory_space<hbm>>
      tpu.enqueue_indirect_dma source(%dma_start3A_630 : memref<10000x128xf32, #tpu.memory_space<hbm>>) target(%arg10 : memref<100x128xf32, #tpu.memory_space<vmem>>) offsets(%dma_start3A_627 : memref<100xi32, #tpu.memory_space<vmem>>) semaphore(%arg14 : memref<!tpu.dma_semaphore, #tpu.memory_space<semaphore_mem>>)
      %dma_wait3A_631 = arith.constant 13 : i32
      %dma_wait3A_632 = arith.constant 0 : i32
      %dma_wait3A_633 = arith.constant 0 : i32
      %dma_wait3A_634 = tpu.memref_slice %arg6[%dma_wait3A_631, %dma_wait3A_632, %dma_wait3A_633] : memref<24x1x100xi32, #tpu.memory_space<vmem>> -> memref<1x1x100xi32, #tpu.memory_space<vmem>>
      %dma_wait3A_635 = tpu.memref_squeeze %dma_wait3A_634 : memref<1x1x100xi32, #tpu.memory_space<vmem>> -> memref<100xi32, #tpu.memory_space<vmem>>
      %dma_wait3A_636 = arith.constant 0 : i32
      %dma_wait3A_637 = arith.constant 0 : i32
      %dma_wait3A_638 = tpu.memref_slice %arg4[%dma_wait3A_636, %dma_wait3A_637] : memref<10000x128xf32, #tpu.memory_space<hbm>> -> memref<10000x128xf32, #tpu.memory_space<hbm>>
      tpu.wait_indirect_dma semaphore(%arg13 : memref<!tpu.dma_semaphore, #tpu.memory_space<semaphore_mem>>) src(%dma_wait3A_638 : memref<10000x128xf32, #tpu.memory_space<hbm>>) dst(%arg9 : memref<100x128xf32, #tpu.memory_space<vmem>>)
      %dma_start3A_639 = arith.constant 13 : i32
      %dma_start3A_640 = arith.constant 0 : i32
      %dma_start3A_641 = arith.constant 0 : i32
      %dma_start3A_642 = tpu.memref_slice %arg7[%dma_start3A_639, %dma_start3A_640, %dma_start3A_641] : memref<24x1x100xi32, #tpu.memory_space<vmem>> -> memref<1x1x100xi32, #tpu.memory_space<vmem>>
      %dma_start3A_643 = tpu.memref_squeeze %dma_start3A_642 : memref<1x1x100xi32, #tpu.memory_space<vmem>> -> memref<100xi32, #tpu.memory_space<vmem>>
      %dma_start3A_644 = arith.constant 0 : i32
      %dma_start3A_645 = arith.constant 0 : i32
      %dma_start3A_646 = tpu.memref_slice %arg11[%dma_start3A_644, %dma_start3A_645] : memref<10112x128xf32, #tpu.memory_space<vmem_shared>> -> memref<10112x128xf32, #tpu.memory_space<vmem_shared>>
      tpu.enqueue_indirect_dma source(%arg9 : memref<100x128xf32, #tpu.memory_space<vmem>>) target(%dma_start3A_646 : memref<10112x128xf32, #tpu.memory_space<vmem_shared>>) offsets(%dma_start3A_643 : memref<100xi32, #tpu.memory_space<vmem>>) semaphore(%arg16 : memref<!tpu.dma_semaphore, #tpu.memory_space<semaphore_mem>>) {add = true}
      %dma_wait3A_647 = arith.constant 0 : i32
      %dma_wait3A_648 = arith.constant 0 : i32
      %dma_wait3A_649 = arith.constant 0 : i32
      %dma_wait3A_650 = tpu.memref_slice %arg7[%dma_wait3A_647, %dma_wait3A_648, %dma_wait3A_649] : memref<24x1x100xi32, #tpu.memory_space<vmem>> -> memref<1x1x100xi32, #tpu.memory_space<vmem>>
      %dma_wait3A_651 = tpu.memref_squeeze %dma_wait3A_650 : memref<1x1x100xi32, #tpu.memory_space<vmem>> -> memref<100xi32, #tpu.memory_space<vmem>>
      %dma_wait3A_652 = arith.constant 0 : i32
      %dma_wait3A_653 = arith.constant 0 : i32
      %dma_wait3A_654 = tpu.memref_slice %arg11[%dma_wait3A_652, %dma_wait3A_653] : memref<10112x128xf32, #tpu.memory_space<vmem_shared>> -> memref<10112x128xf32, #tpu.memory_space<vmem_shared>>
      tpu.wait_indirect_dma semaphore(%arg15 : memref<!tpu.dma_semaphore, #tpu.memory_space<semaphore_mem>>) src(%arg8 : memref<100x128xf32, #tpu.memory_space<vmem>>) dst(%dma_wait3A_654 : memref<10112x128xf32, #tpu.memory_space<vmem_shared>>)
      %dma_start3A_655 = arith.constant 15 : i32
      %dma_start3A_656 = arith.constant 0 : i32
      %dma_start3A_657 = arith.constant 0 : i32
      %dma_start3A_658 = tpu.memref_slice %arg6[%dma_start3A_655, %dma_start3A_656, %dma_start3A_657] : memref<24x1x100xi32, #tpu.memory_space<vmem>> -> memref<1x1x100xi32, #tpu.memory_space<vmem>>
      %dma_start3A_659 = tpu.memref_squeeze %dma_start3A_658 : memref<1x1x100xi32, #tpu.memory_space<vmem>> -> memref<100xi32, #tpu.memory_space<vmem>>
      %dma_start3A_660 = arith.constant 0 : i32
      %dma_start3A_661 = arith.constant 0 : i32
      %dma_start3A_662 = tpu.memref_slice %arg4[%dma_start3A_660, %dma_start3A_661] : memref<10000x128xf32, #tpu.memory_space<hbm>> -> memref<10000x128xf32, #tpu.memory_space<hbm>>
      tpu.enqueue_indirect_dma source(%dma_start3A_662 : memref<10000x128xf32, #tpu.memory_space<hbm>>) target(%arg8 : memref<100x128xf32, #tpu.memory_space<vmem>>) offsets(%dma_start3A_659 : memref<100xi32, #tpu.memory_space<vmem>>) semaphore(%arg12 : memref<!tpu.dma_semaphore, #tpu.memory_space<semaphore_mem>>)
      %dma_wait3A_663 = arith.constant 14 : i32
      %dma_wait3A_664 = arith.constant 0 : i32
      %dma_wait3A_665 = arith.constant 0 : i32
      %dma_wait3A_666 = tpu.memref_slice %arg6[%dma_wait3A_663, %dma_wait3A_664, %dma_wait3A_665] : memref<24x1x100xi32, #tpu.memory_space<vmem>> -> memref<1x1x100xi32, #tpu.memory_space<vmem>>
      %dma_wait3A_667 = tpu.memref_squeeze %dma_wait3A_666 : memref<1x1x100xi32, #tpu.memory_space<vmem>> -> memref<100xi32, #tpu.memory_space<vmem>>
      %dma_wait3A_668 = arith.constant 0 : i32
      %dma_wait3A_669 = arith.constant 0 : i32
      %dma_wait3A_670 = tpu.memref_slice %arg4[%dma_wait3A_668, %dma_wait3A_669] : memref<10000x128xf32, #tpu.memory_space<hbm>> -> memref<10000x128xf32, #tpu.memory_space<hbm>>
      tpu.wait_indirect_dma semaphore(%arg14 : memref<!tpu.dma_semaphore, #tpu.memory_space<semaphore_mem>>) src(%dma_wait3A_670 : memref<10000x128xf32, #tpu.memory_space<hbm>>) dst(%arg10 : memref<100x128xf32, #tpu.memory_space<vmem>>)
      %dma_start3A_671 = arith.constant 14 : i32
      %dma_start3A_672 = arith.constant 0 : i32
      %dma_start3A_673 = arith.constant 0 : i32
      %dma_start3A_674 = tpu.memref_slice %arg7[%dma_start3A_671, %dma_start3A_672, %dma_start3A_673] : memref<24x1x100xi32, #tpu.memory_space<vmem>> -> memref<1x1x100xi32, #tpu.memory_space<vmem>>
      %dma_start3A_675 = tpu.memref_squeeze %dma_start3A_674 : memref<1x1x100xi32, #tpu.memory_space<vmem>> -> memref<100xi32, #tpu.memory_space<vmem>>
      %dma_start3A_676 = arith.constant 0 : i32
      %dma_start3A_677 = arith.constant 0 : i32
      %dma_start3A_678 = tpu.memref_slice %arg11[%dma_start3A_676, %dma_start3A_677] : memref<10112x128xf32, #tpu.memory_space<vmem_shared>> -> memref<10112x128xf32, #tpu.memory_space<vmem_shared>>
      tpu.enqueue_indirect_dma source(%arg10 : memref<100x128xf32, #tpu.memory_space<vmem>>) target(%dma_start3A_678 : memref<10112x128xf32, #tpu.memory_space<vmem_shared>>) offsets(%dma_start3A_675 : memref<100xi32, #tpu.memory_space<vmem>>) semaphore(%arg17 : memref<!tpu.dma_semaphore, #tpu.memory_space<semaphore_mem>>) {add = true}
      %dma_wait3A_679 = arith.constant 0 : i32
      %dma_wait3A_680 = arith.constant 0 : i32
      %dma_wait3A_681 = arith.constant 0 : i32
      %dma_wait3A_682 = tpu.memref_slice %arg7[%dma_wait3A_679, %dma_wait3A_680, %dma_wait3A_681] : memref<24x1x100xi32, #tpu.memory_space<vmem>> -> memref<1x1x100xi32, #tpu.memory_space<vmem>>
      %dma_wait3A_683 = tpu.memref_squeeze %dma_wait3A_682 : memref<1x1x100xi32, #tpu.memory_space<vmem>> -> memref<100xi32, #tpu.memory_space<vmem>>
      %dma_wait3A_684 = arith.constant 0 : i32
      %dma_wait3A_685 = arith.constant 0 : i32
      %dma_wait3A_686 = tpu.memref_slice %arg11[%dma_wait3A_684, %dma_wait3A_685] : memref<10112x128xf32, #tpu.memory_space<vmem_shared>> -> memref<10112x128xf32, #tpu.memory_space<vmem_shared>>
      tpu.wait_indirect_dma semaphore(%arg16 : memref<!tpu.dma_semaphore, #tpu.memory_space<semaphore_mem>>) src(%arg9 : memref<100x128xf32, #tpu.memory_space<vmem>>) dst(%dma_wait3A_686 : memref<10112x128xf32, #tpu.memory_space<vmem_shared>>)
      %dma_start3A_687 = arith.constant 16 : i32
      %dma_start3A_688 = arith.constant 0 : i32
      %dma_start3A_689 = arith.constant 0 : i32
      %dma_start3A_690 = tpu.memref_slice %arg6[%dma_start3A_687, %dma_start3A_688, %dma_start3A_689] : memref<24x1x100xi32, #tpu.memory_space<vmem>> -> memref<1x1x100xi32, #tpu.memory_space<vmem>>
      %dma_start3A_691 = tpu.memref_squeeze %dma_start3A_690 : memref<1x1x100xi32, #tpu.memory_space<vmem>> -> memref<100xi32, #tpu.memory_space<vmem>>
      %dma_start3A_692 = arith.constant 0 : i32
      %dma_start3A_693 = arith.constant 0 : i32
      %dma_start3A_694 = tpu.memref_slice %arg4[%dma_start3A_692, %dma_start3A_693] : memref<10000x128xf32, #tpu.memory_space<hbm>> -> memref<10000x128xf32, #tpu.memory_space<hbm>>
      tpu.enqueue_indirect_dma source(%dma_start3A_694 : memref<10000x128xf32, #tpu.memory_space<hbm>>) target(%arg9 : memref<100x128xf32, #tpu.memory_space<vmem>>) offsets(%dma_start3A_691 : memref<100xi32, #tpu.memory_space<vmem>>) semaphore(%arg13 : memref<!tpu.dma_semaphore, #tpu.memory_space<semaphore_mem>>)
      %dma_wait3A_695 = arith.constant 15 : i32
      %dma_wait3A_696 = arith.constant 0 : i32
      %dma_wait3A_697 = arith.constant 0 : i32
      %dma_wait3A_698 = tpu.memref_slice %arg6[%dma_wait3A_695, %dma_wait3A_696, %dma_wait3A_697] : memref<24x1x100xi32, #tpu.memory_space<vmem>> -> memref<1x1x100xi32, #tpu.memory_space<vmem>>
      %dma_wait3A_699 = tpu.memref_squeeze %dma_wait3A_698 : memref<1x1x100xi32, #tpu.memory_space<vmem>> -> memref<100xi32, #tpu.memory_space<vmem>>
      %dma_wait3A_700 = arith.constant 0 : i32
      %dma_wait3A_701 = arith.constant 0 : i32
      %dma_wait3A_702 = tpu.memref_slice %arg4[%dma_wait3A_700, %dma_wait3A_701] : memref<10000x128xf32, #tpu.memory_space<hbm>> -> memref<10000x128xf32, #tpu.memory_space<hbm>>
      tpu.wait_indirect_dma semaphore(%arg12 : memref<!tpu.dma_semaphore, #tpu.memory_space<semaphore_mem>>) src(%dma_wait3A_702 : memref<10000x128xf32, #tpu.memory_space<hbm>>) dst(%arg8 : memref<100x128xf32, #tpu.memory_space<vmem>>)
      %dma_start3A_703 = arith.constant 15 : i32
      %dma_start3A_704 = arith.constant 0 : i32
      %dma_start3A_705 = arith.constant 0 : i32
      %dma_start3A_706 = tpu.memref_slice %arg7[%dma_start3A_703, %dma_start3A_704, %dma_start3A_705] : memref<24x1x100xi32, #tpu.memory_space<vmem>> -> memref<1x1x100xi32, #tpu.memory_space<vmem>>
      %dma_start3A_707 = tpu.memref_squeeze %dma_start3A_706 : memref<1x1x100xi32, #tpu.memory_space<vmem>> -> memref<100xi32, #tpu.memory_space<vmem>>
      %dma_start3A_708 = arith.constant 0 : i32
      %dma_start3A_709 = arith.constant 0 : i32
      %dma_start3A_710 = tpu.memref_slice %arg11[%dma_start3A_708, %dma_start3A_709] : memref<10112x128xf32, #tpu.memory_space<vmem_shared>> -> memref<10112x128xf32, #tpu.memory_space<vmem_shared>>
      tpu.enqueue_indirect_dma source(%arg8 : memref<100x128xf32, #tpu.memory_space<vmem>>) target(%dma_start3A_710 : memref<10112x128xf32, #tpu.memory_space<vmem_shared>>) offsets(%dma_start3A_707 : memref<100xi32, #tpu.memory_space<vmem>>) semaphore(%arg15 : memref<!tpu.dma_semaphore, #tpu.memory_space<semaphore_mem>>) {add = true}
      %dma_wait3A_711 = arith.constant 0 : i32
      %dma_wait3A_712 = arith.constant 0 : i32
      %dma_wait3A_713 = arith.constant 0 : i32
      %dma_wait3A_714 = tpu.memref_slice %arg7[%dma_wait3A_711, %dma_wait3A_712, %dma_wait3A_713] : memref<24x1x100xi32, #tpu.memory_space<vmem>> -> memref<1x1x100xi32, #tpu.memory_space<vmem>>
      %dma_wait3A_715 = tpu.memref_squeeze %dma_wait3A_714 : memref<1x1x100xi32, #tpu.memory_space<vmem>> -> memref<100xi32, #tpu.memory_space<vmem>>
      %dma_wait3A_716 = arith.constant 0 : i32
      %dma_wait3A_717 = arith.constant 0 : i32
      %dma_wait3A_718 = tpu.memref_slice %arg11[%dma_wait3A_716, %dma_wait3A_717] : memref<10112x128xf32, #tpu.memory_space<vmem_shared>> -> memref<10112x128xf32, #tpu.memory_space<vmem_shared>>
      tpu.wait_indirect_dma semaphore(%arg17 : memref<!tpu.dma_semaphore, #tpu.memory_space<semaphore_mem>>) src(%arg10 : memref<100x128xf32, #tpu.memory_space<vmem>>) dst(%dma_wait3A_718 : memref<10112x128xf32, #tpu.memory_space<vmem_shared>>)
      %dma_start3A_719 = arith.constant 17 : i32
      %dma_start3A_720 = arith.constant 0 : i32
      %dma_start3A_721 = arith.constant 0 : i32
      %dma_start3A_722 = tpu.memref_slice %arg6[%dma_start3A_719, %dma_start3A_720, %dma_start3A_721] : memref<24x1x100xi32, #tpu.memory_space<vmem>> -> memref<1x1x100xi32, #tpu.memory_space<vmem>>
      %dma_start3A_723 = tpu.memref_squeeze %dma_start3A_722 : memref<1x1x100xi32, #tpu.memory_space<vmem>> -> memref<100xi32, #tpu.memory_space<vmem>>
      %dma_start3A_724 = arith.constant 0 : i32
      %dma_start3A_725 = arith.constant 0 : i32
      %dma_start3A_726 = tpu.memref_slice %arg4[%dma_start3A_724, %dma_start3A_725] : memref<10000x128xf32, #tpu.memory_space<hbm>> -> memref<10000x128xf32, #tpu.memory_space<hbm>>
      tpu.enqueue_indirect_dma source(%dma_start3A_726 : memref<10000x128xf32, #tpu.memory_space<hbm>>) target(%arg10 : memref<100x128xf32, #tpu.memory_space<vmem>>) offsets(%dma_start3A_723 : memref<100xi32, #tpu.memory_space<vmem>>) semaphore(%arg14 : memref<!tpu.dma_semaphore, #tpu.memory_space<semaphore_mem>>)
      %dma_wait3A_727 = arith.constant 16 : i32
      %dma_wait3A_728 = arith.constant 0 : i32
      %dma_wait3A_729 = arith.constant 0 : i32
      %dma_wait3A_730 = tpu.memref_slice %arg6[%dma_wait3A_727, %dma_wait3A_728, %dma_wait3A_729] : memref<24x1x100xi32, #tpu.memory_space<vmem>> -> memref<1x1x100xi32, #tpu.memory_space<vmem>>
      %dma_wait3A_731 = tpu.memref_squeeze %dma_wait3A_730 : memref<1x1x100xi32, #tpu.memory_space<vmem>> -> memref<100xi32, #tpu.memory_space<vmem>>
      %dma_wait3A_732 = arith.constant 0 : i32
      %dma_wait3A_733 = arith.constant 0 : i32
      %dma_wait3A_734 = tpu.memref_slice %arg4[%dma_wait3A_732, %dma_wait3A_733] : memref<10000x128xf32, #tpu.memory_space<hbm>> -> memref<10000x128xf32, #tpu.memory_space<hbm>>
      tpu.wait_indirect_dma semaphore(%arg13 : memref<!tpu.dma_semaphore, #tpu.memory_space<semaphore_mem>>) src(%dma_wait3A_734 : memref<10000x128xf32, #tpu.memory_space<hbm>>) dst(%arg9 : memref<100x128xf32, #tpu.memory_space<vmem>>)
      %dma_start3A_735 = arith.constant 16 : i32
      %dma_start3A_736 = arith.constant 0 : i32
      %dma_start3A_737 = arith.constant 0 : i32
      %dma_start3A_738 = tpu.memref_slice %arg7[%dma_start3A_735, %dma_start3A_736, %dma_start3A_737] : memref<24x1x100xi32, #tpu.memory_space<vmem>> -> memref<1x1x100xi32, #tpu.memory_space<vmem>>
      %dma_start3A_739 = tpu.memref_squeeze %dma_start3A_738 : memref<1x1x100xi32, #tpu.memory_space<vmem>> -> memref<100xi32, #tpu.memory_space<vmem>>
      %dma_start3A_740 = arith.constant 0 : i32
      %dma_start3A_741 = arith.constant 0 : i32
      %dma_start3A_742 = tpu.memref_slice %arg11[%dma_start3A_740, %dma_start3A_741] : memref<10112x128xf32, #tpu.memory_space<vmem_shared>> -> memref<10112x128xf32, #tpu.memory_space<vmem_shared>>
      tpu.enqueue_indirect_dma source(%arg9 : memref<100x128xf32, #tpu.memory_space<vmem>>) target(%dma_start3A_742 : memref<10112x128xf32, #tpu.memory_space<vmem_shared>>) offsets(%dma_start3A_739 : memref<100xi32, #tpu.memory_space<vmem>>) semaphore(%arg16 : memref<!tpu.dma_semaphore, #tpu.memory_space<semaphore_mem>>) {add = true}
      %dma_wait3A_743 = arith.constant 0 : i32
      %dma_wait3A_744 = arith.constant 0 : i32
      %dma_wait3A_745 = arith.constant 0 : i32
      %dma_wait3A_746 = tpu.memref_slice %arg7[%dma_wait3A_743, %dma_wait3A_744, %dma_wait3A_745] : memref<24x1x100xi32, #tpu.memory_space<vmem>> -> memref<1x1x100xi32, #tpu.memory_space<vmem>>
      %dma_wait3A_747 = tpu.memref_squeeze %dma_wait3A_746 : memref<1x1x100xi32, #tpu.memory_space<vmem>> -> memref<100xi32, #tpu.memory_space<vmem>>
      %dma_wait3A_748 = arith.constant 0 : i32
      %dma_wait3A_749 = arith.constant 0 : i32
      %dma_wait3A_750 = tpu.memref_slice %arg11[%dma_wait3A_748, %dma_wait3A_749] : memref<10112x128xf32, #tpu.memory_space<vmem_shared>> -> memref<10112x128xf32, #tpu.memory_space<vmem_shared>>
      tpu.wait_indirect_dma semaphore(%arg15 : memref<!tpu.dma_semaphore, #tpu.memory_space<semaphore_mem>>) src(%arg8 : memref<100x128xf32, #tpu.memory_space<vmem>>) dst(%dma_wait3A_750 : memref<10112x128xf32, #tpu.memory_space<vmem_shared>>)
      %dma_start3A_751 = arith.constant 18 : i32
      %dma_start3A_752 = arith.constant 0 : i32
      %dma_start3A_753 = arith.constant 0 : i32
      %dma_start3A_754 = tpu.memref_slice %arg6[%dma_start3A_751, %dma_start3A_752, %dma_start3A_753] : memref<24x1x100xi32, #tpu.memory_space<vmem>> -> memref<1x1x100xi32, #tpu.memory_space<vmem>>
      %dma_start3A_755 = tpu.memref_squeeze %dma_start3A_754 : memref<1x1x100xi32, #tpu.memory_space<vmem>> -> memref<100xi32, #tpu.memory_space<vmem>>
      %dma_start3A_756 = arith.constant 0 : i32
      %dma_start3A_757 = arith.constant 0 : i32
      %dma_start3A_758 = tpu.memref_slice %arg4[%dma_start3A_756, %dma_start3A_757] : memref<10000x128xf32, #tpu.memory_space<hbm>> -> memref<10000x128xf32, #tpu.memory_space<hbm>>
      tpu.enqueue_indirect_dma source(%dma_start3A_758 : memref<10000x128xf32, #tpu.memory_space<hbm>>) target(%arg8 : memref<100x128xf32, #tpu.memory_space<vmem>>) offsets(%dma_start3A_755 : memref<100xi32, #tpu.memory_space<vmem>>) semaphore(%arg12 : memref<!tpu.dma_semaphore, #tpu.memory_space<semaphore_mem>>)
      %dma_wait3A_759 = arith.constant 17 : i32
      %dma_wait3A_760 = arith.constant 0 : i32
      %dma_wait3A_761 = arith.constant 0 : i32
      %dma_wait3A_762 = tpu.memref_slice %arg6[%dma_wait3A_759, %dma_wait3A_760, %dma_wait3A_761] : memref<24x1x100xi32, #tpu.memory_space<vmem>> -> memref<1x1x100xi32, #tpu.memory_space<vmem>>
      %dma_wait3A_763 = tpu.memref_squeeze %dma_wait3A_762 : memref<1x1x100xi32, #tpu.memory_space<vmem>> -> memref<100xi32, #tpu.memory_space<vmem>>
      %dma_wait3A_764 = arith.constant 0 : i32
      %dma_wait3A_765 = arith.constant 0 : i32
      %dma_wait3A_766 = tpu.memref_slice %arg4[%dma_wait3A_764, %dma_wait3A_765] : memref<10000x128xf32, #tpu.memory_space<hbm>> -> memref<10000x128xf32, #tpu.memory_space<hbm>>
      tpu.wait_indirect_dma semaphore(%arg14 : memref<!tpu.dma_semaphore, #tpu.memory_space<semaphore_mem>>) src(%dma_wait3A_766 : memref<10000x128xf32, #tpu.memory_space<hbm>>) dst(%arg10 : memref<100x128xf32, #tpu.memory_space<vmem>>)
      %dma_start3A_767 = arith.constant 17 : i32
      %dma_start3A_768 = arith.constant 0 : i32
      %dma_start3A_769 = arith.constant 0 : i32
      %dma_start3A_770 = tpu.memref_slice %arg7[%dma_start3A_767, %dma_start3A_768, %dma_start3A_769] : memref<24x1x100xi32, #tpu.memory_space<vmem>> -> memref<1x1x100xi32, #tpu.memory_space<vmem>>
      %dma_start3A_771 = tpu.memref_squeeze %dma_start3A_770 : memref<1x1x100xi32, #tpu.memory_space<vmem>> -> memref<100xi32, #tpu.memory_space<vmem>>
      %dma_start3A_772 = arith.constant 0 : i32
      %dma_start3A_773 = arith.constant 0 : i32
      %dma_start3A_774 = tpu.memref_slice %arg11[%dma_start3A_772, %dma_start3A_773] : memref<10112x128xf32, #tpu.memory_space<vmem_shared>> -> memref<10112x128xf32, #tpu.memory_space<vmem_shared>>
      tpu.enqueue_indirect_dma source(%arg10 : memref<100x128xf32, #tpu.memory_space<vmem>>) target(%dma_start3A_774 : memref<10112x128xf32, #tpu.memory_space<vmem_shared>>) offsets(%dma_start3A_771 : memref<100xi32, #tpu.memory_space<vmem>>) semaphore(%arg17 : memref<!tpu.dma_semaphore, #tpu.memory_space<semaphore_mem>>) {add = true}
      %dma_wait3A_775 = arith.constant 0 : i32
      %dma_wait3A_776 = arith.constant 0 : i32
      %dma_wait3A_777 = arith.constant 0 : i32
      %dma_wait3A_778 = tpu.memref_slice %arg7[%dma_wait3A_775, %dma_wait3A_776, %dma_wait3A_777] : memref<24x1x100xi32, #tpu.memory_space<vmem>> -> memref<1x1x100xi32, #tpu.memory_space<vmem>>
      %dma_wait3A_779 = tpu.memref_squeeze %dma_wait3A_778 : memref<1x1x100xi32, #tpu.memory_space<vmem>> -> memref<100xi32, #tpu.memory_space<vmem>>
      %dma_wait3A_780 = arith.constant 0 : i32
      %dma_wait3A_781 = arith.constant 0 : i32
      %dma_wait3A_782 = tpu.memref_slice %arg11[%dma_wait3A_780, %dma_wait3A_781] : memref<10112x128xf32, #tpu.memory_space<vmem_shared>> -> memref<10112x128xf32, #tpu.memory_space<vmem_shared>>
      tpu.wait_indirect_dma semaphore(%arg16 : memref<!tpu.dma_semaphore, #tpu.memory_space<semaphore_mem>>) src(%arg9 : memref<100x128xf32, #tpu.memory_space<vmem>>) dst(%dma_wait3A_782 : memref<10112x128xf32, #tpu.memory_space<vmem_shared>>)
      %dma_start3A_783 = arith.constant 19 : i32
      %dma_start3A_784 = arith.constant 0 : i32
      %dma_start3A_785 = arith.constant 0 : i32
      %dma_start3A_786 = tpu.memref_slice %arg6[%dma_start3A_783, %dma_start3A_784, %dma_start3A_785] : memref<24x1x100xi32, #tpu.memory_space<vmem>> -> memref<1x1x100xi32, #tpu.memory_space<vmem>>
      %dma_start3A_787 = tpu.memref_squeeze %dma_start3A_786 : memref<1x1x100xi32, #tpu.memory_space<vmem>> -> memref<100xi32, #tpu.memory_space<vmem>>
      %dma_start3A_788 = arith.constant 0 : i32
      %dma_start3A_789 = arith.constant 0 : i32
      %dma_start3A_790 = tpu.memref_slice %arg4[%dma_start3A_788, %dma_start3A_789] : memref<10000x128xf32, #tpu.memory_space<hbm>> -> memref<10000x128xf32, #tpu.memory_space<hbm>>
      tpu.enqueue_indirect_dma source(%dma_start3A_790 : memref<10000x128xf32, #tpu.memory_space<hbm>>) target(%arg9 : memref<100x128xf32, #tpu.memory_space<vmem>>) offsets(%dma_start3A_787 : memref<100xi32, #tpu.memory_space<vmem>>) semaphore(%arg13 : memref<!tpu.dma_semaphore, #tpu.memory_space<semaphore_mem>>)
      %dma_wait3A_791 = arith.constant 18 : i32
      %dma_wait3A_792 = arith.constant 0 : i32
      %dma_wait3A_793 = arith.constant 0 : i32
      %dma_wait3A_794 = tpu.memref_slice %arg6[%dma_wait3A_791, %dma_wait3A_792, %dma_wait3A_793] : memref<24x1x100xi32, #tpu.memory_space<vmem>> -> memref<1x1x100xi32, #tpu.memory_space<vmem>>
      %dma_wait3A_795 = tpu.memref_squeeze %dma_wait3A_794 : memref<1x1x100xi32, #tpu.memory_space<vmem>> -> memref<100xi32, #tpu.memory_space<vmem>>
      %dma_wait3A_796 = arith.constant 0 : i32
      %dma_wait3A_797 = arith.constant 0 : i32
      %dma_wait3A_798 = tpu.memref_slice %arg4[%dma_wait3A_796, %dma_wait3A_797] : memref<10000x128xf32, #tpu.memory_space<hbm>> -> memref<10000x128xf32, #tpu.memory_space<hbm>>
      tpu.wait_indirect_dma semaphore(%arg12 : memref<!tpu.dma_semaphore, #tpu.memory_space<semaphore_mem>>) src(%dma_wait3A_798 : memref<10000x128xf32, #tpu.memory_space<hbm>>) dst(%arg8 : memref<100x128xf32, #tpu.memory_space<vmem>>)
      %dma_start3A_799 = arith.constant 18 : i32
      %dma_start3A_800 = arith.constant 0 : i32
      %dma_start3A_801 = arith.constant 0 : i32
      %dma_start3A_802 = tpu.memref_slice %arg7[%dma_start3A_799, %dma_start3A_800, %dma_start3A_801] : memref<24x1x100xi32, #tpu.memory_space<vmem>> -> memref<1x1x100xi32, #tpu.memory_space<vmem>>
      %dma_start3A_803 = tpu.memref_squeeze %dma_start3A_802 : memref<1x1x100xi32, #tpu.memory_space<vmem>> -> memref<100xi32, #tpu.memory_space<vmem>>
      %dma_start3A_804 = arith.constant 0 : i32
      %dma_start3A_805 = arith.constant 0 : i32
      %dma_start3A_806 = tpu.memref_slice %arg11[%dma_start3A_804, %dma_start3A_805] : memref<10112x128xf32, #tpu.memory_space<vmem_shared>> -> memref<10112x128xf32, #tpu.memory_space<vmem_shared>>
      tpu.enqueue_indirect_dma source(%arg8 : memref<100x128xf32, #tpu.memory_space<vmem>>) target(%dma_start3A_806 : memref<10112x128xf32, #tpu.memory_space<vmem_shared>>) offsets(%dma_start3A_803 : memref<100xi32, #tpu.memory_space<vmem>>) semaphore(%arg15 : memref<!tpu.dma_semaphore, #tpu.memory_space<semaphore_mem>>) {add = true}
      %dma_wait3A_807 = arith.constant 0 : i32
      %dma_wait3A_808 = arith.constant 0 : i32
      %dma_wait3A_809 = arith.constant 0 : i32
      %dma_wait3A_810 = tpu.memref_slice %arg7[%dma_wait3A_807, %dma_wait3A_808, %dma_wait3A_809] : memref<24x1x100xi32, #tpu.memory_space<vmem>> -> memref<1x1x100xi32, #tpu.memory_space<vmem>>
      %dma_wait3A_811 = tpu.memref_squeeze %dma_wait3A_810 : memref<1x1x100xi32, #tpu.memory_space<vmem>> -> memref<100xi32, #tpu.memory_space<vmem>>
      %dma_wait3A_812 = arith.constant 0 : i32
      %dma_wait3A_813 = arith.constant 0 : i32
      %dma_wait3A_814 = tpu.memref_slice %arg11[%dma_wait3A_812, %dma_wait3A_813] : memref<10112x128xf32, #tpu.memory_space<vmem_shared>> -> memref<10112x128xf32, #tpu.memory_space<vmem_shared>>
      tpu.wait_indirect_dma semaphore(%arg17 : memref<!tpu.dma_semaphore, #tpu.memory_space<semaphore_mem>>) src(%arg10 : memref<100x128xf32, #tpu.memory_space<vmem>>) dst(%dma_wait3A_814 : memref<10112x128xf32, #tpu.memory_space<vmem_shared>>)
      %dma_start3A_815 = arith.constant 20 : i32
      %dma_start3A_816 = arith.constant 0 : i32
      %dma_start3A_817 = arith.constant 0 : i32
      %dma_start3A_818 = tpu.memref_slice %arg6[%dma_start3A_815, %dma_start3A_816, %dma_start3A_817] : memref<24x1x100xi32, #tpu.memory_space<vmem>> -> memref<1x1x100xi32, #tpu.memory_space<vmem>>
      %dma_start3A_819 = tpu.memref_squeeze %dma_start3A_818 : memref<1x1x100xi32, #tpu.memory_space<vmem>> -> memref<100xi32, #tpu.memory_space<vmem>>
      %dma_start3A_820 = arith.constant 0 : i32
      %dma_start3A_821 = arith.constant 0 : i32
      %dma_start3A_822 = tpu.memref_slice %arg4[%dma_start3A_820, %dma_start3A_821] : memref<10000x128xf32, #tpu.memory_space<hbm>> -> memref<10000x128xf32, #tpu.memory_space<hbm>>
      tpu.enqueue_indirect_dma source(%dma_start3A_822 : memref<10000x128xf32, #tpu.memory_space<hbm>>) target(%arg10 : memref<100x128xf32, #tpu.memory_space<vmem>>) offsets(%dma_start3A_819 : memref<100xi32, #tpu.memory_space<vmem>>) semaphore(%arg14 : memref<!tpu.dma_semaphore, #tpu.memory_space<semaphore_mem>>)
      %dma_wait3A_823 = arith.constant 19 : i32
      %dma_wait3A_824 = arith.constant 0 : i32
      %dma_wait3A_825 = arith.constant 0 : i32
      %dma_wait3A_826 = tpu.memref_slice %arg6[%dma_wait3A_823, %dma_wait3A_824, %dma_wait3A_825] : memref<24x1x100xi32, #tpu.memory_space<vmem>> -> memref<1x1x100xi32, #tpu.memory_space<vmem>>
      %dma_wait3A_827 = tpu.memref_squeeze %dma_wait3A_826 : memref<1x1x100xi32, #tpu.memory_space<vmem>> -> memref<100xi32, #tpu.memory_space<vmem>>
      %dma_wait3A_828 = arith.constant 0 : i32
      %dma_wait3A_829 = arith.constant 0 : i32
      %dma_wait3A_830 = tpu.memref_slice %arg4[%dma_wait3A_828, %dma_wait3A_829] : memref<10000x128xf32, #tpu.memory_space<hbm>> -> memref<10000x128xf32, #tpu.memory_space<hbm>>
      tpu.wait_indirect_dma semaphore(%arg13 : memref<!tpu.dma_semaphore, #tpu.memory_space<semaphore_mem>>) src(%dma_wait3A_830 : memref<10000x128xf32, #tpu.memory_space<hbm>>) dst(%arg9 : memref<100x128xf32, #tpu.memory_space<vmem>>)
      %dma_start3A_831 = arith.constant 19 : i32
      %dma_start3A_832 = arith.constant 0 : i32
      %dma_start3A_833 = arith.constant 0 : i32
      %dma_start3A_834 = tpu.memref_slice %arg7[%dma_start3A_831, %dma_start3A_832, %dma_start3A_833] : memref<24x1x100xi32, #tpu.memory_space<vmem>> -> memref<1x1x100xi32, #tpu.memory_space<vmem>>
      %dma_start3A_835 = tpu.memref_squeeze %dma_start3A_834 : memref<1x1x100xi32, #tpu.memory_space<vmem>> -> memref<100xi32, #tpu.memory_space<vmem>>
      %dma_start3A_836 = arith.constant 0 : i32
      %dma_start3A_837 = arith.constant 0 : i32
      %dma_start3A_838 = tpu.memref_slice %arg11[%dma_start3A_836, %dma_start3A_837] : memref<10112x128xf32, #tpu.memory_space<vmem_shared>> -> memref<10112x128xf32, #tpu.memory_space<vmem_shared>>
      tpu.enqueue_indirect_dma source(%arg9 : memref<100x128xf32, #tpu.memory_space<vmem>>) target(%dma_start3A_838 : memref<10112x128xf32, #tpu.memory_space<vmem_shared>>) offsets(%dma_start3A_835 : memref<100xi32, #tpu.memory_space<vmem>>) semaphore(%arg16 : memref<!tpu.dma_semaphore, #tpu.memory_space<semaphore_mem>>) {add = true}
      %dma_wait3A_839 = arith.constant 0 : i32
      %dma_wait3A_840 = arith.constant 0 : i32
      %dma_wait3A_841 = arith.constant 0 : i32
      %dma_wait3A_842 = tpu.memref_slice %arg7[%dma_wait3A_839, %dma_wait3A_840, %dma_wait3A_841] : memref<24x1x100xi32, #tpu.memory_space<vmem>> -> memref<1x1x100xi32, #tpu.memory_space<vmem>>
      %dma_wait3A_843 = tpu.memref_squeeze %dma_wait3A_842 : memref<1x1x100xi32, #tpu.memory_space<vmem>> -> memref<100xi32, #tpu.memory_space<vmem>>
      %dma_wait3A_844 = arith.constant 0 : i32
      %dma_wait3A_845 = arith.constant 0 : i32
      %dma_wait3A_846 = tpu.memref_slice %arg11[%dma_wait3A_844, %dma_wait3A_845] : memref<10112x128xf32, #tpu.memory_space<vmem_shared>> -> memref<10112x128xf32, #tpu.memory_space<vmem_shared>>
      tpu.wait_indirect_dma semaphore(%arg15 : memref<!tpu.dma_semaphore, #tpu.memory_space<semaphore_mem>>) src(%arg8 : memref<100x128xf32, #tpu.memory_space<vmem>>) dst(%dma_wait3A_846 : memref<10112x128xf32, #tpu.memory_space<vmem_shared>>)
      %dma_start3A_847 = arith.constant 21 : i32
      %dma_start3A_848 = arith.constant 0 : i32
      %dma_start3A_849 = arith.constant 0 : i32
      %dma_start3A_850 = tpu.memref_slice %arg6[%dma_start3A_847, %dma_start3A_848, %dma_start3A_849] : memref<24x1x100xi32, #tpu.memory_space<vmem>> -> memref<1x1x100xi32, #tpu.memory_space<vmem>>
      %dma_start3A_851 = tpu.memref_squeeze %dma_start3A_850 : memref<1x1x100xi32, #tpu.memory_space<vmem>> -> memref<100xi32, #tpu.memory_space<vmem>>
      %dma_start3A_852 = arith.constant 0 : i32
      %dma_start3A_853 = arith.constant 0 : i32
      %dma_start3A_854 = tpu.memref_slice %arg4[%dma_start3A_852, %dma_start3A_853] : memref<10000x128xf32, #tpu.memory_space<hbm>> -> memref<10000x128xf32, #tpu.memory_space<hbm>>
      tpu.enqueue_indirect_dma source(%dma_start3A_854 : memref<10000x128xf32, #tpu.memory_space<hbm>>) target(%arg8 : memref<100x128xf32, #tpu.memory_space<vmem>>) offsets(%dma_start3A_851 : memref<100xi32, #tpu.memory_space<vmem>>) semaphore(%arg12 : memref<!tpu.dma_semaphore, #tpu.memory_space<semaphore_mem>>)
      %dma_wait3A_855 = arith.constant 20 : i32
      %dma_wait3A_856 = arith.constant 0 : i32
      %dma_wait3A_857 = arith.constant 0 : i32
      %dma_wait3A_858 = tpu.memref_slice %arg6[%dma_wait3A_855, %dma_wait3A_856, %dma_wait3A_857] : memref<24x1x100xi32, #tpu.memory_space<vmem>> -> memref<1x1x100xi32, #tpu.memory_space<vmem>>
      %dma_wait3A_859 = tpu.memref_squeeze %dma_wait3A_858 : memref<1x1x100xi32, #tpu.memory_space<vmem>> -> memref<100xi32, #tpu.memory_space<vmem>>
      %dma_wait3A_860 = arith.constant 0 : i32
      %dma_wait3A_861 = arith.constant 0 : i32
      %dma_wait3A_862 = tpu.memref_slice %arg4[%dma_wait3A_860, %dma_wait3A_861] : memref<10000x128xf32, #tpu.memory_space<hbm>> -> memref<10000x128xf32, #tpu.memory_space<hbm>>
      tpu.wait_indirect_dma semaphore(%arg14 : memref<!tpu.dma_semaphore, #tpu.memory_space<semaphore_mem>>) src(%dma_wait3A_862 : memref<10000x128xf32, #tpu.memory_space<hbm>>) dst(%arg10 : memref<100x128xf32, #tpu.memory_space<vmem>>)
      %dma_start3A_863 = arith.constant 20 : i32
      %dma_start3A_864 = arith.constant 0 : i32
      %dma_start3A_865 = arith.constant 0 : i32
      %dma_start3A_866 = tpu.memref_slice %arg7[%dma_start3A_863, %dma_start3A_864, %dma_start3A_865] : memref<24x1x100xi32, #tpu.memory_space<vmem>> -> memref<1x1x100xi32, #tpu.memory_space<vmem>>
      %dma_start3A_867 = tpu.memref_squeeze %dma_start3A_866 : memref<1x1x100xi32, #tpu.memory_space<vmem>> -> memref<100xi32, #tpu.memory_space<vmem>>
      %dma_start3A_868 = arith.constant 0 : i32
      %dma_start3A_869 = arith.constant 0 : i32
      %dma_start3A_870 = tpu.memref_slice %arg11[%dma_start3A_868, %dma_start3A_869] : memref<10112x128xf32, #tpu.memory_space<vmem_shared>> -> memref<10112x128xf32, #tpu.memory_space<vmem_shared>>
      tpu.enqueue_indirect_dma source(%arg10 : memref<100x128xf32, #tpu.memory_space<vmem>>) target(%dma_start3A_870 : memref<10112x128xf32, #tpu.memory_space<vmem_shared>>) offsets(%dma_start3A_867 : memref<100xi32, #tpu.memory_space<vmem>>) semaphore(%arg17 : memref<!tpu.dma_semaphore, #tpu.memory_space<semaphore_mem>>) {add = true}
      %dma_wait3A_871 = arith.constant 0 : i32
      %dma_wait3A_872 = arith.constant 0 : i32
      %dma_wait3A_873 = arith.constant 0 : i32
      %dma_wait3A_874 = tpu.memref_slice %arg7[%dma_wait3A_871, %dma_wait3A_872, %dma_wait3A_873] : memref<24x1x100xi32, #tpu.memory_space<vmem>> -> memref<1x1x100xi32, #tpu.memory_space<vmem>>
      %dma_wait3A_875 = tpu.memref_squeeze %dma_wait3A_874 : memref<1x1x100xi32, #tpu.memory_space<vmem>> -> memref<100xi32, #tpu.memory_space<vmem>>
      %dma_wait3A_876 = arith.constant 0 : i32
      %dma_wait3A_877 = arith.constant 0 : i32
      %dma_wait3A_878 = tpu.memref_slice %arg11[%dma_wait3A_876, %dma_wait3A_877] : memref<10112x128xf32, #tpu.memory_space<vmem_shared>> -> memref<10112x128xf32, #tpu.memory_space<vmem_shared>>
      tpu.wait_indirect_dma semaphore(%arg16 : memref<!tpu.dma_semaphore, #tpu.memory_space<semaphore_mem>>) src(%arg9 : memref<100x128xf32, #tpu.memory_space<vmem>>) dst(%dma_wait3A_878 : memref<10112x128xf32, #tpu.memory_space<vmem_shared>>)
      %dma_start3A_879 = arith.constant 22 : i32
      %dma_start3A_880 = arith.constant 0 : i32
      %dma_start3A_881 = arith.constant 0 : i32
      %dma_start3A_882 = tpu.memref_slice %arg6[%dma_start3A_879, %dma_start3A_880, %dma_start3A_881] : memref<24x1x100xi32, #tpu.memory_space<vmem>> -> memref<1x1x100xi32, #tpu.memory_space<vmem>>
      %dma_start3A_883 = tpu.memref_squeeze %dma_start3A_882 : memref<1x1x100xi32, #tpu.memory_space<vmem>> -> memref<100xi32, #tpu.memory_space<vmem>>
      %dma_start3A_884 = arith.constant 0 : i32
      %dma_start3A_885 = arith.constant 0 : i32
      %dma_start3A_886 = tpu.memref_slice %arg4[%dma_start3A_884, %dma_start3A_885] : memref<10000x128xf32, #tpu.memory_space<hbm>> -> memref<10000x128xf32, #tpu.memory_space<hbm>>
      tpu.enqueue_indirect_dma source(%dma_start3A_886 : memref<10000x128xf32, #tpu.memory_space<hbm>>) target(%arg9 : memref<100x128xf32, #tpu.memory_space<vmem>>) offsets(%dma_start3A_883 : memref<100xi32, #tpu.memory_space<vmem>>) semaphore(%arg13 : memref<!tpu.dma_semaphore, #tpu.memory_space<semaphore_mem>>)
      %dma_wait3A_887 = arith.constant 21 : i32
      %dma_wait3A_888 = arith.constant 0 : i32
      %dma_wait3A_889 = arith.constant 0 : i32
      %dma_wait3A_890 = tpu.memref_slice %arg6[%dma_wait3A_887, %dma_wait3A_888, %dma_wait3A_889] : memref<24x1x100xi32, #tpu.memory_space<vmem>> -> memref<1x1x100xi32, #tpu.memory_space<vmem>>
      %dma_wait3A_891 = tpu.memref_squeeze %dma_wait3A_890 : memref<1x1x100xi32, #tpu.memory_space<vmem>> -> memref<100xi32, #tpu.memory_space<vmem>>
      %dma_wait3A_892 = arith.constant 0 : i32
      %dma_wait3A_893 = arith.constant 0 : i32
      %dma_wait3A_894 = tpu.memref_slice %arg4[%dma_wait3A_892, %dma_wait3A_893] : memref<10000x128xf32, #tpu.memory_space<hbm>> -> memref<10000x128xf32, #tpu.memory_space<hbm>>
      tpu.wait_indirect_dma semaphore(%arg12 : memref<!tpu.dma_semaphore, #tpu.memory_space<semaphore_mem>>) src(%dma_wait3A_894 : memref<10000x128xf32, #tpu.memory_space<hbm>>) dst(%arg8 : memref<100x128xf32, #tpu.memory_space<vmem>>)
      %dma_start3A_895 = arith.constant 21 : i32
      %dma_start3A_896 = arith.constant 0 : i32
      %dma_start3A_897 = arith.constant 0 : i32
      %dma_start3A_898 = tpu.memref_slice %arg7[%dma_start3A_895, %dma_start3A_896, %dma_start3A_897] : memref<24x1x100xi32, #tpu.memory_space<vmem>> -> memref<1x1x100xi32, #tpu.memory_space<vmem>>
      %dma_start3A_899 = tpu.memref_squeeze %dma_start3A_898 : memref<1x1x100xi32, #tpu.memory_space<vmem>> -> memref<100xi32, #tpu.memory_space<vmem>>
      %dma_start3A_900 = arith.constant 0 : i32
      %dma_start3A_901 = arith.constant 0 : i32
      %dma_start3A_902 = tpu.memref_slice %arg11[%dma_start3A_900, %dma_start3A_901] : memref<10112x128xf32, #tpu.memory_space<vmem_shared>> -> memref<10112x128xf32, #tpu.memory_space<vmem_shared>>
      tpu.enqueue_indirect_dma source(%arg8 : memref<100x128xf32, #tpu.memory_space<vmem>>) target(%dma_start3A_902 : memref<10112x128xf32, #tpu.memory_space<vmem_shared>>) offsets(%dma_start3A_899 : memref<100xi32, #tpu.memory_space<vmem>>) semaphore(%arg15 : memref<!tpu.dma_semaphore, #tpu.memory_space<semaphore_mem>>) {add = true}
      %dma_wait3A_903 = arith.constant 0 : i32
      %dma_wait3A_904 = arith.constant 0 : i32
      %dma_wait3A_905 = arith.constant 0 : i32
      %dma_wait3A_906 = tpu.memref_slice %arg7[%dma_wait3A_903, %dma_wait3A_904, %dma_wait3A_905] : memref<24x1x100xi32, #tpu.memory_space<vmem>> -> memref<1x1x100xi32, #tpu.memory_space<vmem>>
      %dma_wait3A_907 = tpu.memref_squeeze %dma_wait3A_906 : memref<1x1x100xi32, #tpu.memory_space<vmem>> -> memref<100xi32, #tpu.memory_space<vmem>>
      %dma_wait3A_908 = arith.constant 0 : i32
      %dma_wait3A_909 = arith.constant 0 : i32
      %dma_wait3A_910 = tpu.memref_slice %arg11[%dma_wait3A_908, %dma_wait3A_909] : memref<10112x128xf32, #tpu.memory_space<vmem_shared>> -> memref<10112x128xf32, #tpu.memory_space<vmem_shared>>
      tpu.wait_indirect_dma semaphore(%arg17 : memref<!tpu.dma_semaphore, #tpu.memory_space<semaphore_mem>>) src(%arg10 : memref<100x128xf32, #tpu.memory_space<vmem>>) dst(%dma_wait3A_910 : memref<10112x128xf32, #tpu.memory_space<vmem_shared>>)
      %dma_start3A_911 = arith.constant 23 : i32
      %dma_start3A_912 = arith.constant 0 : i32
      %dma_start3A_913 = arith.constant 0 : i32
      %dma_start3A_914 = tpu.memref_slice %arg6[%dma_start3A_911, %dma_start3A_912, %dma_start3A_913] : memref<24x1x100xi32, #tpu.memory_space<vmem>> -> memref<1x1x100xi32, #tpu.memory_space<vmem>>
      %dma_start3A_915 = tpu.memref_squeeze %dma_start3A_914 : memref<1x1x100xi32, #tpu.memory_space<vmem>> -> memref<100xi32, #tpu.memory_space<vmem>>
      %dma_start3A_916 = arith.constant 0 : i32
      %dma_start3A_917 = arith.constant 0 : i32
      %dma_start3A_918 = tpu.memref_slice %arg4[%dma_start3A_916, %dma_start3A_917] : memref<10000x128xf32, #tpu.memory_space<hbm>> -> memref<10000x128xf32, #tpu.memory_space<hbm>>
      tpu.enqueue_indirect_dma source(%dma_start3A_918 : memref<10000x128xf32, #tpu.memory_space<hbm>>) target(%arg10 : memref<100x128xf32, #tpu.memory_space<vmem>>) offsets(%dma_start3A_915 : memref<100xi32, #tpu.memory_space<vmem>>) semaphore(%arg14 : memref<!tpu.dma_semaphore, #tpu.memory_space<semaphore_mem>>)
      %dma_wait3A_919 = arith.constant 22 : i32
      %dma_wait3A_920 = arith.constant 0 : i32
      %dma_wait3A_921 = arith.constant 0 : i32
      %dma_wait3A_922 = tpu.memref_slice %arg6[%dma_wait3A_919, %dma_wait3A_920, %dma_wait3A_921] : memref<24x1x100xi32, #tpu.memory_space<vmem>> -> memref<1x1x100xi32, #tpu.memory_space<vmem>>
      %dma_wait3A_923 = tpu.memref_squeeze %dma_wait3A_922 : memref<1x1x100xi32, #tpu.memory_space<vmem>> -> memref<100xi32, #tpu.memory_space<vmem>>
      %dma_wait3A_924 = arith.constant 0 : i32
      %dma_wait3A_925 = arith.constant 0 : i32
      %dma_wait3A_926 = tpu.memref_slice %arg4[%dma_wait3A_924, %dma_wait3A_925] : memref<10000x128xf32, #tpu.memory_space<hbm>> -> memref<10000x128xf32, #tpu.memory_space<hbm>>
      tpu.wait_indirect_dma semaphore(%arg13 : memref<!tpu.dma_semaphore, #tpu.memory_space<semaphore_mem>>) src(%dma_wait3A_926 : memref<10000x128xf32, #tpu.memory_space<hbm>>) dst(%arg9 : memref<100x128xf32, #tpu.memory_space<vmem>>)
      %dma_start3A_927 = arith.constant 22 : i32
      %dma_start3A_928 = arith.constant 0 : i32
      %dma_start3A_929 = arith.constant 0 : i32
      %dma_start3A_930 = tpu.memref_slice %arg7[%dma_start3A_927, %dma_start3A_928, %dma_start3A_929] : memref<24x1x100xi32, #tpu.memory_space<vmem>> -> memref<1x1x100xi32, #tpu.memory_space<vmem>>
      %dma_start3A_931 = tpu.memref_squeeze %dma_start3A_930 : memref<1x1x100xi32, #tpu.memory_space<vmem>> -> memref<100xi32, #tpu.memory_space<vmem>>
      %dma_start3A_932 = arith.constant 0 : i32
      %dma_start3A_933 = arith.constant 0 : i32
      %dma_start3A_934 = tpu.memref_slice %arg11[%dma_start3A_932, %dma_start3A_933] : memref<10112x128xf32, #tpu.memory_space<vmem_shared>> -> memref<10112x128xf32, #tpu.memory_space<vmem_shared>>
      tpu.enqueue_indirect_dma source(%arg9 : memref<100x128xf32, #tpu.memory_space<vmem>>) target(%dma_start3A_934 : memref<10112x128xf32, #tpu.memory_space<vmem_shared>>) offsets(%dma_start3A_931 : memref<100xi32, #tpu.memory_space<vmem>>) semaphore(%arg16 : memref<!tpu.dma_semaphore, #tpu.memory_space<semaphore_mem>>) {add = true}
      %dma_wait3A_935 = arith.constant 23 : i32
      %dma_wait3A_936 = arith.constant 0 : i32
      %dma_wait3A_937 = arith.constant 0 : i32
      %dma_wait3A_938 = tpu.memref_slice %arg6[%dma_wait3A_935, %dma_wait3A_936, %dma_wait3A_937] : memref<24x1x100xi32, #tpu.memory_space<vmem>> -> memref<1x1x100xi32, #tpu.memory_space<vmem>>
      %dma_wait3A_939 = tpu.memref_squeeze %dma_wait3A_938 : memref<1x1x100xi32, #tpu.memory_space<vmem>> -> memref<100xi32, #tpu.memory_space<vmem>>
      %dma_wait3A_940 = arith.constant 0 : i32
      %dma_wait3A_941 = arith.constant 0 : i32
      %dma_wait3A_942 = tpu.memref_slice %arg4[%dma_wait3A_940, %dma_wait3A_941] : memref<10000x128xf32, #tpu.memory_space<hbm>> -> memref<10000x128xf32, #tpu.memory_space<hbm>>
      tpu.wait_indirect_dma semaphore(%arg14 : memref<!tpu.dma_semaphore, #tpu.memory_space<semaphore_mem>>) src(%dma_wait3A_942 : memref<10000x128xf32, #tpu.memory_space<hbm>>) dst(%arg10 : memref<100x128xf32, #tpu.memory_space<vmem>>)
      %dma_start3A_943 = arith.constant 23 : i32
      %dma_start3A_944 = arith.constant 0 : i32
      %dma_start3A_945 = arith.constant 0 : i32
      %dma_start3A_946 = tpu.memref_slice %arg7[%dma_start3A_943, %dma_start3A_944, %dma_start3A_945] : memref<24x1x100xi32, #tpu.memory_space<vmem>> -> memref<1x1x100xi32, #tpu.memory_space<vmem>>
      %dma_start3A_947 = tpu.memref_squeeze %dma_start3A_946 : memref<1x1x100xi32, #tpu.memory_space<vmem>> -> memref<100xi32, #tpu.memory_space<vmem>>
      %dma_start3A_948 = arith.constant 0 : i32
      %dma_start3A_949 = arith.constant 0 : i32
      %dma_start3A_950 = tpu.memref_slice %arg11[%dma_start3A_948, %dma_start3A_949] : memref<10112x128xf32, #tpu.memory_space<vmem_shared>> -> memref<10112x128xf32, #tpu.memory_space<vmem_shared>>
      tpu.enqueue_indirect_dma source(%arg10 : memref<100x128xf32, #tpu.memory_space<vmem>>) target(%dma_start3A_950 : memref<10112x128xf32, #tpu.memory_space<vmem_shared>>) offsets(%dma_start3A_947 : memref<100xi32, #tpu.memory_space<vmem>>) semaphore(%arg17 : memref<!tpu.dma_semaphore, #tpu.memory_space<semaphore_mem>>) {add = true}
      %scan3A_951 = arith.constant 0 : i32
      scf.yield %scan3A_951 : i32
    }
    %scan3A_41 = arith.constant 4 : i32
    %dma_wait3A = arith.constant 0 : i32
    %dma_wait3A_42 = arith.constant 0 : i32
    %dma_wait3A_43 = arith.constant 0 : i32
    %dma_wait3A_44 = tpu.memref_slice %arg7[%dma_wait3A, %dma_wait3A_42, %dma_wait3A_43] : memref<24x1x100xi32, #tpu.memory_space<vmem>> -> memref<1x1x100xi32, #tpu.memory_space<vmem>>
    %dma_wait3A_45 = tpu.memref_squeeze %dma_wait3A_44 : memref<1x1x100xi32, #tpu.memory_space<vmem>> -> memref<100xi32, #tpu.memory_space<vmem>>
    %dma_wait3A_46 = arith.constant 0 : i32
    %dma_wait3A_47 = arith.constant 0 : i32
    %dma_wait3A_48 = tpu.memref_slice %arg11[%dma_wait3A_46, %dma_wait3A_47] : memref<10112x128xf32, #tpu.memory_space<vmem_shared>> -> memref<10112x128xf32, #tpu.memory_space<vmem_shared>>
    tpu.wait_indirect_dma semaphore(%arg15 : memref<!tpu.dma_semaphore, #tpu.memory_space<semaphore_mem>>) src(%arg8 : memref<100x128xf32, #tpu.memory_space<vmem>>) dst(%dma_wait3A_48 : memref<10112x128xf32, #tpu.memory_space<vmem_shared>>)
    %dma_wait3A_49 = arith.constant 0 : i32
    %dma_wait3A_50 = arith.constant 0 : i32
    %dma_wait3A_51 = arith.constant 0 : i32
    %dma_wait3A_52 = tpu.memref_slice %arg7[%dma_wait3A_49, %dma_wait3A_50, %dma_wait3A_51] : memref<24x1x100xi32, #tpu.memory_space<vmem>> -> memref<1x1x100xi32, #tpu.memory_space<vmem>>
    %dma_wait3A_53 = tpu.memref_squeeze %dma_wait3A_52 : memref<1x1x100xi32, #tpu.memory_space<vmem>> -> memref<100xi32, #tpu.memory_space<vmem>>
    %dma_wait3A_54 = arith.constant 0 : i32
    %dma_wait3A_55 = arith.constant 0 : i32
    %dma_wait3A_56 = tpu.memref_slice %arg11[%dma_wait3A_54, %dma_wait3A_55] : memref<10112x128xf32, #tpu.memory_space<vmem_shared>> -> memref<10112x128xf32, #tpu.memory_space<vmem_shared>>
    tpu.wait_indirect_dma semaphore(%arg16 : memref<!tpu.dma_semaphore, #tpu.memory_space<semaphore_mem>>) src(%arg9 : memref<100x128xf32, #tpu.memory_space<vmem>>) dst(%dma_wait3A_56 : memref<10112x128xf32, #tpu.memory_space<vmem_shared>>)
    %dma_wait3A_57 = arith.constant 0 : i32
    %dma_wait3A_58 = arith.constant 0 : i32
    %dma_wait3A_59 = arith.constant 0 : i32
    %dma_wait3A_60 = tpu.memref_slice %arg7[%dma_wait3A_57, %dma_wait3A_58, %dma_wait3A_59] : memref<24x1x100xi32, #tpu.memory_space<vmem>> -> memref<1x1x100xi32, #tpu.memory_space<vmem>>
    %dma_wait3A_61 = tpu.memref_squeeze %dma_wait3A_60 : memref<1x1x100xi32, #tpu.memory_space<vmem>> -> memref<100xi32, #tpu.memory_space<vmem>>
    %dma_wait3A_62 = arith.constant 0 : i32
    %dma_wait3A_63 = arith.constant 0 : i32
    %dma_wait3A_64 = tpu.memref_slice %arg11[%dma_wait3A_62, %dma_wait3A_63] : memref<10112x128xf32, #tpu.memory_space<vmem_shared>> -> memref<10112x128xf32, #tpu.memory_space<vmem_shared>>
    tpu.wait_indirect_dma semaphore(%arg17 : memref<!tpu.dma_semaphore, #tpu.memory_space<semaphore_mem>>) src(%arg10 : memref<100x128xf32, #tpu.memory_space<vmem>>) dst(%dma_wait3A_64 : memref<10112x128xf32, #tpu.memory_space<vmem_shared>>)
    "tpu.region"() ({
      %run_scoped3A = tpu.sem_alloc : memref<!tpu.dma_semaphore, #tpu.memory_space<semaphore_mem>>
      %dma_start3A_199 = arith.constant 0 : i32
      %dma_start3A_200 = arith.constant 0 : i32
      %dma_start3A_201 = arith.constant 0 : i32
      %dma_start3A_202 = tpu.memref_slice %arg6[%dma_start3A_199, %dma_start3A_200, %dma_start3A_201] : memref<24x1x100xi32, #tpu.memory_space<vmem>> -> memref<4x1x100xi32, #tpu.memory_space<vmem>>
      %dma_start3A_203 = arith.constant 96 : i32
      %dma_start3A_204 = arith.constant 0 : i32
      %dma_start3A_205 = arith.constant 0 : i32
      %dma_start3A_206 = tpu.memref_slice %arg2[%add3A, %dma_start3A_203, %dma_start3A_204, %dma_start3A_205] : memref<32x100x1x100xi32, #tpu.memory_space<hbm>> -> memref<1x4x1x100xi32, #tpu.memory_space<hbm>>
      %dma_start3A_207 = tpu.memref_squeeze %dma_start3A_206 : memref<1x4x1x100xi32, #tpu.memory_space<hbm>> -> memref<4x1x100xi32, #tpu.memory_space<hbm>>
      %dma_start3A_208 = arith.constant 0 : i32
      %dma_start3A_209 = arith.constant 0 : i32
      %dma_start3A_210 = arith.constant 0 : i32
      %dma_start3A_211 = tpu.memref_slice %arg6[%dma_start3A_208, %dma_start3A_209, %dma_start3A_210] : memref<24x1x100xi32, #tpu.memory_space<vmem>> -> memref<4x1x100xi32, #tpu.memory_space<vmem>>
      %dma_start3A_212 = arith.constant 96 : i32
      %dma_start3A_213 = arith.constant 0 : i32
      %dma_start3A_214 = arith.constant 0 : i32
      %dma_start3A_215 = tpu.memref_slice %arg2[%add3A, %dma_start3A_212, %dma_start3A_213, %dma_start3A_214] : memref<32x100x1x100xi32, #tpu.memory_space<hbm>> -> memref<1x4x1x100xi32, #tpu.memory_space<hbm>>
      %dma_start3A_216 = tpu.memref_squeeze %dma_start3A_215 : memref<1x4x1x100xi32, #tpu.memory_space<hbm>> -> memref<4x1x100xi32, #tpu.memory_space<hbm>>
      tpu.enqueue_dma source(%dma_start3A_216 : memref<4x1x100xi32, #tpu.memory_space<hbm>>) target(%dma_start3A_211 : memref<4x1x100xi32, #tpu.memory_space<vmem>>) target_semaphore(%run_scoped3A : memref<!tpu.dma_semaphore, #tpu.memory_space<semaphore_mem>>)
      %dma_wait3A_217 = arith.constant 0 : i32
      %dma_wait3A_218 = arith.constant 0 : i32
      %dma_wait3A_219 = arith.constant 0 : i32
      %dma_wait3A_220 = tpu.memref_slice %arg6[%dma_wait3A_217, %dma_wait3A_218, %dma_wait3A_219] : memref<24x1x100xi32, #tpu.memory_space<vmem>> -> memref<4x1x100xi32, #tpu.memory_space<vmem>>
      %dma_wait3A_221 = arith.constant 96 : i32
      %dma_wait3A_222 = arith.constant 0 : i32
      %dma_wait3A_223 = arith.constant 0 : i32
      %dma_wait3A_224 = tpu.memref_slice %arg2[%add3A, %dma_wait3A_221, %dma_wait3A_222, %dma_wait3A_223] : memref<32x100x1x100xi32, #tpu.memory_space<hbm>> -> memref<1x4x1x100xi32, #tpu.memory_space<hbm>>
      %dma_wait3A_225 = tpu.memref_squeeze %dma_wait3A_224 : memref<1x4x1x100xi32, #tpu.memory_space<hbm>> -> memref<4x1x100xi32, #tpu.memory_space<hbm>>
      %dma_wait3A_226 = arith.constant 0 : i32
      %dma_wait3A_227 = arith.constant 0 : i32
      %dma_wait3A_228 = arith.constant 0 : i32
      %dma_wait3A_229 = tpu.memref_slice %arg6[%dma_wait3A_226, %dma_wait3A_227, %dma_wait3A_228] : memref<24x1x100xi32, #tpu.memory_space<vmem>> -> memref<4x1x100xi32, #tpu.memory_space<vmem>>
      %dma_wait3A_230 = arith.constant 96 : i32
      %dma_wait3A_231 = arith.constant 0 : i32
      %dma_wait3A_232 = arith.constant 0 : i32
      %dma_wait3A_233 = tpu.memref_slice %arg2[%add3A, %dma_wait3A_230, %dma_wait3A_231, %dma_wait3A_232] : memref<32x100x1x100xi32, #tpu.memory_space<hbm>> -> memref<1x4x1x100xi32, #tpu.memory_space<hbm>>
      %dma_wait3A_234 = tpu.memref_squeeze %dma_wait3A_233 : memref<1x4x1x100xi32, #tpu.memory_space<hbm>> -> memref<4x1x100xi32, #tpu.memory_space<hbm>>
      tpu.wait_dma2 semaphore(%run_scoped3A : memref<!tpu.dma_semaphore, #tpu.memory_space<semaphore_mem>>) src(%dma_wait3A_234 : memref<4x1x100xi32, #tpu.memory_space<hbm>>) dst(%dma_wait3A_229 : memref<4x1x100xi32, #tpu.memory_space<vmem>>)
      tpu.yield
    }) : () -> ()
    "tpu.region"() ({
      %run_scoped3A = tpu.sem_alloc : memref<!tpu.dma_semaphore, #tpu.memory_space<semaphore_mem>>
      %dma_start3A_199 = arith.constant 0 : i32
      %dma_start3A_200 = arith.constant 0 : i32
      %dma_start3A_201 = arith.constant 0 : i32
      %dma_start3A_202 = tpu.memref_slice %arg7[%dma_start3A_199, %dma_start3A_200, %dma_start3A_201] : memref<24x1x100xi32, #tpu.memory_space<vmem>> -> memref<4x1x100xi32, #tpu.memory_space<vmem>>
      %dma_start3A_203 = arith.constant 96 : i32
      %dma_start3A_204 = arith.constant 0 : i32
      %dma_start3A_205 = arith.constant 0 : i32
      %dma_start3A_206 = tpu.memref_slice %arg3[%add3A, %dma_start3A_203, %dma_start3A_204, %dma_start3A_205] : memref<32x100x1x100xi32, #tpu.memory_space<hbm>> -> memref<1x4x1x100xi32, #tpu.memory_space<hbm>>
      %dma_start3A_207 = tpu.memref_squeeze %dma_start3A_206 : memref<1x4x1x100xi32, #tpu.memory_space<hbm>> -> memref<4x1x100xi32, #tpu.memory_space<hbm>>
      %dma_start3A_208 = arith.constant 0 : i32
      %dma_start3A_209 = arith.constant 0 : i32
      %dma_start3A_210 = arith.constant 0 : i32
      %dma_start3A_211 = tpu.memref_slice %arg7[%dma_start3A_208, %dma_start3A_209, %dma_start3A_210] : memref<24x1x100xi32, #tpu.memory_space<vmem>> -> memref<4x1x100xi32, #tpu.memory_space<vmem>>
      %dma_start3A_212 = arith.constant 96 : i32
      %dma_start3A_213 = arith.constant 0 : i32
      %dma_start3A_214 = arith.constant 0 : i32
      %dma_start3A_215 = tpu.memref_slice %arg3[%add3A, %dma_start3A_212, %dma_start3A_213, %dma_start3A_214] : memref<32x100x1x100xi32, #tpu.memory_space<hbm>> -> memref<1x4x1x100xi32, #tpu.memory_space<hbm>>
      %dma_start3A_216 = tpu.memref_squeeze %dma_start3A_215 : memref<1x4x1x100xi32, #tpu.memory_space<hbm>> -> memref<4x1x100xi32, #tpu.memory_space<hbm>>
      tpu.enqueue_dma source(%dma_start3A_216 : memref<4x1x100xi32, #tpu.memory_space<hbm>>) target(%dma_start3A_211 : memref<4x1x100xi32, #tpu.memory_space<vmem>>) target_semaphore(%run_scoped3A : memref<!tpu.dma_semaphore, #tpu.memory_space<semaphore_mem>>)
      %dma_wait3A_217 = arith.constant 0 : i32
      %dma_wait3A_218 = arith.constant 0 : i32
      %dma_wait3A_219 = arith.constant 0 : i32
      %dma_wait3A_220 = tpu.memref_slice %arg7[%dma_wait3A_217, %dma_wait3A_218, %dma_wait3A_219] : memref<24x1x100xi32, #tpu.memory_space<vmem>> -> memref<4x1x100xi32, #tpu.memory_space<vmem>>
      %dma_wait3A_221 = arith.constant 96 : i32
      %dma_wait3A_222 = arith.constant 0 : i32
      %dma_wait3A_223 = arith.constant 0 : i32
      %dma_wait3A_224 = tpu.memref_slice %arg3[%add3A, %dma_wait3A_221, %dma_wait3A_222, %dma_wait3A_223] : memref<32x100x1x100xi32, #tpu.memory_space<hbm>> -> memref<1x4x1x100xi32, #tpu.memory_space<hbm>>
      %dma_wait3A_225 = tpu.memref_squeeze %dma_wait3A_224 : memref<1x4x1x100xi32, #tpu.memory_space<hbm>> -> memref<4x1x100xi32, #tpu.memory_space<hbm>>
      %dma_wait3A_226 = arith.constant 0 : i32
      %dma_wait3A_227 = arith.constant 0 : i32
      %dma_wait3A_228 = arith.constant 0 : i32
      %dma_wait3A_229 = tpu.memref_slice %arg7[%dma_wait3A_226, %dma_wait3A_227, %dma_wait3A_228] : memref<24x1x100xi32, #tpu.memory_space<vmem>> -> memref<4x1x100xi32, #tpu.memory_space<vmem>>
      %dma_wait3A_230 = arith.constant 96 : i32
      %dma_wait3A_231 = arith.constant 0 : i32
      %dma_wait3A_232 = arith.constant 0 : i32
      %dma_wait3A_233 = tpu.memref_slice %arg3[%add3A, %dma_wait3A_230, %dma_wait3A_231, %dma_wait3A_232] : memref<32x100x1x100xi32, #tpu.memory_space<hbm>> -> memref<1x4x1x100xi32, #tpu.memory_space<hbm>>
      %dma_wait3A_234 = tpu.memref_squeeze %dma_wait3A_233 : memref<1x4x1x100xi32, #tpu.memory_space<hbm>> -> memref<4x1x100xi32, #tpu.memory_space<hbm>>
      tpu.wait_dma2 semaphore(%run_scoped3A : memref<!tpu.dma_semaphore, #tpu.memory_space<semaphore_mem>>) src(%dma_wait3A_234 : memref<4x1x100xi32, #tpu.memory_space<hbm>>) dst(%dma_wait3A_229 : memref<4x1x100xi32, #tpu.memory_space<vmem>>)
      tpu.yield
    }) : () -> ()
    %dma_start3A = arith.constant 0 : i32
    %dma_start3A_65 = arith.constant 0 : i32
    %dma_start3A_66 = arith.constant 0 : i32
    %dma_start3A_67 = tpu.memref_slice %arg6[%dma_start3A, %dma_start3A_65, %dma_start3A_66] : memref<24x1x100xi32, #tpu.memory_space<vmem>> -> memref<1x1x100xi32, #tpu.memory_space<vmem>>
    %dma_start3A_68 = tpu.memref_squeeze %dma_start3A_67 : memref<1x1x100xi32, #tpu.memory_space<vmem>> -> memref<100xi32, #tpu.memory_space<vmem>>
    %dma_start3A_69 = arith.constant 0 : i32
    %dma_start3A_70 = arith.constant 0 : i32
    %dma_start3A_71 = tpu.memref_slice %arg4[%dma_start3A_69, %dma_start3A_70] : memref<10000x128xf32, #tpu.memory_space<hbm>> -> memref<10000x128xf32, #tpu.memory_space<hbm>>
    tpu.enqueue_indirect_dma source(%dma_start3A_71 : memref<10000x128xf32, #tpu.memory_space<hbm>>) target(%arg8 : memref<100x128xf32, #tpu.memory_space<vmem>>) offsets(%dma_start3A_68 : memref<100xi32, #tpu.memory_space<vmem>>) semaphore(%arg12 : memref<!tpu.dma_semaphore, #tpu.memory_space<semaphore_mem>>)
    %dma_start3A_72 = arith.constant 1 : i32
    %dma_start3A_73 = arith.constant 0 : i32
    %dma_start3A_74 = arith.constant 0 : i32
    %dma_start3A_75 = tpu.memref_slice %arg6[%dma_start3A_72, %dma_start3A_73, %dma_start3A_74] : memref<24x1x100xi32, #tpu.memory_space<vmem>> -> memref<1x1x100xi32, #tpu.memory_space<vmem>>
    %dma_start3A_76 = tpu.memref_squeeze %dma_start3A_75 : memref<1x1x100xi32, #tpu.memory_space<vmem>> -> memref<100xi32, #tpu.memory_space<vmem>>
    %dma_start3A_77 = arith.constant 0 : i32
    %dma_start3A_78 = arith.constant 0 : i32
    %dma_start3A_79 = tpu.memref_slice %arg4[%dma_start3A_77, %dma_start3A_78] : memref<10000x128xf32, #tpu.memory_space<hbm>> -> memref<10000x128xf32, #tpu.memory_space<hbm>>
    tpu.enqueue_indirect_dma source(%dma_start3A_79 : memref<10000x128xf32, #tpu.memory_space<hbm>>) target(%arg9 : memref<100x128xf32, #tpu.memory_space<vmem>>) offsets(%dma_start3A_76 : memref<100xi32, #tpu.memory_space<vmem>>) semaphore(%arg13 : memref<!tpu.dma_semaphore, #tpu.memory_space<semaphore_mem>>)
    %dma_wait3A_80 = arith.constant 0 : i32
    %dma_wait3A_81 = arith.constant 0 : i32
    %dma_wait3A_82 = arith.constant 0 : i32
    %dma_wait3A_83 = tpu.memref_slice %arg6[%dma_wait3A_80, %dma_wait3A_81, %dma_wait3A_82] : memref<24x1x100xi32, #tpu.memory_space<vmem>> -> memref<1x1x100xi32, #tpu.memory_space<vmem>>
    %dma_wait3A_84 = tpu.memref_squeeze %dma_wait3A_83 : memref<1x1x100xi32, #tpu.memory_space<vmem>> -> memref<100xi32, #tpu.memory_space<vmem>>
    %dma_wait3A_85 = arith.constant 0 : i32
    %dma_wait3A_86 = arith.constant 0 : i32
    %dma_wait3A_87 = tpu.memref_slice %arg4[%dma_wait3A_85, %dma_wait3A_86] : memref<10000x128xf32, #tpu.memory_space<hbm>> -> memref<10000x128xf32, #tpu.memory_space<hbm>>
    tpu.wait_indirect_dma semaphore(%arg12 : memref<!tpu.dma_semaphore, #tpu.memory_space<semaphore_mem>>) src(%dma_wait3A_87 : memref<10000x128xf32, #tpu.memory_space<hbm>>) dst(%arg8 : memref<100x128xf32, #tpu.memory_space<vmem>>)
    %dma_start3A_88 = arith.constant 0 : i32
    %dma_start3A_89 = arith.constant 0 : i32
    %dma_start3A_90 = arith.constant 0 : i32
    %dma_start3A_91 = tpu.memref_slice %arg7[%dma_start3A_88, %dma_start3A_89, %dma_start3A_90] : memref<24x1x100xi32, #tpu.memory_space<vmem>> -> memref<1x1x100xi32, #tpu.memory_space<vmem>>
    %dma_start3A_92 = tpu.memref_squeeze %dma_start3A_91 : memref<1x1x100xi32, #tpu.memory_space<vmem>> -> memref<100xi32, #tpu.memory_space<vmem>>
    %dma_start3A_93 = arith.constant 0 : i32
    %dma_start3A_94 = arith.constant 0 : i32
    %dma_start3A_95 = tpu.memref_slice %arg11[%dma_start3A_93, %dma_start3A_94] : memref<10112x128xf32, #tpu.memory_space<vmem_shared>> -> memref<10112x128xf32, #tpu.memory_space<vmem_shared>>
    tpu.enqueue_indirect_dma source(%arg8 : memref<100x128xf32, #tpu.memory_space<vmem>>) target(%dma_start3A_95 : memref<10112x128xf32, #tpu.memory_space<vmem_shared>>) offsets(%dma_start3A_92 : memref<100xi32, #tpu.memory_space<vmem>>) semaphore(%arg15 : memref<!tpu.dma_semaphore, #tpu.memory_space<semaphore_mem>>) {add = true}
    %dma_start3A_96 = arith.constant 2 : i32
    %dma_start3A_97 = arith.constant 0 : i32
    %dma_start3A_98 = arith.constant 0 : i32
    %dma_start3A_99 = tpu.memref_slice %arg6[%dma_start3A_96, %dma_start3A_97, %dma_start3A_98] : memref<24x1x100xi32, #tpu.memory_space<vmem>> -> memref<1x1x100xi32, #tpu.memory_space<vmem>>
    %dma_start3A_100 = tpu.memref_squeeze %dma_start3A_99 : memref<1x1x100xi32, #tpu.memory_space<vmem>> -> memref<100xi32, #tpu.memory_space<vmem>>
    %dma_start3A_101 = arith.constant 0 : i32
    %dma_start3A_102 = arith.constant 0 : i32
    %dma_start3A_103 = tpu.memref_slice %arg4[%dma_start3A_101, %dma_start3A_102] : memref<10000x128xf32, #tpu.memory_space<hbm>> -> memref<10000x128xf32, #tpu.memory_space<hbm>>
    tpu.enqueue_indirect_dma source(%dma_start3A_103 : memref<10000x128xf32, #tpu.memory_space<hbm>>) target(%arg10 : memref<100x128xf32, #tpu.memory_space<vmem>>) offsets(%dma_start3A_100 : memref<100xi32, #tpu.memory_space<vmem>>) semaphore(%arg14 : memref<!tpu.dma_semaphore, #tpu.memory_space<semaphore_mem>>)
    %dma_wait3A_104 = arith.constant 1 : i32
    %dma_wait3A_105 = arith.constant 0 : i32
    %dma_wait3A_106 = arith.constant 0 : i32
    %dma_wait3A_107 = tpu.memref_slice %arg6[%dma_wait3A_104, %dma_wait3A_105, %dma_wait3A_106] : memref<24x1x100xi32, #tpu.memory_space<vmem>> -> memref<1x1x100xi32, #tpu.memory_space<vmem>>
    %dma_wait3A_108 = tpu.memref_squeeze %dma_wait3A_107 : memref<1x1x100xi32, #tpu.memory_space<vmem>> -> memref<100xi32, #tpu.memory_space<vmem>>
    %dma_wait3A_109 = arith.constant 0 : i32
    %dma_wait3A_110 = arith.constant 0 : i32
    %dma_wait3A_111 = tpu.memref_slice %arg4[%dma_wait3A_109, %dma_wait3A_110] : memref<10000x128xf32, #tpu.memory_space<hbm>> -> memref<10000x128xf32, #tpu.memory_space<hbm>>
    tpu.wait_indirect_dma semaphore(%arg13 : memref<!tpu.dma_semaphore, #tpu.memory_space<semaphore_mem>>) src(%dma_wait3A_111 : memref<10000x128xf32, #tpu.memory_space<hbm>>) dst(%arg9 : memref<100x128xf32, #tpu.memory_space<vmem>>)
    %dma_start3A_112 = arith.constant 1 : i32
    %dma_start3A_113 = arith.constant 0 : i32
    %dma_start3A_114 = arith.constant 0 : i32
    %dma_start3A_115 = tpu.memref_slice %arg7[%dma_start3A_112, %dma_start3A_113, %dma_start3A_114] : memref<24x1x100xi32, #tpu.memory_space<vmem>> -> memref<1x1x100xi32, #tpu.memory_space<vmem>>
    %dma_start3A_116 = tpu.memref_squeeze %dma_start3A_115 : memref<1x1x100xi32, #tpu.memory_space<vmem>> -> memref<100xi32, #tpu.memory_space<vmem>>
    %dma_start3A_117 = arith.constant 0 : i32
    %dma_start3A_118 = arith.constant 0 : i32
    %dma_start3A_119 = tpu.memref_slice %arg11[%dma_start3A_117, %dma_start3A_118] : memref<10112x128xf32, #tpu.memory_space<vmem_shared>> -> memref<10112x128xf32, #tpu.memory_space<vmem_shared>>
    tpu.enqueue_indirect_dma source(%arg9 : memref<100x128xf32, #tpu.memory_space<vmem>>) target(%dma_start3A_119 : memref<10112x128xf32, #tpu.memory_space<vmem_shared>>) offsets(%dma_start3A_116 : memref<100xi32, #tpu.memory_space<vmem>>) semaphore(%arg16 : memref<!tpu.dma_semaphore, #tpu.memory_space<semaphore_mem>>) {add = true}
    %dma_wait3A_120 = arith.constant 0 : i32
    %dma_wait3A_121 = arith.constant 0 : i32
    %dma_wait3A_122 = arith.constant 0 : i32
    %dma_wait3A_123 = tpu.memref_slice %arg7[%dma_wait3A_120, %dma_wait3A_121, %dma_wait3A_122] : memref<24x1x100xi32, #tpu.memory_space<vmem>> -> memref<1x1x100xi32, #tpu.memory_space<vmem>>
    %dma_wait3A_124 = tpu.memref_squeeze %dma_wait3A_123 : memref<1x1x100xi32, #tpu.memory_space<vmem>> -> memref<100xi32, #tpu.memory_space<vmem>>
    %dma_wait3A_125 = arith.constant 0 : i32
    %dma_wait3A_126 = arith.constant 0 : i32
    %dma_wait3A_127 = tpu.memref_slice %arg11[%dma_wait3A_125, %dma_wait3A_126] : memref<10112x128xf32, #tpu.memory_space<vmem_shared>> -> memref<10112x128xf32, #tpu.memory_space<vmem_shared>>
    tpu.wait_indirect_dma semaphore(%arg15 : memref<!tpu.dma_semaphore, #tpu.memory_space<semaphore_mem>>) src(%arg8 : memref<100x128xf32, #tpu.memory_space<vmem>>) dst(%dma_wait3A_127 : memref<10112x128xf32, #tpu.memory_space<vmem_shared>>)
    %dma_start3A_128 = arith.constant 3 : i32
    %dma_start3A_129 = arith.constant 0 : i32
    %dma_start3A_130 = arith.constant 0 : i32
    %dma_start3A_131 = tpu.memref_slice %arg6[%dma_start3A_128, %dma_start3A_129, %dma_start3A_130] : memref<24x1x100xi32, #tpu.memory_space<vmem>> -> memref<1x1x100xi32, #tpu.memory_space<vmem>>
    %dma_start3A_132 = tpu.memref_squeeze %dma_start3A_131 : memref<1x1x100xi32, #tpu.memory_space<vmem>> -> memref<100xi32, #tpu.memory_space<vmem>>
    %dma_start3A_133 = arith.constant 0 : i32
    %dma_start3A_134 = arith.constant 0 : i32
    %dma_start3A_135 = tpu.memref_slice %arg4[%dma_start3A_133, %dma_start3A_134] : memref<10000x128xf32, #tpu.memory_space<hbm>> -> memref<10000x128xf32, #tpu.memory_space<hbm>>
    tpu.enqueue_indirect_dma source(%dma_start3A_135 : memref<10000x128xf32, #tpu.memory_space<hbm>>) target(%arg8 : memref<100x128xf32, #tpu.memory_space<vmem>>) offsets(%dma_start3A_132 : memref<100xi32, #tpu.memory_space<vmem>>) semaphore(%arg12 : memref<!tpu.dma_semaphore, #tpu.memory_space<semaphore_mem>>)
    %dma_wait3A_136 = arith.constant 2 : i32
    %dma_wait3A_137 = arith.constant 0 : i32
    %dma_wait3A_138 = arith.constant 0 : i32
    %dma_wait3A_139 = tpu.memref_slice %arg6[%dma_wait3A_136, %dma_wait3A_137, %dma_wait3A_138] : memref<24x1x100xi32, #tpu.memory_space<vmem>> -> memref<1x1x100xi32, #tpu.memory_space<vmem>>
    %dma_wait3A_140 = tpu.memref_squeeze %dma_wait3A_139 : memref<1x1x100xi32, #tpu.memory_space<vmem>> -> memref<100xi32, #tpu.memory_space<vmem>>
    %dma_wait3A_141 = arith.constant 0 : i32
    %dma_wait3A_142 = arith.constant 0 : i32
    %dma_wait3A_143 = tpu.memref_slice %arg4[%dma_wait3A_141, %dma_wait3A_142] : memref<10000x128xf32, #tpu.memory_space<hbm>> -> memref<10000x128xf32, #tpu.memory_space<hbm>>
    tpu.wait_indirect_dma semaphore(%arg14 : memref<!tpu.dma_semaphore, #tpu.memory_space<semaphore_mem>>) src(%dma_wait3A_143 : memref<10000x128xf32, #tpu.memory_space<hbm>>) dst(%arg10 : memref<100x128xf32, #tpu.memory_space<vmem>>)
    %dma_start3A_144 = arith.constant 2 : i32
    %dma_start3A_145 = arith.constant 0 : i32
    %dma_start3A_146 = arith.constant 0 : i32
    %dma_start3A_147 = tpu.memref_slice %arg7[%dma_start3A_144, %dma_start3A_145, %dma_start3A_146] : memref<24x1x100xi32, #tpu.memory_space<vmem>> -> memref<1x1x100xi32, #tpu.memory_space<vmem>>
    %dma_start3A_148 = tpu.memref_squeeze %dma_start3A_147 : memref<1x1x100xi32, #tpu.memory_space<vmem>> -> memref<100xi32, #tpu.memory_space<vmem>>
    %dma_start3A_149 = arith.constant 0 : i32
    %dma_start3A_150 = arith.constant 0 : i32
    %dma_start3A_151 = tpu.memref_slice %arg11[%dma_start3A_149, %dma_start3A_150] : memref<10112x128xf32, #tpu.memory_space<vmem_shared>> -> memref<10112x128xf32, #tpu.memory_space<vmem_shared>>
    tpu.enqueue_indirect_dma source(%arg10 : memref<100x128xf32, #tpu.memory_space<vmem>>) target(%dma_start3A_151 : memref<10112x128xf32, #tpu.memory_space<vmem_shared>>) offsets(%dma_start3A_148 : memref<100xi32, #tpu.memory_space<vmem>>) semaphore(%arg17 : memref<!tpu.dma_semaphore, #tpu.memory_space<semaphore_mem>>) {add = true}
    %dma_wait3A_152 = arith.constant 3 : i32
    %dma_wait3A_153 = arith.constant 0 : i32
    %dma_wait3A_154 = arith.constant 0 : i32
    %dma_wait3A_155 = tpu.memref_slice %arg6[%dma_wait3A_152, %dma_wait3A_153, %dma_wait3A_154] : memref<24x1x100xi32, #tpu.memory_space<vmem>> -> memref<1x1x100xi32, #tpu.memory_space<vmem>>
    %dma_wait3A_156 = tpu.memref_squeeze %dma_wait3A_155 : memref<1x1x100xi32, #tpu.memory_space<vmem>> -> memref<100xi32, #tpu.memory_space<vmem>>
    %dma_wait3A_157 = arith.constant 0 : i32
    %dma_wait3A_158 = arith.constant 0 : i32
    %dma_wait3A_159 = tpu.memref_slice %arg4[%dma_wait3A_157, %dma_wait3A_158] : memref<10000x128xf32, #tpu.memory_space<hbm>> -> memref<10000x128xf32, #tpu.memory_space<hbm>>
    tpu.wait_indirect_dma semaphore(%arg12 : memref<!tpu.dma_semaphore, #tpu.memory_space<semaphore_mem>>) src(%dma_wait3A_159 : memref<10000x128xf32, #tpu.memory_space<hbm>>) dst(%arg8 : memref<100x128xf32, #tpu.memory_space<vmem>>)
    %dma_start3A_160 = arith.constant 3 : i32
    %dma_start3A_161 = arith.constant 0 : i32
    %dma_start3A_162 = arith.constant 0 : i32
    %dma_start3A_163 = tpu.memref_slice %arg7[%dma_start3A_160, %dma_start3A_161, %dma_start3A_162] : memref<24x1x100xi32, #tpu.memory_space<vmem>> -> memref<1x1x100xi32, #tpu.memory_space<vmem>>
    %dma_start3A_164 = tpu.memref_squeeze %dma_start3A_163 : memref<1x1x100xi32, #tpu.memory_space<vmem>> -> memref<100xi32, #tpu.memory_space<vmem>>
    %dma_start3A_165 = arith.constant 0 : i32
    %dma_start3A_166 = arith.constant 0 : i32
    %dma_start3A_167 = tpu.memref_slice %arg11[%dma_start3A_165, %dma_start3A_166] : memref<10112x128xf32, #tpu.memory_space<vmem_shared>> -> memref<10112x128xf32, #tpu.memory_space<vmem_shared>>
    tpu.enqueue_indirect_dma source(%arg8 : memref<100x128xf32, #tpu.memory_space<vmem>>) target(%dma_start3A_167 : memref<10112x128xf32, #tpu.memory_space<vmem_shared>>) offsets(%dma_start3A_164 : memref<100xi32, #tpu.memory_space<vmem>>) semaphore(%arg15 : memref<!tpu.dma_semaphore, #tpu.memory_space<semaphore_mem>>) {add = true}
    %dma_wait3A_168 = arith.constant 0 : i32
    %dma_wait3A_169 = arith.constant 0 : i32
    %dma_wait3A_170 = arith.constant 0 : i32
    %dma_wait3A_171 = tpu.memref_slice %arg7[%dma_wait3A_168, %dma_wait3A_169, %dma_wait3A_170] : memref<24x1x100xi32, #tpu.memory_space<vmem>> -> memref<1x1x100xi32, #tpu.memory_space<vmem>>
    %dma_wait3A_172 = tpu.memref_squeeze %dma_wait3A_171 : memref<1x1x100xi32, #tpu.memory_space<vmem>> -> memref<100xi32, #tpu.memory_space<vmem>>
    %dma_wait3A_173 = arith.constant 0 : i32
    %dma_wait3A_174 = arith.constant 0 : i32
    %dma_wait3A_175 = tpu.memref_slice %arg11[%dma_wait3A_173, %dma_wait3A_174] : memref<10112x128xf32, #tpu.memory_space<vmem_shared>> -> memref<10112x128xf32, #tpu.memory_space<vmem_shared>>
    tpu.wait_indirect_dma semaphore(%arg15 : memref<!tpu.dma_semaphore, #tpu.memory_space<semaphore_mem>>) src(%arg8 : memref<100x128xf32, #tpu.memory_space<vmem>>) dst(%dma_wait3A_175 : memref<10112x128xf32, #tpu.memory_space<vmem_shared>>)
    %dma_wait3A_176 = arith.constant 0 : i32
    %dma_wait3A_177 = arith.constant 0 : i32
    %dma_wait3A_178 = arith.constant 0 : i32
    %dma_wait3A_179 = tpu.memref_slice %arg7[%dma_wait3A_176, %dma_wait3A_177, %dma_wait3A_178] : memref<24x1x100xi32, #tpu.memory_space<vmem>> -> memref<1x1x100xi32, #tpu.memory_space<vmem>>
    %dma_wait3A_180 = tpu.memref_squeeze %dma_wait3A_179 : memref<1x1x100xi32, #tpu.memory_space<vmem>> -> memref<100xi32, #tpu.memory_space<vmem>>
    %dma_wait3A_181 = arith.constant 0 : i32
    %dma_wait3A_182 = arith.constant 0 : i32
    %dma_wait3A_183 = tpu.memref_slice %arg11[%dma_wait3A_181, %dma_wait3A_182] : memref<10112x128xf32, #tpu.memory_space<vmem_shared>> -> memref<10112x128xf32, #tpu.memory_space<vmem_shared>>
    tpu.wait_indirect_dma semaphore(%arg16 : memref<!tpu.dma_semaphore, #tpu.memory_space<semaphore_mem>>) src(%arg9 : memref<100x128xf32, #tpu.memory_space<vmem>>) dst(%dma_wait3A_183 : memref<10112x128xf32, #tpu.memory_space<vmem_shared>>)
    %dma_wait3A_184 = arith.constant 0 : i32
    %dma_wait3A_185 = arith.constant 0 : i32
    %dma_wait3A_186 = arith.constant 0 : i32
    %dma_wait3A_187 = tpu.memref_slice %arg7[%dma_wait3A_184, %dma_wait3A_185, %dma_wait3A_186] : memref<24x1x100xi32, #tpu.memory_space<vmem>> -> memref<1x1x100xi32, #tpu.memory_space<vmem>>
    %dma_wait3A_188 = tpu.memref_squeeze %dma_wait3A_187 : memref<1x1x100xi32, #tpu.memory_space<vmem>> -> memref<100xi32, #tpu.memory_space<vmem>>
    %dma_wait3A_189 = arith.constant 0 : i32
    %dma_wait3A_190 = arith.constant 0 : i32
    %dma_wait3A_191 = tpu.memref_slice %arg11[%dma_wait3A_189, %dma_wait3A_190] : memref<10112x128xf32, #tpu.memory_space<vmem_shared>> -> memref<10112x128xf32, #tpu.memory_space<vmem_shared>>
    tpu.wait_indirect_dma semaphore(%arg17 : memref<!tpu.dma_semaphore, #tpu.memory_space<semaphore_mem>>) src(%arg10 : memref<100x128xf32, #tpu.memory_space<vmem>>) dst(%dma_wait3A_191 : memref<10112x128xf32, #tpu.memory_space<vmem_shared>>)
    %barrier3A_192 = arith.constant 0 : index
    tpu.barrier barrier_id(%barrier3A_192)
    %lt3A = arith.constant 15 : i32
    %lt3A_193 = arith.cmpi slt, %arg1, %lt3A : i32
    %convert_element_type3A = arith.extui %lt3A_193 : i1 to i32
    %cond3A = arith.constant 0 : i32
    %cond3A_194 = arith.cmpi ne, %convert_element_type3A, %cond3A : i32
    scf.if %cond3A_194 {
      %mul3A_199 = arith.constant 632 : i32
      %mul3A_200 = arith.muli %arg1, %mul3A_199 : i32
      "tpu.region"() ({
        %run_scoped3A = tpu.sem_alloc : memref<!tpu.dma_semaphore, #tpu.memory_space<semaphore_mem>>
        %dma_start3A_201 = arith.constant 0 : i32
        %dma_start3A_202 = tpu.memref_slice %arg5[%arg0, %mul3A_200, %dma_start3A_201] : memref<2x10000x128xf32, #tpu.memory_space<hbm>> -> memref<1x632x128xf32, #tpu.memory_space<hbm>>
        %dma_start3A_203 = tpu.memref_squeeze %dma_start3A_202 : memref<1x632x128xf32, #tpu.memory_space<hbm>> -> memref<632x128xf32, #tpu.memory_space<hbm>>
        %dma_start3A_204 = arith.constant 0 : i32
        %dma_start3A_205 = tpu.memref_slice %arg11[%mul3A_200, %dma_start3A_204] : memref<10112x128xf32, #tpu.memory_space<vmem_shared>> -> memref<632x128xf32, #tpu.memory_space<vmem_shared>>
        tpu.enqueue_dma source(%dma_start3A_205 : memref<632x128xf32, #tpu.memory_space<vmem_shared>>) target(%dma_start3A_203 : memref<632x128xf32, #tpu.memory_space<hbm>>) target_semaphore(%run_scoped3A : memref<!tpu.dma_semaphore, #tpu.memory_space<semaphore_mem>>)
        %dma_wait3A_206 = arith.constant 0 : i32
        %dma_wait3A_207 = tpu.memref_slice %arg5[%arg0, %mul3A_200, %dma_wait3A_206] : memref<2x10000x128xf32, #tpu.memory_space<hbm>> -> memref<1x632x128xf32, #tpu.memory_space<hbm>>
        %dma_wait3A_208 = tpu.memref_squeeze %dma_wait3A_207 : memref<1x632x128xf32, #tpu.memory_space<hbm>> -> memref<632x128xf32, #tpu.memory_space<hbm>>
        %dma_wait3A_209 = arith.constant 0 : i32
        %dma_wait3A_210 = tpu.memref_slice %arg11[%mul3A_200, %dma_wait3A_209] : memref<10112x128xf32, #tpu.memory_space<vmem_shared>> -> memref<632x128xf32, #tpu.memory_space<vmem_shared>>
        tpu.wait_dma2 semaphore(%run_scoped3A : memref<!tpu.dma_semaphore, #tpu.memory_space<semaphore_mem>>) src(%dma_wait3A_210 : memref<632x128xf32, #tpu.memory_space<vmem_shared>>) dst(%dma_wait3A_208 : memref<632x128xf32, #tpu.memory_space<hbm>>)
        tpu.yield
      }) : () -> ()
    } else {
    }
    %eq3A = arith.constant 15 : i32
    %eq3A_195 = arith.cmpi eq, %arg1, %eq3A : i32
    %convert_element_type3A_196 = arith.extui %eq3A_195 : i1 to i32
    %cond3A_197 = arith.constant 0 : i32
    %cond3A_198 = arith.cmpi ne, %convert_element_type3A_196, %cond3A_197 : i32
    scf.if %cond3A_198 {
      "tpu.region"() ({
        %run_scoped3A = tpu.sem_alloc : memref<!tpu.dma_semaphore, #tpu.memory_space<semaphore_mem>>
        %dma_start3A_199 = arith.constant 9480 : i32
        %dma_start3A_200 = arith.constant 0 : i32
        %dma_start3A_201 = tpu.memref_slice %arg5[%arg0, %dma_start3A_199, %dma_start3A_200] : memref<2x10000x128xf32, #tpu.memory_space<hbm>> -> memref<1x520x128xf32, #tpu.memory_space<hbm>>
        %dma_start3A_202 = tpu.memref_squeeze %dma_start3A_201 : memref<1x520x128xf32, #tpu.memory_space<hbm>> -> memref<520x128xf32, #tpu.memory_space<hbm>>
        %dma_start3A_203 = arith.constant 9480 : i32
        %dma_start3A_204 = arith.constant 0 : i32
        %dma_start3A_205 = tpu.memref_slice %arg11[%dma_start3A_203, %dma_start3A_204] : memref<10112x128xf32, #tpu.memory_space<vmem_shared>> -> memref<520x128xf32, #tpu.memory_space<vmem_shared>>
        tpu.enqueue_dma source(%dma_start3A_205 : memref<520x128xf32, #tpu.memory_space<vmem_shared>>) target(%dma_start3A_202 : memref<520x128xf32, #tpu.memory_space<hbm>>) target_semaphore(%run_scoped3A : memref<!tpu.dma_semaphore, #tpu.memory_space<semaphore_mem>>)
        %dma_wait3A_206 = arith.constant 9480 : i32
        %dma_wait3A_207 = arith.constant 0 : i32
        %dma_wait3A_208 = tpu.memref_slice %arg5[%arg0, %dma_wait3A_206, %dma_wait3A_207] : memref<2x10000x128xf32, #tpu.memory_space<hbm>> -> memref<1x520x128xf32, #tpu.memory_space<hbm>>
        %dma_wait3A_209 = tpu.memref_squeeze %dma_wait3A_208 : memref<1x520x128xf32, #tpu.memory_space<hbm>> -> memref<520x128xf32, #tpu.memory_space<hbm>>
        %dma_wait3A_210 = arith.constant 9480 : i32
        %dma_wait3A_211 = arith.constant 0 : i32
        %dma_wait3A_212 = tpu.memref_slice %arg11[%dma_wait3A_210, %dma_wait3A_211] : memref<10112x128xf32, #tpu.memory_space<vmem_shared>> -> memref<520x128xf32, #tpu.memory_space<vmem_shared>>
        tpu.wait_dma2 semaphore(%run_scoped3A : memref<!tpu.dma_semaphore, #tpu.memory_space<semaphore_mem>>) src(%dma_wait3A_212 : memref<520x128xf32, #tpu.memory_space<vmem_shared>>) dst(%dma_wait3A_209 : memref<520x128xf32, #tpu.memory_space<hbm>>)
        tpu.yield
      }) : () -> ()
    } else {
    }
    return
  }
}

#map = affine_map<(d0, d1) -> (0, 0, 0, 0)>
#map1 = affine_map<(d0, d1) -> (0, 0)>
module attributes {stable_mosaic.version = 14 : i64} {
  func.func @_deg_kernel(%arg0: i32, %arg1: i32, %arg2: memref<32x100x1x100xi32, #tpu.memory_space<hbm>>, %arg3: memref<2x10240xf32, #tpu.memory_space<hbm>>, %arg4: memref<100x1x100xi32, #tpu.memory_space<vmem>>, %arg5: memref<128xf32, #tpu.memory_space<vmem>>, %arg6: memref<640xf32, #tpu.memory_space<vmem>>, %arg7: memref<10240xf32, #tpu.memory_space<vmem_shared>>, %arg8: memref<!tpu.dma_semaphore, #tpu.memory_space<semaphore_mem>>, %arg9: memref<!tpu.dma_semaphore, #tpu.memory_space<semaphore_mem>>, %arg10: memref<!tpu.dma_semaphore, #tpu.memory_space<semaphore_mem>>, %arg11: memref<!tpu.dma_semaphore, #tpu.memory_space<semaphore_mem>>) attributes {dimension_semantics = [#tpu.dimension_semantics<core_parallel>, #tpu.dimension_semantics<subcore_parallel>], iteration_bounds = array<i64: 2, 16>, scalar_prefetch = 0 : i64, scratch_operands = 8 : i64, tpu.core_type = #tpu.core_type<sc_vector_subcore>, window_params = [{transform_indices = #map}, {transform_indices = #map1}]} {
    %mul3A = arith.constant 16 : i32
    %mul3A_0 = arith.muli %arg0, %mul3A : i32
    %add3A = arith.addi %mul3A_0, %arg1 : i32
    "tpu.region"() ({
      %run_scoped3A = tpu.sem_alloc : memref<!tpu.dma_semaphore, #tpu.memory_space<semaphore_mem>>
      %dma_start3A = arith.constant 0 : i32
      %dma_start3A_26 = arith.constant 0 : i32
      %dma_start3A_27 = arith.constant 0 : i32
      %dma_start3A_28 = tpu.memref_slice %arg2[%add3A, %dma_start3A, %dma_start3A_26, %dma_start3A_27] : memref<32x100x1x100xi32, #tpu.memory_space<hbm>> -> memref<1x100x1x100xi32, #tpu.memory_space<hbm>>
      %dma_start3A_29 = tpu.memref_squeeze %dma_start3A_28 : memref<1x100x1x100xi32, #tpu.memory_space<hbm>> -> memref<100x1x100xi32, #tpu.memory_space<hbm>>
      %dma_start3A_30 = arith.constant 0 : i32
      %dma_start3A_31 = arith.constant 0 : i32
      %dma_start3A_32 = arith.constant 0 : i32
      %dma_start3A_33 = tpu.memref_slice %arg2[%add3A, %dma_start3A_30, %dma_start3A_31, %dma_start3A_32] : memref<32x100x1x100xi32, #tpu.memory_space<hbm>> -> memref<1x100x1x100xi32, #tpu.memory_space<hbm>>
      %dma_start3A_34 = tpu.memref_squeeze %dma_start3A_33 : memref<1x100x1x100xi32, #tpu.memory_space<hbm>> -> memref<100x1x100xi32, #tpu.memory_space<hbm>>
      tpu.enqueue_dma source(%dma_start3A_34 : memref<100x1x100xi32, #tpu.memory_space<hbm>>) target(%arg4 : memref<100x1x100xi32, #tpu.memory_space<vmem>>) target_semaphore(%run_scoped3A : memref<!tpu.dma_semaphore, #tpu.memory_space<semaphore_mem>>)
      %dma_wait3A = arith.constant 0 : i32
      %dma_wait3A_35 = arith.constant 0 : i32
      %dma_wait3A_36 = arith.constant 0 : i32
      %dma_wait3A_37 = tpu.memref_slice %arg2[%add3A, %dma_wait3A, %dma_wait3A_35, %dma_wait3A_36] : memref<32x100x1x100xi32, #tpu.memory_space<hbm>> -> memref<1x100x1x100xi32, #tpu.memory_space<hbm>>
      %dma_wait3A_38 = tpu.memref_squeeze %dma_wait3A_37 : memref<1x100x1x100xi32, #tpu.memory_space<hbm>> -> memref<100x1x100xi32, #tpu.memory_space<hbm>>
      %dma_wait3A_39 = arith.constant 0 : i32
      %dma_wait3A_40 = arith.constant 0 : i32
      %dma_wait3A_41 = arith.constant 0 : i32
      %dma_wait3A_42 = tpu.memref_slice %arg2[%add3A, %dma_wait3A_39, %dma_wait3A_40, %dma_wait3A_41] : memref<32x100x1x100xi32, #tpu.memory_space<hbm>> -> memref<1x100x1x100xi32, #tpu.memory_space<hbm>>
      %dma_wait3A_43 = tpu.memref_squeeze %dma_wait3A_42 : memref<1x100x1x100xi32, #tpu.memory_space<hbm>> -> memref<100x1x100xi32, #tpu.memory_space<hbm>>
      tpu.wait_dma2 semaphore(%run_scoped3A : memref<!tpu.dma_semaphore, #tpu.memory_space<semaphore_mem>>) src(%dma_wait3A_43 : memref<100x1x100xi32, #tpu.memory_space<hbm>>) dst(%arg4 : memref<100x1x100xi32, #tpu.memory_space<vmem>>)
      tpu.yield
    }) : () -> ()
    %scan3A = arith.constant 0 : i32
    %scan3A_1 = arith.constant 0 : i32
    %scan3A_2 = arith.constant 8 : i32
    %scan3A_3 = arith.addi %scan3A_1, %scan3A_2 : i32
    %scan3A_4 = arith.constant 1 : i32
    %scan3A_5 = scf.for %scan3A_26 = %scan3A_1 to %scan3A_3 step %scan3A_4 iter_args(%scan3A_27 = %scan3A) -> (i32)  : i32 {
      %broadcast_in_dim3A = arith.constant 1.000000e+00 : f32
      %broadcast_in_dim3A_28 = vector.broadcast %broadcast_in_dim3A : f32 to vector<16xf32>
      %mul3A_29 = arith.constant 16 : i32
      %mul3A_30 = arith.muli %scan3A_26, %mul3A_29 : i32
      %swap3A = arith.index_cast %mul3A_30 : i32 to index
      %swap3A_31 = tpu.vector_load %arg5[%swap3A] {strides = array<i32>} : memref<128xf32, #tpu.memory_space<vmem>>, vector<16xf32>,
      %swap3A_32 = vector.shape_cast %swap3A_31 : vector<16xf32> to vector<16xf32>
      %swap3A_33 = vector.shape_cast %broadcast_in_dim3A_28 : vector<16xf32> to vector<16xf32>
      tpu.vector_store %arg5[%swap3A], %swap3A_33 {strides = array<i32>} : memref<128xf32, #tpu.memory_space<vmem>>, vector<16xf32>,
      %scan3A_34 = arith.constant 0 : i32
      scf.yield %scan3A_34 : i32
    }
    %scan3A_6 = arith.constant 8 : i32
    %scan3A_7 = arith.constant 0 : i32
    %scan3A_8 = arith.constant 0 : i32
    %scan3A_9 = arith.constant 40 : i32
    %scan3A_10 = arith.addi %scan3A_8, %scan3A_9 : i32
    %scan3A_11 = arith.constant 1 : i32
    %scan3A_12 = scf.for %scan3A_26 = %scan3A_8 to %scan3A_10 step %scan3A_11 iter_args(%scan3A_27 = %scan3A_7) -> (i32)  : i32 {
      %broadcast_in_dim3A = arith.constant 0.000000e+00 : f32
      %broadcast_in_dim3A_28 = vector.broadcast %broadcast_in_dim3A : f32 to vector<16xf32>
      %mul3A_29 = arith.constant 16 : i32
      %mul3A_30 = arith.muli %scan3A_26, %mul3A_29 : i32
      %swap3A = arith.index_cast %mul3A_30 : i32 to index
      %swap3A_31 = tpu.vector_load %arg6[%swap3A] {strides = array<i32>} : memref<640xf32, #tpu.memory_space<vmem>>, vector<16xf32>,
      %swap3A_32 = vector.shape_cast %swap3A_31 : vector<16xf32> to vector<16xf32>
      %swap3A_33 = vector.shape_cast %broadcast_in_dim3A_28 : vector<16xf32> to vector<16xf32>
      tpu.vector_store %arg6[%swap3A], %swap3A_33 {strides = array<i32>} : memref<640xf32, #tpu.memory_space<vmem>>, vector<16xf32>,
      %scan3A_34 = arith.constant 0 : i32
      scf.yield %scan3A_34 : i32
    }
    %scan3A_13 = arith.constant 40 : i32
    %mul3A_14 = arith.constant 640 : i32
    %mul3A_15 = arith.muli %arg1, %mul3A_14 : i32
    "tpu.region"() ({
      %run_scoped3A = tpu.sem_alloc : memref<!tpu.dma_semaphore, #tpu.memory_space<semaphore_mem>>
      %dma_start3A = tpu.memref_slice %arg7[%mul3A_15] : memref<10240xf32, #tpu.memory_space<vmem_shared>> -> memref<640xf32, #tpu.memory_space<vmem_shared>>
      %dma_start3A_26 = tpu.memref_slice %arg7[%mul3A_15] : memref<10240xf32, #tpu.memory_space<vmem_shared>> -> memref<640xf32, #tpu.memory_space<vmem_shared>>
      tpu.enqueue_dma source(%arg6 : memref<640xf32, #tpu.memory_space<vmem>>) target(%dma_start3A_26 : memref<640xf32, #tpu.memory_space<vmem_shared>>) target_semaphore(%run_scoped3A : memref<!tpu.dma_semaphore, #tpu.memory_space<semaphore_mem>>)
      %dma_wait3A = tpu.memref_slice %arg7[%mul3A_15] : memref<10240xf32, #tpu.memory_space<vmem_shared>> -> memref<640xf32, #tpu.memory_space<vmem_shared>>
      %dma_wait3A_27 = tpu.memref_slice %arg7[%mul3A_15] : memref<10240xf32, #tpu.memory_space<vmem_shared>> -> memref<640xf32, #tpu.memory_space<vmem_shared>>
      tpu.wait_dma2 semaphore(%run_scoped3A : memref<!tpu.dma_semaphore, #tpu.memory_space<semaphore_mem>>) src(%arg6 : memref<640xf32, #tpu.memory_space<vmem>>) dst(%dma_wait3A_27 : memref<640xf32, #tpu.memory_space<vmem_shared>>)
      tpu.yield
    }) : () -> ()
    %barrier3A = arith.constant 0 : index
    tpu.barrier barrier_id(%barrier3A)
    %scan3A_16 = arith.constant 0 : i32
    %scan3A_17 = arith.constant 0 : i32
    %scan3A_18 = arith.constant 25 : i32
    %scan3A_19 = arith.addi %scan3A_17, %scan3A_18 : i32
    %scan3A_20 = arith.constant 1 : i32
    %scan3A_21 = scf.for %scan3A_26 = %scan3A_17 to %scan3A_19 step %scan3A_20 iter_args(%scan3A_27 = %scan3A_16) -> (i32)  : i32 {
      %mul3A_28 = arith.constant 4 : i32
      %mul3A_29 = arith.muli %mul3A_28, %scan3A_26 : i32
      %add3A_30 = arith.constant 0 : i32
      %add3A_31 = arith.addi %mul3A_29, %add3A_30 : i32
      %dma_start3A = arith.constant 0 : i32
      %dma_start3A_32 = arith.constant 0 : i32
      %dma_start3A_33 = tpu.memref_slice %arg5[%dma_start3A_32] : memref<128xf32, #tpu.memory_space<vmem>> -> memref<100xf32, #tpu.memory_space<vmem>>
      %dma_start3A_34 = arith.constant 0 : i32
      %dma_start3A_35 = tpu.memref_slice %arg4[%add3A_31, %dma_start3A, %dma_start3A_34] : memref<100x1x100xi32, #tpu.memory_space<vmem>> -> memref<1x1x100xi32, #tpu.memory_space<vmem>>
      %dma_start3A_36 = tpu.memref_squeeze %dma_start3A_35 : memref<1x1x100xi32, #tpu.memory_space<vmem>> -> memref<100xi32, #tpu.memory_space<vmem>>
      %dma_start3A_37 = arith.constant 0 : i32
      %dma_start3A_38 = tpu.memref_slice %arg7[%dma_start3A_37] : memref<10240xf32, #tpu.memory_space<vmem_shared>> -> memref<10240xf32, #tpu.memory_space<vmem_shared>>
      tpu.enqueue_indirect_dma source(%dma_start3A_33 : memref<100xf32, #tpu.memory_space<vmem>>) target(%dma_start3A_38 : memref<10240xf32, #tpu.memory_space<vmem_shared>>) offsets(%dma_start3A_36 : memref<100xi32, #tpu.memory_space<vmem>>) semaphore(%arg8 : memref<!tpu.dma_semaphore, #tpu.memory_space<semaphore_mem>>) {add = true}
      %add3A_39 = arith.constant 1 : i32
      %add3A_40 = arith.addi %mul3A_29, %add3A_39 : i32
      %dma_start3A_41 = arith.constant 0 : i32
      %dma_start3A_42 = arith.constant 0 : i32
      %dma_start3A_43 = tpu.memref_slice %arg5[%dma_start3A_42] : memref<128xf32, #tpu.memory_space<vmem>> -> memref<100xf32, #tpu.memory_space<vmem>>
      %dma_start3A_44 = arith.constant 0 : i32
      %dma_start3A_45 = tpu.memref_slice %arg4[%add3A_40, %dma_start3A_41, %dma_start3A_44] : memref<100x1x100xi32, #tpu.memory_space<vmem>> -> memref<1x1x100xi32, #tpu.memory_space<vmem>>
      %dma_start3A_46 = tpu.memref_squeeze %dma_start3A_45 : memref<1x1x100xi32, #tpu.memory_space<vmem>> -> memref<100xi32, #tpu.memory_space<vmem>>
      %dma_start3A_47 = arith.constant 0 : i32
      %dma_start3A_48 = tpu.memref_slice %arg7[%dma_start3A_47] : memref<10240xf32, #tpu.memory_space<vmem_shared>> -> memref<10240xf32, #tpu.memory_space<vmem_shared>>
      tpu.enqueue_indirect_dma source(%dma_start3A_43 : memref<100xf32, #tpu.memory_space<vmem>>) target(%dma_start3A_48 : memref<10240xf32, #tpu.memory_space<vmem_shared>>) offsets(%dma_start3A_46 : memref<100xi32, #tpu.memory_space<vmem>>) semaphore(%arg9 : memref<!tpu.dma_semaphore, #tpu.memory_space<semaphore_mem>>) {add = true}
      %add3A_49 = arith.constant 2 : i32
      %add3A_50 = arith.addi %mul3A_29, %add3A_49 : i32
      %dma_start3A_51 = arith.constant 0 : i32
      %dma_start3A_52 = arith.constant 0 : i32
      %dma_start3A_53 = tpu.memref_slice %arg5[%dma_start3A_52] : memref<128xf32, #tpu.memory_space<vmem>> -> memref<100xf32, #tpu.memory_space<vmem>>
      %dma_start3A_54 = arith.constant 0 : i32
      %dma_start3A_55 = tpu.memref_slice %arg4[%add3A_50, %dma_start3A_51, %dma_start3A_54] : memref<100x1x100xi32, #tpu.memory_space<vmem>> -> memref<1x1x100xi32, #tpu.memory_space<vmem>>
      %dma_start3A_56 = tpu.memref_squeeze %dma_start3A_55 : memref<1x1x100xi32, #tpu.memory_space<vmem>> -> memref<100xi32, #tpu.memory_space<vmem>>
      %dma_start3A_57 = arith.constant 0 : i32
      %dma_start3A_58 = tpu.memref_slice %arg7[%dma_start3A_57] : memref<10240xf32, #tpu.memory_space<vmem_shared>> -> memref<10240xf32, #tpu.memory_space<vmem_shared>>
      tpu.enqueue_indirect_dma source(%dma_start3A_53 : memref<100xf32, #tpu.memory_space<vmem>>) target(%dma_start3A_58 : memref<10240xf32, #tpu.memory_space<vmem_shared>>) offsets(%dma_start3A_56 : memref<100xi32, #tpu.memory_space<vmem>>) semaphore(%arg10 : memref<!tpu.dma_semaphore, #tpu.memory_space<semaphore_mem>>) {add = true}
      %add3A_59 = arith.constant 3 : i32
      %add3A_60 = arith.addi %mul3A_29, %add3A_59 : i32
      %dma_start3A_61 = arith.constant 0 : i32
      %dma_start3A_62 = arith.constant 0 : i32
      %dma_start3A_63 = tpu.memref_slice %arg5[%dma_start3A_62] : memref<128xf32, #tpu.memory_space<vmem>> -> memref<100xf32, #tpu.memory_space<vmem>>
      %dma_start3A_64 = arith.constant 0 : i32
      %dma_start3A_65 = tpu.memref_slice %arg4[%add3A_60, %dma_start3A_61, %dma_start3A_64] : memref<100x1x100xi32, #tpu.memory_space<vmem>> -> memref<1x1x100xi32, #tpu.memory_space<vmem>>
      %dma_start3A_66 = tpu.memref_squeeze %dma_start3A_65 : memref<1x1x100xi32, #tpu.memory_space<vmem>> -> memref<100xi32, #tpu.memory_space<vmem>>
      %dma_start3A_67 = arith.constant 0 : i32
      %dma_start3A_68 = tpu.memref_slice %arg7[%dma_start3A_67] : memref<10240xf32, #tpu.memory_space<vmem_shared>> -> memref<10240xf32, #tpu.memory_space<vmem_shared>>
      tpu.enqueue_indirect_dma source(%dma_start3A_63 : memref<100xf32, #tpu.memory_space<vmem>>) target(%dma_start3A_68 : memref<10240xf32, #tpu.memory_space<vmem_shared>>) offsets(%dma_start3A_66 : memref<100xi32, #tpu.memory_space<vmem>>) semaphore(%arg11 : memref<!tpu.dma_semaphore, #tpu.memory_space<semaphore_mem>>) {add = true}
      %dma_wait3A = arith.constant 0 : i32
      %dma_wait3A_69 = arith.constant 0 : i32
      %dma_wait3A_70 = arith.constant 0 : i32
      %dma_wait3A_71 = tpu.memref_slice %arg5[%dma_wait3A_70] : memref<128xf32, #tpu.memory_space<vmem>> -> memref<100xf32, #tpu.memory_space<vmem>>
      %dma_wait3A_72 = arith.constant 0 : i32
      %dma_wait3A_73 = tpu.memref_slice %arg4[%dma_wait3A, %dma_wait3A_69, %dma_wait3A_72] : memref<100x1x100xi32, #tpu.memory_space<vmem>> -> memref<1x1x100xi32, #tpu.memory_space<vmem>>
      %dma_wait3A_74 = tpu.memref_squeeze %dma_wait3A_73 : memref<1x1x100xi32, #tpu.memory_space<vmem>> -> memref<100xi32, #tpu.memory_space<vmem>>
      %dma_wait3A_75 = arith.constant 0 : i32
      %dma_wait3A_76 = tpu.memref_slice %arg7[%dma_wait3A_75] : memref<10240xf32, #tpu.memory_space<vmem_shared>> -> memref<10240xf32, #tpu.memory_space<vmem_shared>>
      tpu.wait_indirect_dma semaphore(%arg8 : memref<!tpu.dma_semaphore, #tpu.memory_space<semaphore_mem>>) src(%dma_wait3A_71 : memref<100xf32, #tpu.memory_space<vmem>>) dst(%dma_wait3A_76 : memref<10240xf32, #tpu.memory_space<vmem_shared>>)
      %dma_wait3A_77 = arith.constant 0 : i32
      %dma_wait3A_78 = arith.constant 0 : i32
      %dma_wait3A_79 = arith.constant 0 : i32
      %dma_wait3A_80 = tpu.memref_slice %arg5[%dma_wait3A_79] : memref<128xf32, #tpu.memory_space<vmem>> -> memref<100xf32, #tpu.memory_space<vmem>>
      %dma_wait3A_81 = arith.constant 0 : i32
      %dma_wait3A_82 = tpu.memref_slice %arg4[%dma_wait3A_77, %dma_wait3A_78, %dma_wait3A_81] : memref<100x1x100xi32, #tpu.memory_space<vmem>> -> memref<1x1x100xi32, #tpu.memory_space<vmem>>
      %dma_wait3A_83 = tpu.memref_squeeze %dma_wait3A_82 : memref<1x1x100xi32, #tpu.memory_space<vmem>> -> memref<100xi32, #tpu.memory_space<vmem>>
      %dma_wait3A_84 = arith.constant 0 : i32
      %dma_wait3A_85 = tpu.memref_slice %arg7[%dma_wait3A_84] : memref<10240xf32, #tpu.memory_space<vmem_shared>> -> memref<10240xf32, #tpu.memory_space<vmem_shared>>
      tpu.wait_indirect_dma semaphore(%arg9 : memref<!tpu.dma_semaphore, #tpu.memory_space<semaphore_mem>>) src(%dma_wait3A_80 : memref<100xf32, #tpu.memory_space<vmem>>) dst(%dma_wait3A_85 : memref<10240xf32, #tpu.memory_space<vmem_shared>>)
      %dma_wait3A_86 = arith.constant 0 : i32
      %dma_wait3A_87 = arith.constant 0 : i32
      %dma_wait3A_88 = arith.constant 0 : i32
      %dma_wait3A_89 = tpu.memref_slice %arg5[%dma_wait3A_88] : memref<128xf32, #tpu.memory_space<vmem>> -> memref<100xf32, #tpu.memory_space<vmem>>
      %dma_wait3A_90 = arith.constant 0 : i32
      %dma_wait3A_91 = tpu.memref_slice %arg4[%dma_wait3A_86, %dma_wait3A_87, %dma_wait3A_90] : memref<100x1x100xi32, #tpu.memory_space<vmem>> -> memref<1x1x100xi32, #tpu.memory_space<vmem>>
      %dma_wait3A_92 = tpu.memref_squeeze %dma_wait3A_91 : memref<1x1x100xi32, #tpu.memory_space<vmem>> -> memref<100xi32, #tpu.memory_space<vmem>>
      %dma_wait3A_93 = arith.constant 0 : i32
      %dma_wait3A_94 = tpu.memref_slice %arg7[%dma_wait3A_93] : memref<10240xf32, #tpu.memory_space<vmem_shared>> -> memref<10240xf32, #tpu.memory_space<vmem_shared>>
      tpu.wait_indirect_dma semaphore(%arg10 : memref<!tpu.dma_semaphore, #tpu.memory_space<semaphore_mem>>) src(%dma_wait3A_89 : memref<100xf32, #tpu.memory_space<vmem>>) dst(%dma_wait3A_94 : memref<10240xf32, #tpu.memory_space<vmem_shared>>)
      %dma_wait3A_95 = arith.constant 0 : i32
      %dma_wait3A_96 = arith.constant 0 : i32
      %dma_wait3A_97 = arith.constant 0 : i32
      %dma_wait3A_98 = tpu.memref_slice %arg5[%dma_wait3A_97] : memref<128xf32, #tpu.memory_space<vmem>> -> memref<100xf32, #tpu.memory_space<vmem>>
      %dma_wait3A_99 = arith.constant 0 : i32
      %dma_wait3A_100 = tpu.memref_slice %arg4[%dma_wait3A_95, %dma_wait3A_96, %dma_wait3A_99] : memref<100x1x100xi32, #tpu.memory_space<vmem>> -> memref<1x1x100xi32, #tpu.memory_space<vmem>>
      %dma_wait3A_101 = tpu.memref_squeeze %dma_wait3A_100 : memref<1x1x100xi32, #tpu.memory_space<vmem>> -> memref<100xi32, #tpu.memory_space<vmem>>
      %dma_wait3A_102 = arith.constant 0 : i32
      %dma_wait3A_103 = tpu.memref_slice %arg7[%dma_wait3A_102] : memref<10240xf32, #tpu.memory_space<vmem_shared>> -> memref<10240xf32, #tpu.memory_space<vmem_shared>>
      tpu.wait_indirect_dma semaphore(%arg11 : memref<!tpu.dma_semaphore, #tpu.memory_space<semaphore_mem>>) src(%dma_wait3A_98 : memref<100xf32, #tpu.memory_space<vmem>>) dst(%dma_wait3A_103 : memref<10240xf32, #tpu.memory_space<vmem_shared>>)
      %scan3A_104 = arith.constant 0 : i32
      scf.yield %scan3A_104 : i32
    }
    %scan3A_22 = arith.constant 25 : i32
    %barrier3A_23 = arith.constant 0 : index
    tpu.barrier barrier_id(%barrier3A_23)
    %mul3A_24 = arith.constant 640 : i32
    %mul3A_25 = arith.muli %arg1, %mul3A_24 : i32
    "tpu.region"() ({
      %run_scoped3A = tpu.sem_alloc : memref<!tpu.dma_semaphore, #tpu.memory_space<semaphore_mem>>
      %dma_start3A = tpu.memref_slice %arg3[%arg0, %mul3A_25] : memref<2x10240xf32, #tpu.memory_space<hbm>> -> memref<1x640xf32, #tpu.memory_space<hbm>>
      %dma_start3A_26 = tpu.memref_squeeze %dma_start3A : memref<1x640xf32, #tpu.memory_space<hbm>> -> memref<640xf32, #tpu.memory_space<hbm>>
      %dma_start3A_27 = tpu.memref_slice %arg7[%mul3A_25] : memref<10240xf32, #tpu.memory_space<vmem_shared>> -> memref<640xf32, #tpu.memory_space<vmem_shared>>
      tpu.enqueue_dma source(%dma_start3A_27 : memref<640xf32, #tpu.memory_space<vmem_shared>>) target(%dma_start3A_26 : memref<640xf32, #tpu.memory_space<hbm>>) target_semaphore(%run_scoped3A : memref<!tpu.dma_semaphore, #tpu.memory_space<semaphore_mem>>)
      %dma_wait3A = tpu.memref_slice %arg3[%arg0, %mul3A_25] : memref<2x10240xf32, #tpu.memory_space<hbm>> -> memref<1x640xf32, #tpu.memory_space<hbm>>
      %dma_wait3A_28 = tpu.memref_squeeze %dma_wait3A : memref<1x640xf32, #tpu.memory_space<hbm>> -> memref<640xf32, #tpu.memory_space<hbm>>
      %dma_wait3A_29 = tpu.memref_slice %arg7[%mul3A_25] : memref<10240xf32, #tpu.memory_space<vmem_shared>> -> memref<640xf32, #tpu.memory_space<vmem_shared>>
      tpu.wait_dma2 semaphore(%run_scoped3A : memref<!tpu.dma_semaphore, #tpu.memory_space<semaphore_mem>>) src(%dma_wait3A_29 : memref<640xf32, #tpu.memory_space<vmem_shared>>) dst(%dma_wait3A_28 : memref<640xf32, #tpu.memory_space<hbm>>)
      tpu.yield
    }) : () -> ()
    return
  }
}

module attributes {stable_mosaic.version = 14 : i64} {
  func.func @_combine_body(%arg0: i32, %arg1: memref<2x1000x128xf32, #tpu.memory_space<vmem>>, %arg2: memref<1000x128xf32, #tpu.memory_space<vmem>>, %arg3: memref<1000x2xf32, #tpu.memory_space<vmem>>, %arg4: memref<1000x128xf32, #tpu.memory_space<vmem>>, %arg5: memref<128x128xf32, #tpu.memory_space<vmem>>, %arg6: memref<128x128xf32, #tpu.memory_space<vmem>>, %arg7: memref<1x128xf32, #tpu.memory_space<vmem>>, %arg8: memref<1000x128xf32, #tpu.memory_space<vmem>>) attributes {dimension_semantics = [#tpu.dimension_semantics<arbitrary>], iteration_bounds = array<i64: 10>, scalar_prefetch = 0 : i64, scratch_operands = 0 : i64, tpu.core_type = #tpu.core_type<tc>, window_params = [{transform_indices = @transform_0, window_bounds = array<i64: 2, 1000, 128>}, {transform_indices = @transform_1, window_bounds = array<i64: 1000, 128>}, {transform_indices = @transform_2, window_bounds = array<i64: 1000, 2>}, {transform_indices = @transform_3, window_bounds = array<i64: 1000, 128>}, {pipeline_mode = #tpu.pipeline_mode<synchronous>, transform_indices = @transform_4, window_bounds = array<i64: 128, 128>}, {pipeline_mode = #tpu.pipeline_mode<synchronous>, transform_indices = @transform_5, window_bounds = array<i64: 128, 128>}, {pipeline_mode = #tpu.pipeline_mode<synchronous>, transform_indices = @transform_6, window_bounds = array<i64: 1, 128>}, {transform_indices = @transform_7, window_bounds = array<i64: 1000, 128>}]} {
    %get3A = arith.constant 0 : index
    %get3A_0 = arith.constant 0 : index
    %get3A_1 = vector.load %arg3[%get3A, %get3A_0] : memref<1000x2xf32, #tpu.memory_space<vmem>>, vector<1000x2xf32>
    %slice3A = vector.extract_strided_slice %get3A_1 {offsets = [0, 0], sizes = [1000, 1], strides = [1, 1]} : vector<1000x2xf32> to vector<1000x1xf32>
    %squeeze3A = vector.shape_cast %slice3A : vector<1000x1xf32> to vector<1000xf32>
    %add3A = arith.constant 1.000000e+00 : f32
    %add3A_2 = vector.broadcast %add3A : f32 to vector<1000xf32>
    %add3A_3 = arith.addf %add3A_2, %squeeze3A : vector<1000xf32>
    %slice3A_4 = vector.extract_strided_slice %get3A_1 {offsets = [0, 1], sizes = [1000, 1], strides = [1, 1]} : vector<1000x2xf32> to vector<1000x1xf32>
    %squeeze3A_5 = vector.shape_cast %slice3A_4 : vector<1000x1xf32> to vector<1000xf32>
    %add3A_6 = arith.addf %add3A_3, %squeeze3A_5 : vector<1000xf32>
    %rsqrt3A = math.rsqrt %add3A_6 : vector<1000xf32>
    %broadcast_in_dim3A = vector.shape_cast %rsqrt3A : vector<1000xf32> to vector<1000x1xf32>
    %get3A_7 = arith.constant 0 : index
    %get3A_8 = arith.constant 0 : index
    %get3A_9 = vector.load %arg7[%get3A_7, %get3A_8] : memref<1x128xf32, #tpu.memory_space<vmem>>, vector<1x128xf32>
    %get3A_10 = arith.constant 0 : index
    %get3A_11 = arith.constant 0 : index
    %get3A_12 = vector.load %arg6[%get3A_10, %get3A_11] : memref<128x128xf32, #tpu.memory_space<vmem>>, vector<128x128xf32>
    %get3A_13 = arith.constant 0 : index
    %get3A_14 = arith.constant 0 : index
    %get3A_15 = arith.constant 0 : index
    %get3A_16 = vector.load %arg1[%get3A_13, %get3A_14, %get3A_15] : memref<2x1000x128xf32, #tpu.memory_space<vmem>>, vector<1x1000x128xf32>
    %get3A_17 = vector.shape_cast %get3A_16 : vector<1x1000x128xf32> to vector<1000x128xf32>
    %get3A_18 = arith.constant 1 : index
    %get3A_19 = arith.constant 0 : index
    %get3A_20 = arith.constant 0 : index
    %get3A_21 = vector.load %arg1[%get3A_18, %get3A_19, %get3A_20] : memref<2x1000x128xf32, #tpu.memory_space<vmem>>, vector<1x1000x128xf32>
    %get3A_22 = vector.shape_cast %get3A_21 : vector<1x1000x128xf32> to vector<1000x128xf32>
    %add3A_23 = arith.addf %get3A_17, %get3A_22 : vector<1000x128xf32>
    %get3A_24 = arith.constant 0 : index
    %get3A_25 = arith.constant 0 : index
    %get3A_26 = vector.load %arg2[%get3A_24, %get3A_25] : memref<1000x128xf32, #tpu.memory_space<vmem>>, vector<1000x128xf32>
    %add3A_27 = arith.addf %add3A_23, %get3A_26 : vector<1000x128xf32>
    %mul3A = vector.broadcast %broadcast_in_dim3A : vector<1000x1xf32> to vector<1000x128xf32>
    %mul3A_28 = arith.mulf %mul3A, %add3A_27 : vector<1000x128xf32>
    %add3A_29 = vector.broadcast %get3A_9 : vector<1x128xf32> to vector<1000x128xf32>
    %add3A_30 = arith.addf %mul3A_28, %add3A_29 : vector<1000x128xf32>
    %dot_general3A = arith.constant dense<0.000000e+00> : vector<1000x128xf32>
    %dot_general3A_31 = tpu.matmul %add3A_30, %get3A_12, %dot_general3A {dimension_numbers = #tpu.dot_dimension_numbers<[1], [0], [0], [1], [0, 0, 1, 1], [], []>, transpose_lhs_hint = false} : vector<1000x128xf32>, vector<128x128xf32>, vector<1000x128xf32> -> vector<1000x128xf32>
    %add3A_32 = arith.addf %add3A_30, %dot_general3A_31 : vector<1000x128xf32>
    %get3A_33 = arith.constant 0 : index
    %get3A_34 = arith.constant 0 : index
    %get3A_35 = vector.load %arg4[%get3A_33, %get3A_34] : memref<1000x128xf32, #tpu.memory_space<vmem>>, vector<1000x128xf32>
    %get3A_36 = arith.constant 0 : index
    %get3A_37 = arith.constant 0 : index
    %get3A_38 = vector.load %arg5[%get3A_36, %get3A_37] : memref<128x128xf32, #tpu.memory_space<vmem>>, vector<128x128xf32>
    %sub3A = arith.subf %get3A_38, %get3A_12 : vector<128x128xf32>
    %dot_general3A_39 = arith.constant dense<0.000000e+00> : vector<1000x128xf32>
    %dot_general3A_40 = tpu.matmul %get3A_35, %sub3A, %dot_general3A_39 {dimension_numbers = #tpu.dot_dimension_numbers<[1], [0], [0], [1], [0, 0, 1, 1], [], []>, transpose_lhs_hint = false} : vector<1000x128xf32>, vector<128x128xf32>, vector<1000x128xf32> -> vector<1000x128xf32>
    %add3A_41 = arith.addf %add3A_32, %dot_general3A_40 : vector<1000x128xf32>
    %swap3A = arith.constant 0 : index
    %swap3A_42 = arith.constant 0 : index
    %swap3A_43 = vector.load %arg8[%swap3A, %swap3A_42] : memref<1000x128xf32, #tpu.memory_space<vmem>>, vector<1000x128xf32>
    tpu.vector_store %arg8[%swap3A, %swap3A_42], %add3A_41 {strides = array<i32>} : memref<1000x128xf32, #tpu.memory_space<vmem>>, vector<1000x128xf32>,
    return
  }
  func.func @transform_0(%arg0: i32) -> (i32, i32, i32) {
    %c0_i32 = arith.constant 0 : i32
    %c0_i32_0 = arith.constant 0 : i32
    %c0_i32_1 = arith.constant 0 : i32
    return %c0_i32, %arg0, %c0_i32_0 : i32, i32, i32
  }
  func.func @transform_1(%arg0: i32) -> (i32, i32) {
    %c0_i32 = arith.constant 0 : i32
    %c0_i32_0 = arith.constant 0 : i32
    return %arg0, %c0_i32 : i32, i32
  }
  func.func @transform_2(%arg0: i32) -> (i32, i32) {
    %c0_i32 = arith.constant 0 : i32
    %c0_i32_0 = arith.constant 0 : i32
    return %arg0, %c0_i32 : i32, i32
  }
  func.func @transform_3(%arg0: i32) -> (i32, i32) {
    %c0_i32 = arith.constant 0 : i32
    %c0_i32_0 = arith.constant 0 : i32
    return %arg0, %c0_i32 : i32, i32
  }
  func.func @transform_4(%arg0: i32) -> (i32, i32) {
    %c0_i32 = arith.constant 0 : i32
    %c0_i32_0 = arith.constant 0 : i32
    %c0_i32_1 = arith.constant 0 : i32
    return %c0_i32, %c0_i32_0 : i32, i32
  }
  func.func @transform_5(%arg0: i32) -> (i32, i32) {
    %c0_i32 = arith.constant 0 : i32
    %c0_i32_0 = arith.constant 0 : i32
    %c0_i32_1 = arith.constant 0 : i32
    return %c0_i32, %c0_i32_0 : i32, i32
  }
  func.func @transform_6(%arg0: i32) -> (i32, i32) {
    %c0_i32 = arith.constant 0 : i32
    %c0_i32_0 = arith.constant 0 : i32
    %c0_i32_1 = arith.constant 0 : i32
    return %c0_i32, %c0_i32_0 : i32, i32
  }
  func.func @transform_7(%arg0: i32) -> (i32, i32) {
    %c0_i32 = arith.constant 0 : i32
    %c0_i32_0 = arith.constant 0 : i32
    return %arg0, %c0_i32 : i32, i32
  }
}

module attributes {stable_mosaic.version = 14 : i64} {
  func.func @_g_body(%arg0: i32, %arg1: memref<1000x128xf32, #tpu.memory_space<vmem>>, %arg2: memref<128x128xf32, #tpu.memory_space<vmem>>, %arg3: memref<1000x2xf32, #tpu.memory_space<vmem>>, %arg4: memref<1000x128xf32, #tpu.memory_space<vmem>>) attributes {dimension_semantics = [#tpu.dimension_semantics<arbitrary>], iteration_bounds = array<i64: 10>, scalar_prefetch = 0 : i64, scratch_operands = 0 : i64, tpu.core_type = #tpu.core_type<tc>, window_params = [{transform_indices = @transform_0, window_bounds = array<i64: 1000, 128>}, {pipeline_mode = #tpu.pipeline_mode<synchronous>, transform_indices = @transform_1, window_bounds = array<i64: 128, 128>}, {transform_indices = @transform_2, window_bounds = array<i64: 1000, 2>}, {transform_indices = @transform_3, window_bounds = array<i64: 1000, 128>}]} {
    %get3A = arith.constant 0 : index
    %get3A_0 = arith.constant 0 : index
    %get3A_1 = vector.load %arg3[%get3A, %get3A_0] : memref<1000x2xf32, #tpu.memory_space<vmem>>, vector<1000x2xf32>
    %slice3A = vector.extract_strided_slice %get3A_1 {offsets = [0, 0], sizes = [1000, 1], strides = [1, 1]} : vector<1000x2xf32> to vector<1000x1xf32>
    %squeeze3A = vector.shape_cast %slice3A : vector<1000x1xf32> to vector<1000xf32>
    %add3A = arith.constant 1.000000e+00 : f32
    %add3A_2 = vector.broadcast %add3A : f32 to vector<1000xf32>
    %add3A_3 = arith.addf %add3A_2, %squeeze3A : vector<1000xf32>
    %slice3A_4 = vector.extract_strided_slice %get3A_1 {offsets = [0, 1], sizes = [1000, 1], strides = [1, 1]} : vector<1000x2xf32> to vector<1000x1xf32>
    %squeeze3A_5 = vector.shape_cast %slice3A_4 : vector<1000x1xf32> to vector<1000xf32>
    %add3A_6 = arith.addf %add3A_3, %squeeze3A_5 : vector<1000xf32>
    %rsqrt3A = math.rsqrt %add3A_6 : vector<1000xf32>
    %broadcast_in_dim3A = vector.shape_cast %rsqrt3A : vector<1000xf32> to vector<1000x1xf32>
    %get3A_7 = arith.constant 0 : index
    %get3A_8 = arith.constant 0 : index
    %get3A_9 = vector.load %arg1[%get3A_7, %get3A_8] : memref<1000x128xf32, #tpu.memory_space<vmem>>, vector<1000x128xf32>
    %get3A_10 = arith.constant 0 : index
    %get3A_11 = arith.constant 0 : index
    %get3A_12 = vector.load %arg2[%get3A_10, %get3A_11] : memref<128x128xf32, #tpu.memory_space<vmem>>, vector<128x128xf32>
    %dot_general3A = arith.constant dense<0.000000e+00> : vector<1000x128xf32>
    %dot_general3A_13 = tpu.matmul %get3A_9, %get3A_12, %dot_general3A {dimension_numbers = #tpu.dot_dimension_numbers<[1], [0], [0], [1], [0, 0, 1, 1], [], []>, transpose_lhs_hint = false} : vector<1000x128xf32>, vector<128x128xf32>, vector<1000x128xf32> -> vector<1000x128xf32>
    %mul3A = vector.broadcast %broadcast_in_dim3A : vector<1000x1xf32> to vector<1000x128xf32>
    %mul3A_14 = arith.mulf %mul3A, %dot_general3A_13 : vector<1000x128xf32>
    %swap3A = arith.constant 0 : index
    %swap3A_15 = arith.constant 0 : index
    %swap3A_16 = vector.load %arg4[%swap3A, %swap3A_15] : memref<1000x128xf32, #tpu.memory_space<vmem>>, vector<1000x128xf32>
    tpu.vector_store %arg4[%swap3A, %swap3A_15], %mul3A_14 {strides = array<i32>} : memref<1000x128xf32, #tpu.memory_space<vmem>>, vector<1000x128xf32>,
    return
  }
  func.func @transform_0(%arg0: i32) -> (i32, i32) {
    %c0_i32 = arith.constant 0 : i32
    %c0_i32_0 = arith.constant 0 : i32
    return %arg0, %c0_i32 : i32, i32
  }
  func.func @transform_1(%arg0: i32) -> (i32, i32) {
    %c0_i32 = arith.constant 0 : i32
    %c0_i32_0 = arith.constant 0 : i32
    %c0_i32_1 = arith.constant 0 : i32
    return %c0_i32, %c0_i32_0 : i32, i32
  }
  func.func @transform_2(%arg0: i32) -> (i32, i32) {
    %c0_i32 = arith.constant 0 : i32
    %c0_i32_0 = arith.constant 0 : i32
    return %arg0, %c0_i32 : i32, i32
  }
  func.func @transform_3(%arg0: i32) -> (i32, i32) {
    %c0_i32 = arith.constant 0 : i32
    %c0_i32_0 = arith.constant 0 : i32
    return %arg0, %c0_i32 : i32, i32
  }
}

</mosaic_0001>

<sc_bundles>
// kernel: kernel.6.cloned.1.call-start
scs
__scs_entry_jumppad:
0x0: {  	(pc) =	sbr.rel $0x88, $3  }
0x1: {  	(tag) =	ssettag $0x0;
	lr =	simm.s32 $0x1  }
0x2: {  	[smem:$0x3F9B] =	sst lr;
	_ =	strace $0xD0000000  }
0x3: {  	_ = 	snop  }
0x4: {  	_ = 	snop  }
0x5: {  	_ = 	snop  }
0x6: {  	_ = 	snop  }
0x7: {  	_ = 	snop  }
__scs_overlays_trampoline_lowered:
0x8: {  	[smem:$0x3FAA] =	sst s0  }
0x9: {  	[smem:$0x3FAB] =	sst s1  }
0xa: {  	[smem:$0x3FAC] =	sst s2  }
0xb: {  	[smem:$0x3FAD] =	sst s3  }
0xc: {  	[smem:$0x3FAE] =	sst s4  }
0xd: {  	[smem:$0x3FAF] =	sst s5  }
0xe: {  	[smem:$0x3FB0] =	sst s6  }
0xf: {  	[smem:$0x3FB1] =	sst s7  }
0x10: {  	[smem:$0x3FB2] =	sst s8  }
0x11: {  	[smem:$0x3FB3] =	sst s9;
	s0 =	simm.s32 @!p0 $0x0  }
0x12: {  	s1 =	sld [smem:$0x3F99];
	s0 =	simm.s32 @p0 $0x1  }
0x13: {  	[smem:$0x3FB4] =	sst s0;
	s0 =	simm.s32 @!p1 $0x0  }
0x14: {  	s2 =	sld [smem:$0x3F98];
	s0 =	simm.s32 @p1 $0x1  }
0x15: {  	[smem:$0x3FB5] =	sst s0;
	s0 =	simm.s32 @!p2 $0x0  }
0x16: {  	s3 =	sld [smem:$0x3FDB];
	s0 =	simm.s32 @p2 $0x1  }
0x17: {  	s4 =	simm.s32 $0x1BF5;
	[smem:$0x3FB7] =	sst s0  }
0x18: {  	s0 =	sld [smem:$0x3F9A];
	_ =	swait.ge [sflag:s4], $0x0  }
0x19: {  	s7 =	sld [smem:$0x3F9B]  }
0x1a: {  	s8 =	sadd.s32 $0xFFFFE003, lr  }
0x1b: {  	s9 =	sadd.s32 $0xFFFFFEF7, lr;
	s5 =	simm.s32 $0xFFFFFFFF;
	p2 =	slt.u32 s8, $0xFFFFF086  }
0x1c: {  	p1 =	slt.u32 s9, $0xF7A;
	s5 =	simm.s32 @!p2 $0x0  }
0x1d: {  	s5 =	simm.s32 @p1 $0x1;
	p0 =	seq.s32 s7, s2  }
0x1e: {  	s7 =	smul.u32 @!p0 $0xF7A, s2;
	p2 =	seq.s32 @!p0 s5, $0x0  }
0x1f: {  	s9 =	smul.u32 $0xF7A, s1;
	s8 =	simm.s32 @!p0 $0x1BF5;
	p2 =	por !p2, p0  }
0x20: {  	[sflag:s8] =	ssyncset.s32 @!p0 $0xFFFFF086;
	s6 =	sadd.s32 @!p0 s3, s7;
	s7 =	simm.s32 @!p0 $0x108  }
0x21: {  	s3 =	sadd.s32 s3, s9;
	s6 =	sadd.s32 @!p0 $0x88, s6;
	s7 =	simm.s32 @p2 $0x1082  }
0x22: {  	[simem:s7], [sflag:s8] =	dma.local @!p0 [hbm:s6], $0xF7A  }
0x23: {  	s9 =	sor.u32 $0xD0000000, s2;
	s6 =	simm.s32 $0x108;
	_ =	swait.ge @!p0 [sflag:s8], $0x0  }
0x24: {  	s3 =	sadd.s32 $0x88, s3;
	s6 =	simm.s32 @!p1 $0x1082;
	[sflag:s4] =	ssyncset.s32 $0xFFFFF086  }
0x25: {  	[simem:s6], [sflag:s4] =	dma.local [hbm:s3], $0xF7A  }
0x26: {  	[smem:$0x3F9B] =	sst s1;
	(tag) =	ssettag s2;
	_ =	strace s9  }
0x27: {  	s1 =	sld [smem:$0x3FAB]  }
0x28: {  	s2 =	sld [smem:$0x3FAC]  }
0x29: {  	s4 =	sld [smem:$0x3FAE]  }
0x2a: {  	p0 =	seq.s32 s5, $0x0;
	s5 =	sld [smem:$0x3FAF]  }
0x2b: {  	s6 =	sld [smem:$0x3FB0]  }
0x2c: {  	s7 =	sld [smem:$0x3FB1]  }
0x2d: {  	s3 =	simm.s32 $0x108;
	s8 =	sld [smem:$0x3FB2]  }
0x2e: {  	s3 =	simm.s32 @!p0 $0x1082;
	s9 =	sld [smem:$0x3FB3]  }
0x2f: {  	lr =	sadd.s32 s0, s3;
	s0 =	sld [smem:$0x3FAA]  }
0x30: {  	s3 =	sld [smem:$0x3FAD]  }
0x31: {  	[smem:$0x3FB6] =	sst s10  }
0x32: {  	s10 =	sld [smem:$0x3FB4];
	_ =	sdelay $0x3  }
0x33: {  	p0 =	seq.s32 s10, $0x1;
	s10 =	sld [smem:$0x3FB6];
	_ =	sdelay $0x3  }
0x34: {  	[smem:$0x3FB6] =	sst s10  }
0x35: {  	s10 =	sld [smem:$0x3FB5];
	_ =	sdelay $0x3  }
0x36: {  	p1 =	seq.s32 s10, $0x1;
	s10 =	sld [smem:$0x3FB6];
	_ =	sdelay $0x3  }
0x37: {  	[smem:$0x3FB6] =	sst s10  }
0x38: {  	s10 =	sld [smem:$0x3FB7]  }
0x39: {  	_ = 	snop;
	(pc) =	sbr.ind lr, $3  }
0x3a: {  	_ = 	snop  }
0x3b: {  	_ = 	snop  }
0x3c: {  	p2 =	seq.s32 s10, $0x1;
	s10 =	sld [smem:$0x3FB6]  }
0x3d: {  	_ =	shalt  }
0x3e: {  	_ =	shalt  }
0x3f: {  	_ =	shalt  }
0x40: {  	_ =	shalt  }
0x41: {  	_ =	shalt  }
0x42: {  	_ =	shalt  }
0x43: {  	_ =	shalt  }
0x44: {  	_ =	shalt  }
0x45: {  	_ =	shalt  }
0x46: {  	_ =	shalt  }
0x47: {  	_ =	shalt  }
0x48: {  	_ =	shalt  }
0x49: {  	_ =	shalt  }
0x4a: {  	_ =	shalt  }
0x4b: {  	_ =	shalt  }
0x4c: {  	_ =	shalt  }
0x4d: {  	_ =	shalt  }
0x4e: {  	_ =	shalt  }
0x4f: {  	_ =	shalt  }
0x50: {  	_ =	shalt  }
0x51: {  	_ =	shalt  }
0x52: {  	_ =	shalt  }
0x53: {  	_ =	shalt  }
0x54: {  	_ =	shalt  }
0x55: {  	_ =	shalt  }
0x56: {  	_ =	shalt  }
0x57: {  	_ =	shalt  }
0x58: {  	_ =	shalt  }
0x59: {  	_ =	shalt  }
0x5a: {  	_ =	shalt  }
0x5b: {  	_ =	shalt  }
0x5c: {  	_ =	shalt  }
0x5d: {  	_ =	shalt  }
0x5e: {  	_ =	shalt  }
0x5f: {  	_ =	shalt  }
0x60: {  	_ =	shalt  }
0x61: {  	_ =	shalt  }
0x62: {  	_ =	shalt  }
0x63: {  	_ =	shalt  }
0x64: {  	_ =	shalt  }
0x65: {  	_ =	shalt  }
0x66: {  	_ =	shalt  }
0x67: {  	_ =	shalt  }
0x68: {  	_ =	shalt  }
0x69: {  	_ =	shalt  }
0x6a: {  	_ =	shalt  }
0x6b: {  	_ =	shalt  }
0x6c: {  	_ =	shalt  }
0x6d: {  	_ =	shalt  }
0x6e: {  	_ =	shalt  }
0x6f: {  	_ =	shalt  }
0x70: {  	_ =	shalt  }
0x71: {  	_ =	shalt  }
0x72: {  	_ =	shalt  }
0x73: {  	_ =	shalt  }
0x74: {  	_ =	shalt  }
0x75: {  	_ =	shalt  }
0x76: {  	_ =	shalt  }
0x77: {  	_ =	shalt  }
0x78: {  	_ =	shalt  }
0x79: {  	_ =	shalt  }
0x7a: {  	_ =	shalt  }
0x7b: {  	_ =	shalt  }
0x7c: {  	_ =	shalt  }
0x7d: {  	_ =	shalt  }
0x7e: {  	_ =	shalt  }
0x7f: {  	_ =	shalt  }
0x80: {  	_ =	shalt  }
0x81: {  	_ =	shalt  }
0x82: {  	_ =	shalt  }
0x83: {  	_ =	shalt  }
0x84: {  	_ =	shalt  }
0x85: {  	_ =	shalt  }
0x86: {  	_ =	shalt  }
0x87: {  	_ =	shalt  }
.Lfunc_end0:
.L_simem_size_0:
called_computation_lowered:
.L_overlay_start_0:
0x88: {  	s2 =	sld [smem:$0x3FD9]  }
0x89: {  	s3 =	sld [smem:$0x3FFE];
	_ =	sdelay $0x1  }
0x8a: {  	s1 =	srdreg.scid  }
0x8b: {  	s0 =	sand.u32 $0x1, s1  }
0x8c: {  	s17 =	sshll.u32 s0, $0xA;
	s2 =	sadd.s32 s3, s2  }
0x8d: {  	s2 =	sadd.s32 s2, s17  }
0x8e: {  	[smem:$0x3FC2] =	sst s2  }
0x8f: {  	_ = 	snop  }
0x90: {  	s2 =	sld [smem:$0x3FD0];
	(tm) =	ssettm $0x1  }
0x91: {  	s18 =	sld [smem:$0x3FFB];
	_ =	sdelay $0x3  }
0x92: {  	_ =	strace s18  }
0x93: {  	s3 =	sld [smem:$0x3FFC];
	_ =	sdelay $0x3  }
0x94: {  	_ =	strace s3  }
0x95: {  	s3 =	sld [smem:$0x3FFD];
	_ =	sdelay $0x3  }
0x96: {  	_ =	strace s3  }
0x97: {  	_ =	strace $0x8FFFFFFF  }
0x98: {  	s19 =	sld [smem:$0x3FDB];
	_ =	sdelay $0x1  }
0x99: {  	s4 =	simm.s32 $_scs_section_size  }
0x9a: {  	s5 =	simm.s32 $_size__tile_overlayer_lowered;
	s6 =	simm.s32 $_tile_overlayer_lowered  }
0x9b: {  	s22 =	simm.s32 $0x1BFF;
	s21 =	sshll.u32 s6, $0x1;
	s3 =	sadd.s32 s4, s19  }
0x9c: {  	s7 =	simm.s32 $0x0;
	s20 =	sshll.u32 s5, $0x1;
	s5 =	sadd.s32 s21, s3  }
0x9d: {  	[timem:s7], [sflag:s22] =	dma.local [hbm:s5], s20  }
0x9e: {  	_ =	swait.ge [sflag:s22], s20  }
0x9f: {  	s4 =	ssub.s32 $0x0, s20;
	[sflag:s22] =	ssyncset.done $0x0  }
0xa0: {  	[sflag:s22] =	ssyncadd.s32 s4;
	_ =	sdelay $0x1  }
0xa1: {  	s23 =	simm.s32 $0x1B8B  }
0xa2: {  	_ =	swait.ge [sflag:s23], $0x1  }
0xa3: {  	[sflag:s23] =	ssyncset.done $0x0  }
0xa4: {  	s25 =	simm.s32 $0x1B8E;
	s24 =	sld [smem:$0x3FFE];
	[sflag:s23] =	ssyncadd.s32 $0xFFFFFFFF  }
0xa5: {  	s26 =	simm.s32 $execute0_lowered;
	[smem:$0x3FD2] =	sst s25  }
0xa6: {  	s5 =	sshll.u32 s26, $0x1;
	_ =	strace $0x80000046;
	[dreg:$0x1] =	wrdreg $0xFFFFFFFF  }
0xa7: {  	s28 =	simm.s32 $_size_execute0_lowered;
	s3 =	sadd.s32 s3, s5;
	[dreg:$0x0] =	wrdreg $0x0  }
0xa8: {  	s5 =	sshll.u32 s28, $0x1;
	[dreg:$0x2] =	wrdreg s3  }
0xa9: {  	[dreg:$0x3] =	wrdreg s5  }
0xaa: {  	[dreg:$0x4] =	wrdreg $0xC0  }
0xab: {  	_ =	task [dreg:s7], $0x5FFFF  }
0xac: {  	[dreg:$0x1] =	wrdreg $0xFFFFFFFF  }
0xad: {  	[dreg:$0x0] =	wrdreg $0x60  }
0xae: {  	[dreg:$0x2] =	wrdreg s24  }
0xaf: {  	[dreg:$0x3] =	wrdreg s2  }
0xb0: {  	[dreg:$0x4] =	wrdreg $0x35000  }
0xb1: {  	[dreg:$0x5] =	wrdreg $0x9  }
0xb2: {  	_ =	task.clear_ibuf [dreg:s7], $0x6FFFF;
	_ =	strace $0x90000046  }
0xb3: {  	s29 =	simm.s32 $0x9;
	_ =	strace $0x80000048  }
0xb4: {  	_ =	swait.ge [sflag:s29], $0x1  }
0xb5: {  	[sflag:s29] =	ssyncadd.s32 $0xFFFFFFFF  }
0xb6: {  	_ =	strace $0x90000048  }
0xb7: {  	_ =	sfence  }
0xb8: {  	s30 =	sld [smem:$0x0];
	_ =	sdelay $0x2  }
0xb9: {  	s31 =	sshll.u32 s1, $0xD;
	s1 =	sshrl.u32 s1, $0x2  }
0xba: {  	s3 =	sand.u32 $0x4000, s31;
	s1 =	sadd.s32 s1, s30  }
0xbb: {  	s0 =	sor.u32 s3, s0;
	s1 =	sshll.u32 s1, $0x11  }
0xbc: {  	s0 =	sor.u32 s1, s0  }
0xbd: {  	s0 =	sadd.s32 $0x8F2B, s0  }
0xbe: {  	[sflag:s0] =	ssyncadd.remote.s32 $0x1  }
0xbf: {  	_ =	sfence.sel $0xFFFF  }
0xc0: {  	[dreg:$0x0] =	wrdreg $0xFFFFFFFF;
	(pc) =	sbr.abs _section_cstart, $3  }
0xc1: {  	[dreg:$0x1] =	wrdreg $0xFFFFFFFF  }
0xc2: {  	_ =	task.clear_ibuf [dreg:s7], $0x2FFFF;
	_ =	strace $0x9FFFFFFF  }
0xc3: {  	(tm) =	ssettm $0x7FFFFFFF  }
tec
execute0_lowered:
.L_overlay_start_1:
0x0: {  	(tag) =	ssettag $0x1  }
0x1: {  	s4 =	rddreg [dreg:$0x0]  }
0x2: {  	s0 =	srdreg.scid;
	s6 =	rddreg [dreg:$0x1]  }
0x3: {  	s2 =	rddreg [dreg:$0x2];
	s1 =	stileid.u32  }
0x4: {  	s3 =	simm.s32 $0x0;
	s11 =	simm.s32 $0x3200;
	s12 =	simm.s32 $0x1  }
0x5: {  	s13 =	simm.s32 $0x2;
	s14 =	simm.s32 $0x3;
	s15 =	simm.s32 $0x4  }
0x6: {  	s18 =	simm.s32 $0x20;
	s19 =	simm.s32 $0x10;
	s20 =	simm.s32 $0x0  }
0x7: {  	s5 =	sand.u32 $0x1, s0;
	s0 =	rddreg [dreg:$0x3];
	s8 =	smul.u32 $0x500, s1  }
0x8: {  	[smem:$0x7FF] =	sst s3;
	s10 =	smul.u32 $0xA00, s1;
	s16 =	sshll.u32 s1, $0x6  }
0x9: {  	s7 =	sshll.u32 s5, $0x4;
	_ =	strace $0x80000047;
	s9 =	ssub.s32 $0x2, s5  }
0xa: {  	s5 =	sshll.u32 s5, $0x7;
	s16 =	sor.u32 $0x1C05, s16;
	s7 =	sor.u32 s1, s7  }
0xb: {  	s29 =	sshrl.u32 s9, $0x1;
	s5 =	sor.u32 s5, s8;
	s30 =	sshrl.u32 s10, $0x2  }
0xc: {  	s8 =	simm.s32 $0x5;
	s7 =	smul.u32 $0x640, s7;
	s31 =	sshrl.u32 s5, $0x3  }
0xd: {  	s10 =	simm.s32 $0x64;
	s5 =	sadd.s32 s30, s2;
	s6 =	sadd.s32 s6, s31  }
0xe: {  	s17 =	sshrl.u32 s5, $0x3;
	s4 =	sadd.s32 s7, s4;
	s7 =	ssub.s32 s9, s29  }
0xf: {  	v0 =	vimm.f32 $1.000000000e+00;
	v1 =	vimm.f32 $0.0e+00;
	s9 =	simm.s32 $0x3280;
	s4 =	sadd.s32 $0x1400, s4;
	s7 =	smax.u32 s7, $0x1  }
.LBB2_1:
0x10: {  	[tilespmem:s3], [sflag:$0x5] =	stream.linear.gather [hbm4b:s4+s3], $0x3200, $0x38;
	[tilespmem:$0x3780] =	vst v63  }
0x11: {  	_ =	swait.ge [sflag:s8], $0x3200  }
0x12: {  	[sflag:s8] =	ssyncset.done $0x0  }
0x13: {  	[sflag:s8] =	ssyncadd.s32 $0xFFFFCE00  }
0x14: {  	[tilespmem:$0x3200] =	vst v0  }
0x15: {  	[tilespmem:$0x3210] =	vst v0  }
0x16: {  	[tilespmem:$0x3220] =	vst v0  }
0x17: {  	[tilespmem:$0x3230] =	vst v0  }
0x18: {  	[tilespmem:$0x3240] =	vst v0  }
0x19: {  	[tilespmem:$0x3250] =	vst v0  }
0x1a: {  	[tilespmem:$0x3260] =	vst v0  }
0x1b: {  	[tilespmem:$0x3270] =	vst v0  }
0x1c: {  	[tilespmem:$0x3280] =	vst v1  }
0x1d: {  	[tilespmem:$0x3290] =	vst v1  }
0x1e: {  	[tilespmem:$0x32A0] =	vst v1  }
0x1f: {  	[tilespmem:$0x32B0] =	vst v1  }
0x20: {  	[tilespmem:$0x32C0] =	vst v1  }
0x21: {  	[tilespmem:$0x32D0] =	vst v1  }
0x22: {  	[tilespmem:$0x32E0] =	vst v1  }
0x23: {  	[tilespmem:$0x32F0] =	vst v1  }
0x24: {  	[tilespmem:$0x3300] =	vst v1  }
0x25: {  	[tilespmem:$0x3310] =	vst v1  }
0x26: {  	[tilespmem:$0x3320] =	vst v1  }
0x27: {  	[tilespmem:$0x3330] =	vst v1  }
0x28: {  	[tilespmem:$0x3340] =	vst v1  }
0x29: {  	[tilespmem:$0x3350] =	vst v1  }
0x2a: {  	[tilespmem:$0x3360] =	vst v1  }
0x2b: {  	[tilespmem:$0x3370] =	vst v1  }
0x2c: {  	[tilespmem:$0x3380] =	vst v1  }
0x2d: {  	[tilespmem:$0x3390] =	vst v1  }
0x2e: {  	[tilespmem:$0x33A0] =	vst v1  }
0x2f: {  	[tilespmem:$0x33B0] =	vst v1  }
0x30: {  	[tilespmem:$0x33C0] =	vst v1  }
0x31: {  	[tilespmem:$0x33D0] =	vst v1  }
0x32: {  	[tilespmem:$0x33E0] =	vst v1  }
0x33: {  	[tilespmem:$0x33F0] =	vst v1  }
0x34: {  	[tilespmem:$0x3400] =	vst v1  }
0x35: {  	[tilespmem:$0x3410] =	vst v1  }
0x36: {  	[tilespmem:$0x3420] =	vst v1  }
0x37: {  	[tilespmem:$0x3430] =	vst v1  }
0x38: {  	[tilespmem:$0x3440] =	vst v1  }
0x39: {  	[tilespmem:$0x3450] =	vst v1  }
0x3a: {  	[tilespmem:$0x3460] =	vst v1  }
0x3b: {  	[tilespmem:$0x3470] =	vst v1  }
0x3c: {  	[tilespmem:$0x3480] =	vst v1  }
0x3d: {  	[tilespmem:$0x3490] =	vst v1  }
0x3e: {  	[tilespmem:$0x34A0] =	vst v1  }
0x3f: {  	[tilespmem:$0x34B0] =	vst v1  }
0x40: {  	[tilespmem:$0x34C0] =	vst v1  }
0x41: {  	[tilespmem:$0x34D0] =	vst v1  }
0x42: {  	[tilespmem:$0x34E0] =	vst v1  }
0x43: {  	[tilespmem:$0x34F0] =	vst v1  }
0x44: {  	[spmem:s5] =	stream.linear.scatter [tilespmem:s9], [sflag:$0x5], $0x280, $0x38;
	[tilespmem:$0x3780] =	vst v63  }
0x45: {  	_ =	swait.ge [sflag:s8], $0x280  }
0x46: {  	[sflag:s8] =	ssyncset.done $0x0  }
0x47: {  	[sflag:s8] =	ssyncadd.s32 $0xFFFFFD80  }
0x48: {  	s21 =	simm.s32 $0x0;
	[bflag:$0x0] =	sbarrier.arrive $0xFFFF  }
0x49: {  	[spmem:s2] =	stream.indirect.scatter.add.f32 [tilespmem:s11], [sflag:$0x1], $0x1, s21, s10, $0xb8;
	[tilespmem:$0x3780] =	vst v63  }
0x4a: {  	s29 =	simm.s32 $0x80  }
0x4b: {  	[spmem:s2] =	stream.indirect.scatter.add.f32 [tilespmem:s11], [sflag:$0x2], $0x1, s29, s10, $0xb8;
	[tilespmem:$0x3780] =	vst v63  }
0x4c: {  	s30 =	simm.s32 $0x100  }
0x4d: {  	[spmem:s2] =	stream.indirect.scatter.add.f32 [tilespmem:s11], [sflag:$0x3], $0x1, s30, s10, $0xb8;
	[tilespmem:$0x3780] =	vst v63  }
0x4e: {  	s31 =	simm.s32 $0x180  }
0x4f: {  	[spmem:s2] =	stream.indirect.scatter.add.f32 [tilespmem:s11], [sflag:$0x4], $0x1, s31, s10, $0xb8;
	[tilespmem:$0x3780] =	vst v63  }
0x50: {  	_ =	swait.ge [sflag:s12], $0x64  }
0x51: {  	[sflag:s12] =	ssyncset.done $0x0  }
0x52: {  	[sflag:s12] =	ssyncadd.s32 $0xFFFFFF9C  }
0x53: {  	_ =	swait.ge [sflag:s13], $0x64  }
0x54: {  	[sflag:s13] =	ssyncset.done $0x0  }
0x55: {  	[sflag:s13] =	ssyncadd.s32 $0xFFFFFF9C  }
0x56: {  	_ =	swait.ge [sflag:s14], $0x64  }
0x57: {  	[sflag:s14] =	ssyncset.done $0x0  }
0x58: {  	[sflag:s14] =	ssyncadd.s32 $0xFFFFFF9C  }
0x59: {  	_ =	swait.ge [sflag:s15], $0x64  }
0x5a: {  	s22 =	simm.s32 $0x1000;
	s21 =	simm.s32 $0x800;
	[sflag:s15] =	ssyncset.done $0x0  }
.LBB2_2:
0x5b: {  	s23 =	sshra.s32 s21, $0x2  }
0x5c: {  	[sflag:s15] =	ssyncadd.s32 $0xFFFFFF9C;
	s21 =	smov.u32 s22;
	s24 =	sadd.s32 $0x800, s22  }
0x5d: {  	[spmem:s2] =	stream.indirect.scatter.add.f32 [tilespmem:s11], [sflag:$0x1], $0x1, s23, s10, $0xb8;
	[tilespmem:$0x3780] =	vst v63  }
0x5e: {  	p0 =	sne.s32 s22, $0xC000;
	s22 =	sadd.s32 $0x80, s23  }
0x5f: {  	[spmem:s2] =	stream.indirect.scatter.add.f32 [tilespmem:s11], [sflag:$0x2], $0x1, s22, s10, $0xb8;
	[tilespmem:$0x3780] =	vst v63  }
0x60: {  	s22 =	sadd.s32 $0x100, s23  }
0x61: {  	[spmem:s2] =	stream.indirect.scatter.add.f32 [tilespmem:s11], [sflag:$0x3], $0x1, s22, s10, $0xb8;
	[tilespmem:$0x3780] =	vst v63  }
0x62: {  	s22 =	sadd.s32 $0x180, s23  }
0x63: {  	[spmem:s2] =	stream.indirect.scatter.add.f32 [tilespmem:s11], [sflag:$0x4], $0x1, s22, s10, $0xb8;
	[tilespmem:$0x3780] =	vst v63  }
0x64: {  	_ =	swait.ge [sflag:s12], $0x64  }
0x65: {  	[sflag:s12] =	ssyncset.done $0x0  }
0x66: {  	[sflag:s12] =	ssyncadd.s32 $0xFFFFFF9C  }
0x67: {  	_ =	swait.ge [sflag:s13], $0x64  }
0x68: {  	[sflag:s13] =	ssyncset.done $0x0  }
0x69: {  	[sflag:s13] =	ssyncadd.s32 $0xFFFFFF9C  }
.Ltmp0:
0x6a: {  	_ =	swait.ge [sflag:s14], $0x64;
	(pc) =	sbr.rel @p0 .LBB2_2-.Ltmp0, $4  }
0x6b: {  	[sflag:s14] =	ssyncset.done $0x0  }
0x6c: {  	[sflag:s14] =	ssyncadd.s32 $0xFFFFFF9C  }
0x6d: {  	_ =	swait.ge [sflag:s15], $0x64  }
0x6e: {  	s22 =	smov.u32 s24;
	[sflag:s15] =	ssyncset.done $0x0  }
0x6f: {  	s21 =	sshra.s32 s21, $0x2;
	[sflag:s15] =	ssyncadd.s32 $0xFFFFFF9C  }
0x70: {  	[spmem:s2] =	stream.indirect.scatter.add.f32 [tilespmem:s11], [sflag:$0x1], $0x1, s21, s10, $0xb8;
	[tilespmem:$0x3780] =	vst v63  }
0x71: {  	s22 =	sadd.s32 $0x80, s21  }
0x72: {  	[spmem:s2] =	stream.indirect.scatter.add.f32 [tilespmem:s11], [sflag:$0x2], $0x1, s22, s10, $0xb8;
	[tilespmem:$0x3780] =	vst v63  }
0x73: {  	s31 =	sadd.s32 $0x100, s21  }
0x74: {  	[spmem:s2] =	stream.indirect.scatter.add.f32 [tilespmem:s11], [sflag:$0x3], $0x1, s31, s10, $0xb8;
	[tilespmem:$0x3780] =	vst v63  }
0x75: {  	s21 =	sadd.s32 $0x180, s21  }
0x76: {  	[spmem:s2] =	stream.indirect.scatter.add.f32 [tilespmem:s11], [sflag:$0x4], $0x1, s21, s10, $0xb8;
	[tilespmem:$0x3780] =	vst v63  }
0x77: {  	_ =	swait.ge [sflag:s12], $0x64  }
0x78: {  	[sflag:s12] =	ssyncset.done $0x0  }
0x79: {  	[sflag:s12] =	ssyncadd.s32 $0xFFFFFF9C  }
0x7a: {  	_ =	swait.ge [sflag:s13], $0x64  }
0x7b: {  	[sflag:s13] =	ssyncset.done $0x0  }
0x7c: {  	[sflag:s13] =	ssyncadd.s32 $0xFFFFFF9C  }
0x7d: {  	_ =	swait.ge [sflag:s14], $0x64  }
0x7e: {  	[sflag:s14] =	ssyncset.done $0x0  }
0x7f: {  	[sflag:s14] =	ssyncadd.s32 $0xFFFFFF9C  }
0x80: {  	_ =	swait.ge [sflag:s15], $0x64  }
0x81: {  	s20 =	sadd.s32 $0x1, s20;
	[sflag:s15] =	ssyncset.done $0x0  }
0x82: {  	p0 =	sne.s32 s20, s7;
	[sflag:s15] =	ssyncadd.s32 $0xFFFFFF9C  }
.Ltmp1:
0x83: {  	[bflag:$0x0] =	sbarrier.arrive $0xFFFF;
	(pc) =	sbr.rel @p0 .LBB2_1-.Ltmp1, $4  }
0x84: {  	[hbm:s6@s18], [sflag:s16] =	dma.strided [spmem:s17@s19], $0x50, s12, $0x10   }
0x85: {  	_ =	swait.ge [sflag:s8], $0x50  }
0x86: {  	[sflag:s8] =	ssyncset.done $0x0  }
0x87: {  	[sflag:s8] =	ssyncadd.s32 $0xFFFFFFB0  }
0x88: {  	_ =	sfence.sel $0x180000  }
0x89: {  	[bflag:$0x0] =	sbarrier.arrive $0xFFFF  }
0x8a: {  	p0 =	sne.s32 s1, $0x0;
	_ =	strace $0x90000047  }
0x8b: {  	s0 =	sadd.s32 @!p0 $0x100000, s0;
	[bflag:$0x2] =	sbarrier.arrive $0xFFFF  }
0x8c: {  	[sflag:s0] =	ssyncadd.tile.s32 @!p0 $0x1;
	_ =	shalt  }
.Lfunc_end2:
_tile_overlayer_lowered:
.L_overlay_start_2:
0x8d: {  	(tag) =	ssettag $0x2  }
0x8e: {  	s0 =	rddreg [dreg:$0x0];
	s2 =	stileid.u32  }
0x8f: {  	s1 =	rddreg [dreg:$0x1];
	p0 =	sne.s32 s2, $0x0  }
0x90: {  	s3 =	rddreg [dreg:$0x2];
	[bflag:$0x3] =	sbarrier.arrive $0xFFFF;
	s2 =	simm.s32 @!p0 $0x1C05  }
0x91: {  	[timem:s3], [sflag:s2] =	dma.local @!p0 [hbm:s0], s1  }
0x92: {  	s0 =	simm.s32 @!p0 $0x5  }
0x93: {  	_ =	swait.ge @!p0 [sflag:s0], s1  }
0x94: {  	s1 =	ssub.s32 @!p0 $0x0, s1;
	[sflag:s0] =	ssyncset.done @!p0 $0x0  }
0x95: {  	[sflag:s0] =	ssyncadd.s32 @!p0 s1  }
0x96: {  	[bflag:$0x3] =	sbarrier.arrive $0xFFFF  }
0x97: {  	_ =	shalt  }

// kernel: kernel.9.cloned.1.call-start
scs
__scs_entry_jumppad:
0x0: {  	(pc) =	sbr.rel $0x88, $3  }
0x1: {  	(tag) =	ssettag $0x0;
	lr =	simm.s32 $0x1  }
0x2: {  	[smem:$0x3F9B] =	sst lr;
	_ =	strace $0xD0000000  }
0x3: {  	_ = 	snop  }
0x4: {  	_ = 	snop  }
0x5: {  	_ = 	snop  }
0x6: {  	_ = 	snop  }
0x7: {  	_ = 	snop  }
__scs_overlays_trampoline_lowered:
0x8: {  	[smem:$0x3FAA] =	sst s0  }
0x9: {  	[smem:$0x3FAB] =	sst s1  }
0xa: {  	[smem:$0x3FAC] =	sst s2  }
0xb: {  	[smem:$0x3FAD] =	sst s3  }
0xc: {  	[smem:$0x3FAE] =	sst s4  }
0xd: {  	[smem:$0x3FAF] =	sst s5  }
0xe: {  	[smem:$0x3FB0] =	sst s6  }
0xf: {  	[smem:$0x3FB1] =	sst s7  }
0x10: {  	[smem:$0x3FB2] =	sst s8  }
0x11: {  	[smem:$0x3FB3] =	sst s9;
	s0 =	simm.s32 @!p0 $0x0  }
0x12: {  	s1 =	sld [smem:$0x3F99];
	s0 =	simm.s32 @p0 $0x1  }
0x13: {  	[smem:$0x3FB4] =	sst s0;
	s0 =	simm.s32 @!p1 $0x0  }
0x14: {  	s2 =	sld [smem:$0x3F98];
	s0 =	simm.s32 @p1 $0x1  }
0x15: {  	[smem:$0x3FB5] =	sst s0;
	s0 =	simm.s32 @!p2 $0x0  }
0x16: {  	s3 =	sld [smem:$0x3FDB];
	s0 =	simm.s32 @p2 $0x1  }
0x17: {  	s4 =	simm.s32 $0x1BF5;
	[smem:$0x3FB7] =	sst s0  }
0x18: {  	s0 =	sld [smem:$0x3F9A];
	_ =	swait.ge [sflag:s4], $0x0  }
0x19: {  	s7 =	sld [smem:$0x3F9B]  }
0x1a: {  	s8 =	sadd.s32 $0xFFFFE003, lr  }
0x1b: {  	s9 =	sadd.s32 $0xFFFFFEF7, lr;
	s5 =	simm.s32 $0xFFFFFFFF;
	p2 =	slt.u32 s8, $0xFFFFF086  }
0x1c: {  	p1 =	slt.u32 s9, $0xF7A;
	s5 =	simm.s32 @!p2 $0x0  }
0x1d: {  	s5 =	simm.s32 @p1 $0x1;
	p0 =	seq.s32 s7, s2  }
0x1e: {  	s7 =	smul.u32 @!p0 $0xF7A, s2;
	p2 =	seq.s32 @!p0 s5, $0x0  }
0x1f: {  	s9 =	smul.u32 $0xF7A, s1;
	s8 =	simm.s32 @!p0 $0x1BF5;
	p2 =	por !p2, p0  }
0x20: {  	[sflag:s8] =	ssyncset.s32 @!p0 $0xFFFFF086;
	s6 =	sadd.s32 @!p0 s3, s7;
	s7 =	simm.s32 @!p0 $0x108  }
0x21: {  	s3 =	sadd.s32 s3, s9;
	s6 =	sadd.s32 @!p0 $0x88, s6;
	s7 =	simm.s32 @p2 $0x1082  }
0x22: {  	[simem:s7], [sflag:s8] =	dma.local @!p0 [hbm:s6], $0xF7A  }
0x23: {  	s9 =	sor.u32 $0xD0000000, s2;
	s6 =	simm.s32 $0x108;
	_ =	swait.ge @!p0 [sflag:s8], $0x0  }
0x24: {  	s3 =	sadd.s32 $0x88, s3;
	s6 =	simm.s32 @!p1 $0x1082;
	[sflag:s4] =	ssyncset.s32 $0xFFFFF086  }
0x25: {  	[simem:s6], [sflag:s4] =	dma.local [hbm:s3], $0xF7A  }
0x26: {  	[smem:$0x3F9B] =	sst s1;
	(tag) =	ssettag s2;
	_ =	strace s9  }
0x27: {  	s1 =	sld [smem:$0x3FAB]  }
0x28: {  	s2 =	sld [smem:$0x3FAC]  }
0x29: {  	s4 =	sld [smem:$0x3FAE]  }
0x2a: {  	p0 =	seq.s32 s5, $0x0;
	s5 =	sld [smem:$0x3FAF]  }
0x2b: {  	s6 =	sld [smem:$0x3FB0]  }
0x2c: {  	s7 =	sld [smem:$0x3FB1]  }
0x2d: {  	s3 =	simm.s32 $0x108;
	s8 =	sld [smem:$0x3FB2]  }
0x2e: {  	s3 =	simm.s32 @!p0 $0x1082;
	s9 =	sld [smem:$0x3FB3]  }
0x2f: {  	lr =	sadd.s32 s0, s3;
	s0 =	sld [smem:$0x3FAA]  }
0x30: {  	s3 =	sld [smem:$0x3FAD]  }
0x31: {  	[smem:$0x3FB6] =	sst s10  }
0x32: {  	s10 =	sld [smem:$0x3FB4];
	_ =	sdelay $0x3  }
0x33: {  	p0 =	seq.s32 s10, $0x1;
	s10 =	sld [smem:$0x3FB6];
	_ =	sdelay $0x3  }
0x34: {  	[smem:$0x3FB6] =	sst s10  }
0x35: {  	s10 =	sld [smem:$0x3FB5];
	_ =	sdelay $0x3  }
0x36: {  	p1 =	seq.s32 s10, $0x1;
	s10 =	sld [smem:$0x3FB6];
	_ =	sdelay $0x3  }
0x37: {  	[smem:$0x3FB6] =	sst s10  }
0x38: {  	s10 =	sld [smem:$0x3FB7]  }
0x39: {  	_ = 	snop;
	(pc) =	sbr.ind lr, $3  }
0x3a: {  	_ = 	snop  }
0x3b: {  	_ = 	snop  }
0x3c: {  	p2 =	seq.s32 s10, $0x1;
	s10 =	sld [smem:$0x3FB6]  }
0x3d: {  	_ =	shalt  }
0x3e: {  	_ =	shalt  }
0x3f: {  	_ =	shalt  }
0x40: {  	_ =	shalt  }
0x41: {  	_ =	shalt  }
0x42: {  	_ =	shalt  }
0x43: {  	_ =	shalt  }
0x44: {  	_ =	shalt  }
0x45: {  	_ =	shalt  }
0x46: {  	_ =	shalt  }
0x47: {  	_ =	shalt  }
0x48: {  	_ =	shalt  }
0x49: {  	_ =	shalt  }
0x4a: {  	_ =	shalt  }
0x4b: {  	_ =	shalt  }
0x4c: {  	_ =	shalt  }
0x4d: {  	_ =	shalt  }
0x4e: {  	_ =	shalt  }
0x4f: {  	_ =	shalt  }
0x50: {  	_ =	shalt  }
0x51: {  	_ =	shalt  }
0x52: {  	_ =	shalt  }
0x53: {  	_ =	shalt  }
0x54: {  	_ =	shalt  }
0x55: {  	_ =	shalt  }
0x56: {  	_ =	shalt  }
0x57: {  	_ =	shalt  }
0x58: {  	_ =	shalt  }
0x59: {  	_ =	shalt  }
0x5a: {  	_ =	shalt  }
0x5b: {  	_ =	shalt  }
0x5c: {  	_ =	shalt  }
0x5d: {  	_ =	shalt  }
0x5e: {  	_ =	shalt  }
0x5f: {  	_ =	shalt  }
0x60: {  	_ =	shalt  }
0x61: {  	_ =	shalt  }
0x62: {  	_ =	shalt  }
0x63: {  	_ =	shalt  }
0x64: {  	_ =	shalt  }
0x65: {  	_ =	shalt  }
0x66: {  	_ =	shalt  }
0x67: {  	_ =	shalt  }
0x68: {  	_ =	shalt  }
0x69: {  	_ =	shalt  }
0x6a: {  	_ =	shalt  }
0x6b: {  	_ =	shalt  }
0x6c: {  	_ =	shalt  }
0x6d: {  	_ =	shalt  }
0x6e: {  	_ =	shalt  }
0x6f: {  	_ =	shalt  }
0x70: {  	_ =	shalt  }
0x71: {  	_ =	shalt  }
0x72: {  	_ =	shalt  }
0x73: {  	_ =	shalt  }
0x74: {  	_ =	shalt  }
0x75: {  	_ =	shalt  }
0x76: {  	_ =	shalt  }
0x77: {  	_ =	shalt  }
0x78: {  	_ =	shalt  }
0x79: {  	_ =	shalt  }
0x7a: {  	_ =	shalt  }
0x7b: {  	_ =	shalt  }
0x7c: {  	_ =	shalt  }
0x7d: {  	_ =	shalt  }
0x7e: {  	_ =	shalt  }
0x7f: {  	_ =	shalt  }
0x80: {  	_ =	shalt  }
0x81: {  	_ =	shalt  }
0x82: {  	_ =	shalt  }
0x83: {  	_ =	shalt  }
0x84: {  	_ =	shalt  }
0x85: {  	_ =	shalt  }
0x86: {  	_ =	shalt  }
0x87: {  	_ =	shalt  }
.Lfunc_end0:
.L_simem_size_0:
called_computation.1_lowered:
.L_overlay_start_0:
0x88: {  	s2 =	sld [smem:$0x3FD9]  }
0x89: {  	s3 =	sld [smem:$0x3FFE];
	_ =	sdelay $0x1  }
0x8a: {  	s1 =	srdreg.scid  }
0x8b: {  	s0 =	sand.u32 $0x1, s1  }
0x8c: {  	s17 =	sshll.u32 s0, $0xA;
	s2 =	sadd.s32 s3, s2  }
0x8d: {  	s2 =	sadd.s32 s2, s17  }
0x8e: {  	[smem:$0x3FC2] =	sst s2  }
0x8f: {  	_ = 	snop  }
0x90: {  	s2 =	sld [smem:$0x3FD0];
	(tm) =	ssettm $0x1  }
0x91: {  	s18 =	sld [smem:$0x3FFB];
	_ =	sdelay $0x3  }
0x92: {  	_ =	strace s18  }
0x93: {  	s3 =	sld [smem:$0x3FFC];
	_ =	sdelay $0x3  }
0x94: {  	_ =	strace s3  }
0x95: {  	s3 =	sld [smem:$0x3FFD];
	_ =	sdelay $0x3  }
0x96: {  	_ =	strace s3  }
0x97: {  	_ =	strace $0x8FFFFFFF  }
0x98: {  	s19 =	sld [smem:$0x3FDB];
	_ =	sdelay $0x1  }
0x99: {  	s4 =	simm.s32 $_scs_section_size  }
0x9a: {  	s5 =	simm.s32 $_size__tile_overlayer_lowered;
	s6 =	simm.s32 $_tile_overlayer_lowered  }
0x9b: {  	s22 =	simm.s32 $0x1BFF;
	s21 =	sshll.u32 s6, $0x1;
	s3 =	sadd.s32 s4, s19  }
0x9c: {  	s7 =	simm.s32 $0x0;
	s20 =	sshll.u32 s5, $0x1;
	s5 =	sadd.s32 s21, s3  }
0x9d: {  	[timem:s7], [sflag:s22] =	dma.local [hbm:s5], s20  }
0x9e: {  	_ =	swait.ge [sflag:s22], s20  }
0x9f: {  	s4 =	ssub.s32 $0x0, s20;
	[sflag:s22] =	ssyncset.done $0x0  }
0xa0: {  	[sflag:s22] =	ssyncadd.s32 s4;
	_ =	sdelay $0x1  }
0xa1: {  	s23 =	simm.s32 $0x1B8B  }
0xa2: {  	_ =	swait.ge [sflag:s23], $0x1  }
0xa3: {  	[sflag:s23] =	ssyncset.done $0x0  }
0xa4: {  	s25 =	simm.s32 $0x1B8E;
	s24 =	sld [smem:$0x3FFE];
	[sflag:s23] =	ssyncadd.s32 $0xFFFFFFFF  }
0xa5: {  	s26 =	simm.s32 $execute0_lowered;
	[smem:$0x3FD2] =	sst s25  }
0xa6: {  	s5 =	sshll.u32 s26, $0x1;
	_ =	strace $0x80000049;
	[dreg:$0x1] =	wrdreg $0xFFFFFFFF  }
0xa7: {  	s28 =	simm.s32 $_size_execute0_lowered;
	s3 =	sadd.s32 s3, s5;
	[dreg:$0x0] =	wrdreg $0x0  }
0xa8: {  	s5 =	sshll.u32 s28, $0x1;
	[dreg:$0x2] =	wrdreg s3  }
0xa9: {  	[dreg:$0x3] =	wrdreg s5  }
0xaa: {  	[dreg:$0x4] =	wrdreg $0xC0  }
0xab: {  	_ =	task [dreg:s7], $0x5FFFF  }
0xac: {  	[dreg:$0x1] =	wrdreg $0xFFFFFFFF  }
0xad: {  	[dreg:$0x0] =	wrdreg $0x60  }
0xae: {  	[dreg:$0x2] =	wrdreg s24  }
0xaf: {  	[dreg:$0x3] =	wrdreg s2  }
0xb0: {  	[dreg:$0x4] =	wrdreg $0xB4000  }
0xb1: {  	[dreg:$0x5] =	wrdreg $0x9  }
0xb2: {  	_ =	task.clear_ibuf [dreg:s7], $0x6FFFF;
	_ =	strace $0x90000049  }
0xb3: {  	s29 =	simm.s32 $0x9;
	_ =	strace $0x8000004B  }
0xb4: {  	_ =	swait.ge [sflag:s29], $0x1  }
0xb5: {  	[sflag:s29] =	ssyncadd.s32 $0xFFFFFFFF  }
0xb6: {  	_ =	strace $0x9000004B  }
0xb7: {  	_ =	sfence  }
0xb8: {  	s30 =	sld [smem:$0x0];
	_ =	sdelay $0x2  }
0xb9: {  	s31 =	sshll.u32 s1, $0xD;
	s1 =	sshrl.u32 s1, $0x2  }
0xba: {  	s3 =	sand.u32 $0x4000, s31;
	s1 =	sadd.s32 s1, s30  }
0xbb: {  	s0 =	sor.u32 s3, s0;
	s1 =	sshll.u32 s1, $0x11  }
0xbc: {  	s0 =	sor.u32 s1, s0  }
0xbd: {  	s0 =	sadd.s32 $0x8F2B, s0  }
0xbe: {  	[sflag:s0] =	ssyncadd.remote.s32 $0x1  }
0xbf: {  	_ =	sfence.sel $0xFFFF  }
0xc0: {  	[dreg:$0x0] =	wrdreg $0xFFFFFFFF;
	(pc) =	sbr.abs _section_cstart, $3  }
0xc1: {  	[dreg:$0x1] =	wrdreg $0xFFFFFFFF  }
0xc2: {  	_ =	task.clear_ibuf [dreg:s7], $0x2FFFF;
	_ =	strace $0x9FFFFFFF  }
0xc3: {  	(tm) =	ssettm $0x7FFFFFFF  }
tec
execute0_lowered:
.L_overlay_start_1:
0x0: {  	(tag) =	ssettag $0x1  }
0x1: {  	s0 =	rddreg [dreg:$0x0]  }
0x2: {  	s2 =	rddreg [dreg:$0x1]  }
0x3: {  	s3 =	rddreg [dreg:$0x2];
	s4 =	simm.s32 $0x0  }
0x4: {  	s10 =	simm.s32 $0x200;
	[smem:$0x7FF] =	sst s4  }
0x5: {  	s11 =	simm.s32 $0x280;
	_ =	strace $0x8000004A;
	[dreg:$0x6] =	wrdreg s10  }
0x6: {  	s14 =	simm.s32 $0xE00;
	[dreg:$0x7] =	wrdreg s11  }
0x7: {  	s16 =	simm.s32 $0x300;
	[dreg:$0x8] =	wrdreg s14  }
0x8: {  	s17 =	simm.s32 $0xE80;
	[dreg:$0x9] =	wrdreg s16  }
0x9: {  	s1 =	srdreg.scid;
	s19 =	simm.s32 $0xF00;
	[dreg:$0xa] =	wrdreg s17  }
0xa: {  	s12 =	stileid.u32;
	s21 =	simm.s32 $0x400;
	[dreg:$0xc] =	wrdreg s19  }
0xb: {  	s23 =	simm.s32 $0xF80;
	s28 =	simm.s32 $0x2;
	[dreg:$0xd] =	wrdreg s21  }
0xc: {  	s29 =	simm.s32 $0xC80;
	s11 =	simm.s32 $0x380;
	[dreg:$0xe] =	wrdreg s23  }
0xd: {  	s30 =	simm.s32 $0x4;
	s16 =	simm.s32 $0x1080;
	[dreg:$0xb] =	wrdreg s11  }
0xe: {  	s31 =	simm.s32 $0x180;
	s17 =	simm.s32 $0x580;
	[dreg:$0x12] =	wrdreg s16  }
0xf: {  	s15 =	smul.u32 $0x4F000, s12;
	s19 =	simm.s32 $0x600;
	[dreg:$0x13] =	wrdreg s17  }
0x10: {  	s6 =	sand.u32 $0x1, s1;
	s21 =	simm.s32 $0x1180;
	[dreg:$0x15] =	wrdreg s19  }
0x11: {  	s10 =	sshrl.u32 s15, $0x2;
	s15 =	simm.s32 $0x500;
	[dreg:$0x16] =	wrdreg s21  }
0x12: {  	s5 =	smul.u32 $0x3200, s12;
	s16 =	simm.s32 $0x880;
	[dreg:$0x11] =	wrdreg s15  }
0x13: {  	s7 =	sadd.s32 $0x1400, s0;
	s17 =	simm.s32 $0x1400;
	[dreg:$0x1f] =	wrdreg s16  }
0x14: {  	s8 =	sadd.s32 $0xDC00, s0;
	s19 =	simm.s32 $0x1480;
	[smem:$0x7F3] =	sst s17  }
0x15: {  	s1 =	smul.u32 $0x32000, s6;
	s21 =	simm.s32 $0x1500;
	[smem:$0x7F5] =	sst s19  }
0x16: {  	s9 =	ssub.s32 $0x2, s6;
	s18 =	sadd.s32 s10, s3;
	[smem:$0x7F7] =	sst s21  }
0x17: {  	s26 =	sshrl.u32 s9, $0x1;
	s10 =	simm.s32 $0x780;
	[smem:$0x7EC] =	sst s18  }
0x18: {  	s1 =	sadd.s32 s5, s1;
	s15 =	simm.s32 $0x1380;
	[dreg:$0x1b] =	wrdreg s10  }
0x19: {  	s5 =	sshrl.u32 s1, $0x3;
	s20 =	sadd.s32 $0x3000, s18;
	[dreg:$0x1e] =	wrdreg s15  }
0x1a: {  	s1 =	sadd.s32 $0x1A400, s0;
	s22 =	sadd.s32 $0x6000, s18;
	[smem:$0x7E7] =	sst s20  }
0x1b: {  	s0 =	ssub.s32 s9, s26;
	s26 =	sadd.s32 $0xC000, s18;
	[smem:$0x7E8] =	sst s22  }
0x1c: {  	s13 =	sshll.u32 s6, $0x4;
	s14 =	sadd.s32 $0xF000, s18;
	[smem:$0x7EA] =	sst s26  }
0x1d: {  	s9 =	sor.u32 s12, s13;
	s13 =	simm.s32 $0x1000;
	[smem:$0x7EB] =	sst s14  }
0x1e: {  	p0 =	seq.s32 s12, $0xF;
	s24 =	sadd.s32 s5, s7;
	[dreg:$0x10] =	wrdreg s13  }
0x1f: {  	s6 =	smul.u32 $0x138800, s6;
	s25 =	sadd.s32 s5, s8;
	[dreg:$0x4] =	wrdreg s24  }
0x20: {  	s23 =	smul.u32 $0x13C00, s12;
	s5 =	sadd.s32 $0x12000, s18;
	[dreg:$0x5] =	wrdreg s25  }
0x21: {  	s17 =	simm.s32 $0x1800;
	s22 =	simm.s32 $0x680;
	[smem:$0x7ED] =	sst s5  }
0x22: {  	s19 =	simm.s32 $0xC00;
	s26 =	simm.s32 $0x700;
	[dreg:$0x17] =	wrdreg s22  }
0x23: {  	s21 =	simm.s32 $0x80;
	s13 =	simm.s32 $0x1300;
	[dreg:$0x19] =	wrdreg s26  }
0x24: {  	s10 =	simm.s32 $0xB80;
	s14 =	simm.s32 $0x800;
	[dreg:$0x1c] =	wrdreg s13  }
0x25: {  	s12 =	simm.s32 $0x1780;
	s0 =	smax.u32 s0, $0x1;
	[dreg:$0x1d] =	wrdreg s14  }
0x26: {  	s9 =	smul.u32 $0x3200, s9;
	s24 =	sadd.s32 $0x9000, s18;
	[smem:$0x7F2] =	sst s0  }
0x27: {  	s25 =	simm.s32 $0x480;
	s18 =	simm.s32 $0x1100;
	[smem:$0x7E9] =	sst s24  }
0x28: {  	s5 =	sadd.s32 s23, s6;
	s6 =	sshrl.u32 s6, $0x3;
	[dreg:$0xf] =	wrdreg s25  }
0x29: {  	s22 =	simm.s32 $0xA00;
	s23 =	simm.s32 $0x1580;
	[dreg:$0x14] =	wrdreg s18  }
0x2a: {  	s26 =	simm.s32 $0xB00;
	s13 =	simm.s32 $0x0;
	[smem:$0x7F8] =	sst s22  }
0x2b: {  	s9 =	sshrl.u32 s9, $0x3;
	s24 =	simm.s32 $0x1200;
	[smem:$0x7F9] =	sst s23  }
0x2c: {  	s18 =	simm.s32 $0x900;
	s22 =	simm.s32 $0x4C00;
	[smem:$0x7FC] =	sst s26  }
0x2d: {  	s23 =	simm.s32 $0x1;
	s26 =	simm.s32 $0x8000;
	[dreg:$0x18] =	wrdreg s24  }
0x2e: {  	s9 =	sadd.s32 $0x600, s9;
	[smem:$0x7F4] =	sst s18;
	s24 =	simm.s32 $0xA80  }
0x2f: {  	s18 =	simm.s32 $0x7;
	s20 =	sadd.s32 s8, s9;
	[smem:$0x7FA] =	sst s24  }
0x30: {  	s25 =	sadd.s32 s7, s9;
	s9 =	simm.s32 $0x1280;
	[smem:$0x7EE] =	sst s20  }
0x31: {  	s8 =	sshrl.u32 s5, $0x3;
	s24 =	simm.s32 $0x100;
	[smem:$0x7EF] =	sst s25  }
0x32: {  	s7 =	simm.s32 $0xD80;
	[dreg:$0x1a] =	wrdreg s9;
	s11 =	sadd.s32 s1, s8  }
0x33: {  	s1 =	sadd.s32 s1, s6;
	s6 =	sadd.s32 $0x128400, s3;
	s20 =	simm.s32 $0x980  }
0x34: {  	s25 =	simm.s32 $0x1600;
	s8 =	simm.s32 $0x6;
	[smem:$0x7F0] =	sst s11  }
0x35: {  	s9 =	simm.s32 $0x1680;
	s1 =	sadd.s32 $0x25080, s1;
	[smem:$0x7F6] =	sst s20  }
0x36: {  	s20 =	simm.s32 $0x64;
	[smem:$0x7FB] =	sst s25;
	s0 =	sshrl.u32 @p0 s6, $0x3  }
0x37: {  	s6 =	simm.s32 $0x5;
	s11 =	simm.s32 $0x1700;
	[smem:$0x7F1] =	sst s1  }
0x38: {  	v0 =	vimm.f32 $0.0e+00;
	[smem:$0x7FD] =	sst s0;
	s1 =	simm.s32 $0x3;
	s0 =	simm.s32 $0xD00  }
.LBB2_1:
0x39: {  	s14 =	sand.u32 $0xFE00, s4  }
0x3a: {  	s15 =	sand.u32 $0x70, s4;
	s16 =	sshrl.u32 s14, $0x2  }
0x3b: {  	s14 =	simm.s32 $0x40;
	s16 =	sor.u32 s15, s16;
	s15 =	simm.s32 $0x0  }
.LBB2_2:
0x3c: {  	p1 =	sne.s32 s14, $0xC7C0  }
0x3d: {  	[tilespmem:s16+$0x1800] =	vst v0;
	s15 =	sadd.s32 $0x10, s15;
	s16 =	smov.u32 s14;
	s14 =	sadd.s32 $0x40, s14  }
.Ltmp0:
0x3e: {  	(pc) =	sbr.rel @p1 .LBB2_2-.Ltmp0, $4  }
0x3f: {  	_ = 	snop  }
0x40: {  	s16 =	sand.u32 $0xFE00, s16  }
0x41: {  	s25 =	sand.u32 $0x70, s15;
	s16 =	sshrl.u32 s16, $0x2  }
0x42: {  	s16 =	sor.u32 s25, s16  }
0x43: {  	s5 =	sld [smem:$0x7EC];
	_ =	sdelay $0x1  }
0x44: {  	[tilespmem:s16+$0x1800] =	vst v0  }
0x45: {  	[spmem:s5] =	stream.linear.scatter [tilespmem:s17], [sflag:$0x7], $0x3000, $0x38;
	[tilespmem:$0x1F000] =	vst v63  }
0x46: {  	_ =	swait.ge [sflag:s18], $0x3000  }
0x47: {  	s14 =	sld [smem:$0x7E7]  }
0x48: {  	[sflag:s18] =	ssyncset.done $0x0  }
0x49: {  	[sflag:s18] =	ssyncadd.s32 $0xFFFFD000  }
0x4a: {  	[spmem:s14] =	stream.linear.scatter [tilespmem:s17], [sflag:$0x7], $0x3000, $0x38;
	[tilespmem:$0x1F000] =	vst v63  }
0x4b: {  	_ =	swait.ge [sflag:s18], $0x3000  }
0x4c: {  	s15 =	sld [smem:$0x7E8]  }
0x4d: {  	[sflag:s18] =	ssyncset.done $0x0  }
0x4e: {  	[sflag:s18] =	ssyncadd.s32 $0xFFFFD000  }
0x4f: {  	[spmem:s15] =	stream.linear.scatter [tilespmem:s17], [sflag:$0x7], $0x3000, $0x38;
	[tilespmem:$0x1F000] =	vst v63  }
0x50: {  	_ =	swait.ge [sflag:s18], $0x3000  }
0x51: {  	s16 =	sld [smem:$0x7E9]  }
0x52: {  	[sflag:s18] =	ssyncset.done $0x0  }
0x53: {  	[sflag:s18] =	ssyncadd.s32 $0xFFFFD000  }
0x54: {  	[spmem:s16] =	stream.linear.scatter [tilespmem:s17], [sflag:$0x7], $0x3000, $0x38;
	[tilespmem:$0x1F000] =	vst v63  }
0x55: {  	_ =	swait.ge [sflag:s18], $0x3000  }
0x56: {  	s25 =	sld [smem:$0x7EA]  }
0x57: {  	[sflag:s18] =	ssyncset.done $0x0  }
0x58: {  	[sflag:s18] =	ssyncadd.s32 $0xFFFFD000  }
0x59: {  	[spmem:s25] =	stream.linear.scatter [tilespmem:s17], [sflag:$0x7], $0x3000, $0x38;
	[tilespmem:$0x1F000] =	vst v63  }
0x5a: {  	_ =	swait.ge [sflag:s18], $0x3000  }
0x5b: {  	s14 =	sld [smem:$0x7EB]  }
0x5c: {  	[sflag:s18] =	ssyncset.done $0x0  }
0x5d: {  	[sflag:s18] =	ssyncadd.s32 $0xFFFFD000  }
0x5e: {  	[spmem:s14] =	stream.linear.scatter [tilespmem:s17], [sflag:$0x7], $0x3000, $0x38;
	[tilespmem:$0x1F000] =	vst v63  }
0x5f: {  	_ =	swait.ge [sflag:s18], $0x3000  }
0x60: {  	s15 =	sld [smem:$0x7ED]  }
0x61: {  	[sflag:s18] =	ssyncset.done $0x0  }
0x62: {  	[sflag:s18] =	ssyncadd.s32 $0xFFFFD000  }
0x63: {  	[spmem:s15] =	stream.linear.scatter [tilespmem:s17], [sflag:$0x7], $0x1C00, $0x38;
	[tilespmem:$0x1F000] =	vst v63  }
0x64: {  	_ =	swait.ge [sflag:s18], $0x1C00  }
0x65: {  	[sflag:s18] =	ssyncset.done $0x0  }
0x66: {  	p1 =	por $0x1, $0x1;
	[sflag:s18] =	ssyncadd.s32 $0xFFFFE400  }
0x67: {  	s14 =	simm.s32 @!p1 $0x4;
	[bflag:$0x0] =	sbarrier.arrive $0xFFFF  }
0x68: {  	_ =	swait.ge @!p1 [sflag:s14], $0x3200  }
0x69: {  	[sflag:s14] =	ssyncset.done @!p1 $0x0  }
0x6a: {  	[sflag:s14] =	ssyncadd.s32 @!p1 $0xFFFFCE00;
	s14 =	simm.s32 @!p1 $0x5  }
0x6b: {  	_ =	swait.ge @!p1 [sflag:s14], $0x3200  }
0x6c: {  	[sflag:s14] =	ssyncset.done @!p1 $0x0  }
0x6d: {  	[sflag:s14] =	ssyncadd.s32 @!p1 $0xFFFFCE00;
	s14 =	simm.s32 @!p1 $0x6  }
0x6e: {  	_ =	swait.ge @!p1 [sflag:s14], $0x3200  }
0x6f: {  	s15 =	rddreg [dreg:$0x5];
	[sflag:s14] =	ssyncset.done @!p1 $0x0  }
0x70: {  	[sflag:s14] =	ssyncadd.s32 @!p1 $0xFFFFCE00;
	s16 =	sadd.s32 $0x0, s15  }
0x71: {  	[tilespmem:s4], [sflag:$0x7] =	stream.linear.gather [hbm4b:s16+s4], $0xC00, $0x38;
	[tilespmem:$0x1F000] =	vst v63  }
0x72: {  	_ =	swait.ge [sflag:s18], $0xC00  }
0x73: {  	s25 =	rddreg [dreg:$0x4];
	[sflag:s18] =	ssyncset.done $0x0  }
0x74: {  	[sflag:s18] =	ssyncadd.s32 $0xFFFFF400;
	s14 =	sadd.s32 $0x0, s25  }
0x75: {  	[tilespmem:s19], [sflag:$0x7] =	stream.linear.gather [hbm4b:s14+s4], $0xC00, $0x38;
	[tilespmem:$0x1F000] =	vst v63  }
0x76: {  	_ =	swait.ge [sflag:s18], $0xC00  }
0x77: {  	[sflag:s18] =	ssyncset.done $0x0  }
0x78: {  	[sflag:s18] =	ssyncadd.s32 $0xFFFFF400  }
0x79: {  	[tilespmem:s17], [sflag:$0x1] =	stream.indirect.gather [hbm4b:s2+s20], $0x80, s4, s20, $0xb8;
	[tilespmem:$0x1F000] =	vst v63  }
0x7a: {  	_ = 	snop  }
0x7b: {  	[tilespmem:s22], [sflag:$0x2] =	stream.indirect.gather [hbm4b:s2+s20], $0x80, s21, s20, $0xb8;
	[tilespmem:$0x1F000] =	vst v63  }
0x7c: {  	_ =	swait.ge [sflag:s23], $0x3200  }
0x7d: {  	[sflag:s23] =	ssyncset.done $0x0  }
0x7e: {  	[sflag:s23] =	ssyncadd.s32 $0xFFFFCE00  }
0x7f: {  	[spmem:s3] =	stream.indirect.scatter.add.f32 [tilespmem:s17], [sflag:$0x4], $0x80, s19, s20, $0xb8;
	[tilespmem:$0x1F000] =	vst v63  }
0x80: {  	_ = 	snop  }
0x81: {  	[tilespmem:s26], [sflag:$0x3] =	stream.indirect.gather [hbm4b:s2+s20], $0x80, s24, s20, $0xb8;
	[tilespmem:$0x1F000] =	vst v63  }
0x82: {  	_ =	swait.ge [sflag:s28], $0x3200  }
0x83: {  	[sflag:s28] =	ssyncset.done $0x0  }
0x84: {  	[sflag:s28] =	ssyncadd.s32 $0xFFFFCE00  }
0x85: {  	[spmem:s3] =	stream.indirect.scatter.add.f32 [tilespmem:s22], [sflag:$0x5], $0x80, s29, s20, $0xb8;
	[tilespmem:$0x1F000] =	vst v63  }
0x86: {  	_ =	swait.ge [sflag:s30], $0x3200  }
0x87: {  	[sflag:s30] =	ssyncset.done $0x0  }
0x88: {  	[sflag:s30] =	ssyncadd.s32 $0xFFFFCE00  }
0x89: {  	[tilespmem:s17], [sflag:$0x1] =	stream.indirect.gather [hbm4b:s2+s20], $0x80, s31, s20, $0xb8;
	[tilespmem:$0x1F000] =	vst v63  }
0x8a: {  	_ =	swait.ge [sflag:s1], $0x3200  }
0x8b: {  	[sflag:s1] =	ssyncset.done $0x0  }
0x8c: {  	[sflag:s1] =	ssyncadd.s32 $0xFFFFCE00  }
0x8d: {  	[spmem:s3] =	stream.indirect.scatter.add.f32 [tilespmem:s26], [sflag:$0x6], $0x80, s0, s20, $0xb8;
	[tilespmem:$0x1F000] =	vst v63  }
0x8e: {  	_ =	swait.ge [sflag:s6], $0x3200  }
0x8f: {  	[sflag:s6] =	ssyncset.done $0x0  }
0x90: {  	s5 =	rddreg [dreg:$0x6];
	[sflag:s6] =	ssyncadd.s32 $0xFFFFCE00  }
0x91: {  	[tilespmem:s22], [sflag:$0x2] =	stream.indirect.gather [hbm4b:s2+s20], $0x80, s5, s20, $0xb8;
	[tilespmem:$0x1F000] =	vst v63  }
0x92: {  	_ =	swait.ge [sflag:s23], $0x3200  }
0x93: {  	[sflag:s23] =	ssyncset.done $0x0  }
0x94: {  	[sflag:s23] =	ssyncadd.s32 $0xFFFFCE00  }
0x95: {  	[spmem:s3] =	stream.indirect.scatter.add.f32 [tilespmem:s17], [sflag:$0x4], $0x80, s7, s20, $0xb8;
	[tilespmem:$0x1F000] =	vst v63  }
0x96: {  	_ =	swait.ge [sflag:s8], $0x3200  }
0x97: {  	[sflag:s8] =	ssyncset.done $0x0  }
0x98: {  	s15 =	rddreg [dreg:$0x7];
	[sflag:s8] =	ssyncadd.s32 $0xFFFFCE00  }
0x99: {  	[tilespmem:s26], [sflag:$0x3] =	stream.indirect.gather [hbm4b:s2+s20], $0x80, s15, s20, $0xb8;
	[tilespmem:$0x1F000] =	vst v63  }
0x9a: {  	_ =	swait.ge [sflag:s28], $0x3200  }
0x9b: {  	[sflag:s28] =	ssyncset.done $0x0  }
0x9c: {  	s16 =	rddreg [dreg:$0x8];
	[sflag:s28] =	ssyncadd.s32 $0xFFFFCE00  }
0x9d: {  	[spmem:s3] =	stream.indirect.scatter.add.f32 [tilespmem:s22], [sflag:$0x5], $0x80, s16, s20, $0xb8;
	[tilespmem:$0x1F000] =	vst v63  }
0x9e: {  	_ =	swait.ge [sflag:s30], $0x3200  }
0x9f: {  	[sflag:s30] =	ssyncset.done $0x0  }
0xa0: {  	s25 =	rddreg [dreg:$0x9];
	[sflag:s30] =	ssyncadd.s32 $0xFFFFCE00  }
0xa1: {  	[tilespmem:s17], [sflag:$0x1] =	stream.indirect.gather [hbm4b:s2+s20], $0x80, s25, s20, $0xb8;
	[tilespmem:$0x1F000] =	vst v63  }
0xa2: {  	_ =	swait.ge [sflag:s1], $0x3200  }
0xa3: {  	[sflag:s1] =	ssyncset.done $0x0  }
0xa4: {  	s5 =	rddreg [dreg:$0xa];
	[sflag:s1] =	ssyncadd.s32 $0xFFFFCE00  }
0xa5: {  	[spmem:s3] =	stream.indirect.scatter.add.f32 [tilespmem:s26], [sflag:$0x6], $0x80, s5, s20, $0xb8;
	[tilespmem:$0x1F000] =	vst v63  }
0xa6: {  	_ =	swait.ge [sflag:s6], $0x3200  }
0xa7: {  	[sflag:s6] =	ssyncset.done $0x0  }
0xa8: {  	s15 =	rddreg [dreg:$0xb];
	[sflag:s6] =	ssyncadd.s32 $0xFFFFCE00  }
0xa9: {  	[tilespmem:s22], [sflag:$0x2] =	stream.indirect.gather [hbm4b:s2+s20], $0x80, s15, s20, $0xb8;
	[tilespmem:$0x1F000] =	vst v63  }
0xaa: {  	_ =	swait.ge [sflag:s23], $0x3200  }
0xab: {  	[sflag:s23] =	ssyncset.done $0x0  }
0xac: {  	s16 =	rddreg [dreg:$0xc];
	[sflag:s23] =	ssyncadd.s32 $0xFFFFCE00  }
0xad: {  	[spmem:s3] =	stream.indirect.scatter.add.f32 [tilespmem:s17], [sflag:$0x4], $0x80, s16, s20, $0xb8;
	[tilespmem:$0x1F000] =	vst v63  }
0xae: {  	_ =	swait.ge [sflag:s8], $0x3200  }
0xaf: {  	[sflag:s8] =	ssyncset.done $0x0  }
0xb0: {  	s25 =	rddreg [dreg:$0xd];
	[sflag:s8] =	ssyncadd.s32 $0xFFFFCE00  }
0xb1: {  	[tilespmem:s26], [sflag:$0x3] =	stream.indirect.gather [hbm4b:s2+s20], $0x80, s25, s20, $0xb8;
	[tilespmem:$0x1F000] =	vst v63  }
0xb2: {  	_ =	swait.ge [sflag:s28], $0x3200  }
0xb3: {  	[sflag:s28] =	ssyncset.done $0x0  }
0xb4: {  	s5 =	rddreg [dreg:$0xe];
	[sflag:s28] =	ssyncadd.s32 $0xFFFFCE00  }
0xb5: {  	[spmem:s3] =	stream.indirect.scatter.add.f32 [tilespmem:s22], [sflag:$0x5], $0x80, s5, s20, $0xb8;
	[tilespmem:$0x1F000] =	vst v63  }
0xb6: {  	_ =	swait.ge [sflag:s30], $0x3200  }
0xb7: {  	[sflag:s30] =	ssyncset.done $0x0  }
0xb8: {  	s15 =	rddreg [dreg:$0xf];
	[sflag:s30] =	ssyncadd.s32 $0xFFFFCE00  }
0xb9: {  	[tilespmem:s17], [sflag:$0x1] =	stream.indirect.gather [hbm4b:s2+s20], $0x80, s15, s20, $0xb8;
	[tilespmem:$0x1F000] =	vst v63  }
0xba: {  	_ =	swait.ge [sflag:s1], $0x3200  }
0xbb: {  	[sflag:s1] =	ssyncset.done $0x0  }
0xbc: {  	s16 =	rddreg [dreg:$0x10];
	[sflag:s1] =	ssyncadd.s32 $0xFFFFCE00  }
0xbd: {  	[spmem:s3] =	stream.indirect.scatter.add.f32 [tilespmem:s26], [sflag:$0x6], $0x80, s16, s20, $0xb8;
	[tilespmem:$0x1F000] =	vst v63  }
0xbe: {  	_ =	swait.ge [sflag:s6], $0x3200  }
0xbf: {  	[sflag:s6] =	ssyncset.done $0x0  }
0xc0: {  	s25 =	rddreg [dreg:$0x11];
	[sflag:s6] =	ssyncadd.s32 $0xFFFFCE00  }
0xc1: {  	[tilespmem:s22], [sflag:$0x2] =	stream.indirect.gather [hbm4b:s2+s20], $0x80, s25, s20, $0xb8;
	[tilespmem:$0x1F000] =	vst v63  }
0xc2: {  	_ =	swait.ge [sflag:s23], $0x3200  }
0xc3: {  	[sflag:s23] =	ssyncset.done $0x0  }
0xc4: {  	s5 =	rddreg [dreg:$0x12];
	[sflag:s23] =	ssyncadd.s32 $0xFFFFCE00  }
0xc5: {  	[spmem:s3] =	stream.indirect.scatter.add.f32 [tilespmem:s17], [sflag:$0x4], $0x80, s5, s20, $0xb8;
	[tilespmem:$0x1F000] =	vst v63  }
0xc6: {  	_ =	swait.ge [sflag:s8], $0x3200  }
0xc7: {  	[sflag:s8] =	ssyncset.done $0x0  }
0xc8: {  	s15 =	rddreg [dreg:$0x13];
	[sflag:s8] =	ssyncadd.s32 $0xFFFFCE00  }
0xc9: {  	[tilespmem:s26], [sflag:$0x3] =	stream.indirect.gather [hbm4b:s2+s20], $0x80, s15, s20, $0xb8;
	[tilespmem:$0x1F000] =	vst v63  }
0xca: {  	_ =	swait.ge [sflag:s28], $0x3200  }
0xcb: {  	[sflag:s28] =	ssyncset.done $0x0  }
0xcc: {  	s16 =	rddreg [dreg:$0x14];
	[sflag:s28] =	ssyncadd.s32 $0xFFFFCE00  }
0xcd: {  	[spmem:s3] =	stream.indirect.scatter.add.f32 [tilespmem:s22], [sflag:$0x5], $0x80, s16, s20, $0xb8;
	[tilespmem:$0x1F000] =	vst v63  }
0xce: {  	_ =	swait.ge [sflag:s30], $0x3200  }
0xcf: {  	[sflag:s30] =	ssyncset.done $0x0  }
0xd0: {  	s25 =	rddreg [dreg:$0x15];
	[sflag:s30] =	ssyncadd.s32 $0xFFFFCE00  }
0xd1: {  	[tilespmem:s17], [sflag:$0x1] =	stream.indirect.gather [hbm4b:s2+s20], $0x80, s25, s20, $0xb8;
	[tilespmem:$0x1F000] =	vst v63  }
0xd2: {  	_ =	swait.ge [sflag:s1], $0x3200  }
0xd3: {  	[sflag:s1] =	ssyncset.done $0x0  }
0xd4: {  	s5 =	rddreg [dreg:$0x16];
	[sflag:s1] =	ssyncadd.s32 $0xFFFFCE00  }
0xd5: {  	[spmem:s3] =	stream.indirect.scatter.add.f32 [tilespmem:s26], [sflag:$0x6], $0x80, s5, s20, $0xb8;
	[tilespmem:$0x1F000] =	vst v63  }
0xd6: {  	_ =	swait.ge [sflag:s6], $0x3200  }
0xd7: {  	[sflag:s6] =	ssyncset.done $0x0  }
0xd8: {  	s15 =	rddreg [dreg:$0x17];
	[sflag:s6] =	ssyncadd.s32 $0xFFFFCE00  }
0xd9: {  	[tilespmem:s22], [sflag:$0x2] =	stream.indirect.gather [hbm4b:s2+s20], $0x80, s15, s20, $0xb8;
	[tilespmem:$0x1F000] =	vst v63  }
0xda: {  	_ =	swait.ge [sflag:s23], $0x3200  }
0xdb: {  	[sflag:s23] =	ssyncset.done $0x0  }
0xdc: {  	s16 =	rddreg [dreg:$0x18];
	[sflag:s23] =	ssyncadd.s32 $0xFFFFCE00  }
0xdd: {  	[spmem:s3] =	stream.indirect.scatter.add.f32 [tilespmem:s17], [sflag:$0x4], $0x80, s16, s20, $0xb8;
	[tilespmem:$0x1F000] =	vst v63  }
0xde: {  	_ =	swait.ge [sflag:s8], $0x3200  }
0xdf: {  	[sflag:s8] =	ssyncset.done $0x0  }
0xe0: {  	s25 =	rddreg [dreg:$0x19];
	[sflag:s8] =	ssyncadd.s32 $0xFFFFCE00  }
0xe1: {  	[tilespmem:s26], [sflag:$0x3] =	stream.indirect.gather [hbm4b:s2+s20], $0x80, s25, s20, $0xb8;
	[tilespmem:$0x1F000] =	vst v63  }
0xe2: {  	_ =	swait.ge [sflag:s28], $0x3200  }
0xe3: {  	[sflag:s28] =	ssyncset.done $0x0  }
0xe4: {  	s5 =	rddreg [dreg:$0x1a];
	[sflag:s28] =	ssyncadd.s32 $0xFFFFCE00  }
0xe5: {  	[spmem:s3] =	stream.indirect.scatter.add.f32 [tilespmem:s22], [sflag:$0x5], $0x80, s5, s20, $0xb8;
	[tilespmem:$0x1F000] =	vst v63  }
0xe6: {  	_ =	swait.ge [sflag:s30], $0x3200  }
0xe7: {  	[sflag:s30] =	ssyncset.done $0x0  }
0xe8: {  	s15 =	rddreg [dreg:$0x1b];
	[sflag:s30] =	ssyncadd.s32 $0xFFFFCE00  }
0xe9: {  	[tilespmem:s17], [sflag:$0x1] =	stream.indirect.gather [hbm4b:s2+s20], $0x80, s15, s20, $0xb8;
	[tilespmem:$0x1F000] =	vst v63  }
0xea: {  	_ =	swait.ge [sflag:s1], $0x3200  }
0xeb: {  	[sflag:s1] =	ssyncset.done $0x0  }
0xec: {  	s16 =	rddreg [dreg:$0x1c];
	[sflag:s1] =	ssyncadd.s32 $0xFFFFCE00  }
0xed: {  	[spmem:s3] =	stream.indirect.scatter.add.f32 [tilespmem:s26], [sflag:$0x6], $0x80, s16, s20, $0xb8;
	[tilespmem:$0x1F000] =	vst v63  }
0xee: {  	_ =	swait.ge [sflag:s6], $0x3200  }
0xef: {  	[sflag:s6] =	ssyncset.done $0x0  }
0xf0: {  	s25 =	rddreg [dreg:$0x1d];
	[sflag:s6] =	ssyncadd.s32 $0xFFFFCE00  }
0xf1: {  	[tilespmem:s22], [sflag:$0x2] =	stream.indirect.gather [hbm4b:s2+s20], $0x80, s25, s20, $0xb8;
	[tilespmem:$0x1F000] =	vst v63  }
0xf2: {  	_ =	swait.ge [sflag:s23], $0x3200  }
0xf3: {  	[sflag:s23] =	ssyncset.done $0x0  }
0xf4: {  	s5 =	rddreg [dreg:$0x1e];
	[sflag:s23] =	ssyncadd.s32 $0xFFFFCE00  }
0xf5: {  	[spmem:s3] =	stream.indirect.scatter.add.f32 [tilespmem:s17], [sflag:$0x4], $0x80, s5, s20, $0xb8;
	[tilespmem:$0x1F000] =	vst v63  }
0xf6: {  	_ =	swait.ge [sflag:s8], $0x3200  }
0xf7: {  	[sflag:s8] =	ssyncset.done $0x0  }
0xf8: {  	s15 =	rddreg [dreg:$0x1f];
	[sflag:s8] =	ssyncadd.s32 $0xFFFFCE00  }
0xf9: {  	[tilespmem:s26], [sflag:$0x3] =	stream.indirect.gather [hbm4b:s2+s20], $0x80, s15, s20, $0xb8;
	[tilespmem:$0x1F000] =	vst v63  }
0xfa: {  	_ =	swait.ge [sflag:s28], $0x3200  }
0xfb: {  	s16 =	sld [smem:$0x7F3]  }
0xfc: {  	[sflag:s28] =	ssyncset.done $0x0  }
0xfd: {  	[sflag:s28] =	ssyncadd.s32 $0xFFFFCE00  }
0xfe: {  	[spmem:s3] =	stream.indirect.scatter.add.f32 [tilespmem:s22], [sflag:$0x5], $0x80, s16, s20, $0xb8;
	[tilespmem:$0x1F000] =	vst v63  }
0xff: {  	_ =	swait.ge [sflag:s30], $0x3200  }
0x100: {  	s25 =	sld [smem:$0x7F4]  }
0x101: {  	[sflag:s30] =	ssyncset.done $0x0  }
0x102: {  	[sflag:s30] =	ssyncadd.s32 $0xFFFFCE00  }
0x103: {  	[tilespmem:s17], [sflag:$0x1] =	stream.indirect.gather [hbm4b:s2+s20], $0x80, s25, s20, $0xb8;
	[tilespmem:$0x1F000] =	vst v63  }
0x104: {  	_ =	swait.ge [sflag:s1], $0x3200  }
0x105: {  	s5 =	sld [smem:$0x7F5]  }
0x106: {  	[sflag:s1] =	ssyncset.done $0x0  }
0x107: {  	[sflag:s1] =	ssyncadd.s32 $0xFFFFCE00  }
0x108: {  	[spmem:s3] =	stream.indirect.scatter.add.f32 [tilespmem:s26], [sflag:$0x6], $0x80, s5, s20, $0xb8;
	[tilespmem:$0x1F000] =	vst v63  }
0x109: {  	_ =	swait.ge [sflag:s6], $0x3200  }
0x10a: {  	s15 =	sld [smem:$0x7F6]  }
0x10b: {  	[sflag:s6] =	ssyncset.done $0x0  }
0x10c: {  	[sflag:s6] =	ssyncadd.s32 $0xFFFFCE00  }
0x10d: {  	[tilespmem:s22], [sflag:$0x2] =	stream.indirect.gather [hbm4b:s2+s20], $0x80, s15, s20, $0xb8;
	[tilespmem:$0x1F000] =	vst v63  }
0x10e: {  	_ =	swait.ge [sflag:s23], $0x3200  }
0x10f: {  	s16 =	sld [smem:$0x7F7]  }
0x110: {  	[sflag:s23] =	ssyncset.done $0x0  }
0x111: {  	[sflag:s23] =	ssyncadd.s32 $0xFFFFCE00  }
0x112: {  	[spmem:s3] =	stream.indirect.scatter.add.f32 [tilespmem:s17], [sflag:$0x4], $0x80, s16, s20, $0xb8;
	[tilespmem:$0x1F000] =	vst v63  }
0x113: {  	_ =	swait.ge [sflag:s8], $0x3200  }
0x114: {  	s25 =	sld [smem:$0x7F8]  }
0x115: {  	[sflag:s8] =	ssyncset.done $0x0  }
0x116: {  	[sflag:s8] =	ssyncadd.s32 $0xFFFFCE00  }
0x117: {  	[tilespmem:s26], [sflag:$0x3] =	stream.indirect.gather [hbm4b:s2+s20], $0x80, s25, s20, $0xb8;
	[tilespmem:$0x1F000] =	vst v63  }
0x118: {  	_ =	swait.ge [sflag:s28], $0x3200  }
0x119: {  	s5 =	sld [smem:$0x7F9]  }
0x11a: {  	[sflag:s28] =	ssyncset.done $0x0  }
0x11b: {  	[sflag:s28] =	ssyncadd.s32 $0xFFFFCE00  }
0x11c: {  	[spmem:s3] =	stream.indirect.scatter.add.f32 [tilespmem:s22], [sflag:$0x5], $0x80, s5, s20, $0xb8;
	[tilespmem:$0x1F000] =	vst v63  }
0x11d: {  	_ =	swait.ge [sflag:s30], $0x3200  }
0x11e: {  	s15 =	sld [smem:$0x7FA]  }
0x11f: {  	[sflag:s30] =	ssyncset.done $0x0  }
0x120: {  	[sflag:s30] =	ssyncadd.s32 $0xFFFFCE00  }
0x121: {  	[tilespmem:s17], [sflag:$0x1] =	stream.indirect.gather [hbm4b:s2+s20], $0x80, s15, s20, $0xb8;
	[tilespmem:$0x1F000] =	vst v63  }
0x122: {  	_ =	swait.ge [sflag:s1], $0x3200  }
0x123: {  	s16 =	sld [smem:$0x7FB]  }
0x124: {  	[sflag:s1] =	ssyncset.done $0x0  }
0x125: {  	[sflag:s1] =	ssyncadd.s32 $0xFFFFCE00  }
0x126: {  	[spmem:s3] =	stream.indirect.scatter.add.f32 [tilespmem:s26], [sflag:$0x6], $0x80, s16, s20, $0xb8;
	[tilespmem:$0x1F000] =	vst v63  }
0x127: {  	_ =	swait.ge [sflag:s6], $0x3200  }
0x128: {  	s25 =	sld [smem:$0x7FC]  }
0x129: {  	[sflag:s6] =	ssyncset.done $0x0  }
0x12a: {  	[sflag:s6] =	ssyncadd.s32 $0xFFFFCE00  }
0x12b: {  	[tilespmem:s22], [sflag:$0x2] =	stream.indirect.gather [hbm4b:s2+s20], $0x80, s25, s20, $0xb8;
	[tilespmem:$0x1F000] =	vst v63  }
0x12c: {  	_ =	swait.ge [sflag:s23], $0x3200  }
0x12d: {  	[sflag:s23] =	ssyncset.done $0x0  }
0x12e: {  	[sflag:s23] =	ssyncadd.s32 $0xFFFFCE00  }
0x12f: {  	[spmem:s3] =	stream.indirect.scatter.add.f32 [tilespmem:s17], [sflag:$0x4], $0x80, s9, s20, $0xb8;
	[tilespmem:$0x1F000] =	vst v63  }
0x130: {  	_ =	swait.ge [sflag:s8], $0x3200  }
0x131: {  	[sflag:s8] =	ssyncset.done $0x0  }
0x132: {  	[sflag:s8] =	ssyncadd.s32 $0xFFFFCE00  }
0x133: {  	[tilespmem:s26], [sflag:$0x3] =	stream.indirect.gather [hbm4b:s2+s20], $0x80, s10, s20, $0xb8;
	[tilespmem:$0x1F000] =	vst v63  }
0x134: {  	_ =	swait.ge [sflag:s28], $0x3200  }
0x135: {  	[sflag:s28] =	ssyncset.done $0x0  }
0x136: {  	[sflag:s28] =	ssyncadd.s32 $0xFFFFCE00  }
0x137: {  	[spmem:s3] =	stream.indirect.scatter.add.f32 [tilespmem:s22], [sflag:$0x5], $0x80, s11, s20, $0xb8;
	[tilespmem:$0x1F000] =	vst v63  }
0x138: {  	p2 =	por $0x0, $0x0;
	_ =	swait.ge [sflag:s1], $0x3200  }
0x139: {  	s14 =	simm.s32 $0x180;
	s15 =	simm.s32 $0x300;
	[sflag:s1] =	ssyncset.done $0x0  }
.LBB2_4:
0x13a: {  	s16 =	simm.s32 @!p2 $0x4;
	[sflag:s1] =	ssyncadd.s32 $0xFFFFCE00  }
0x13b: {  	[spmem:s3] =	stream.indirect.scatter.add.f32 [tilespmem:s26], [sflag:$0x6], $0x80, s12, s20, $0xb8;
	[tilespmem:$0x1F000] =	vst v63  }
0x13c: {  	_ =	swait.ge @!p2 [sflag:s16], $0x3200  }
0x13d: {  	[sflag:s16] =	ssyncset.done @!p2 $0x0  }
0x13e: {  	[sflag:s16] =	ssyncadd.s32 @!p2 $0xFFFFCE00;
	s16 =	simm.s32 @!p2 $0x5  }
0x13f: {  	_ =	swait.ge @!p2 [sflag:s16], $0x3200  }
0x140: {  	[sflag:s16] =	ssyncset.done @!p2 $0x0  }
0x141: {  	[sflag:s16] =	ssyncadd.s32 @!p2 $0xFFFFCE00;
	s16 =	simm.s32 @!p2 $0x6  }
0x142: {  	_ =	swait.ge @!p2 [sflag:s16], $0x3200  }
0x143: {  	[sflag:s16] =	ssyncset.done @!p2 $0x0;
	s5 =	rddreg [dreg:$0x5]  }
0x144: {  	[sflag:s16] =	ssyncadd.s32 @!p2 $0xFFFFCE00;
	s5 =	sadd.s32 s14, s5  }
0x145: {  	[tilespmem:s4], [sflag:$0x7] =	stream.linear.gather [hbm4b:s5+s4], $0xC00, $0x38;
	[tilespmem:$0x1F000] =	vst v63  }
0x146: {  	_ =	swait.ge [sflag:s18], $0xC00  }
0x147: {  	s16 =	rddreg [dreg:$0x4];
	[sflag:s18] =	ssyncset.done $0x0  }
0x148: {  	[sflag:s18] =	ssyncadd.s32 $0xFFFFF400;
	s5 =	sadd.s32 s14, s16  }
0x149: {  	[tilespmem:s19], [sflag:$0x7] =	stream.linear.gather [hbm4b:s5+s4], $0xC00, $0x38;
	[tilespmem:$0x1F000] =	vst v63  }
0x14a: {  	_ =	swait.ge [sflag:s18], $0xC00  }
0x14b: {  	[sflag:s18] =	ssyncset.done $0x0  }
0x14c: {  	[sflag:s18] =	ssyncadd.s32 $0xFFFFF400  }
0x14d: {  	[tilespmem:s17], [sflag:$0x1] =	stream.indirect.gather [hbm4b:s2+s20], $0x80, s4, s20, $0xb8;
	[tilespmem:$0x1F000] =	vst v63  }
0x14e: {  	_ = 	snop  }
0x14f: {  	[tilespmem:s22], [sflag:$0x2] =	stream.indirect.gather [hbm4b:s2+s20], $0x80, s21, s20, $0xb8;
	[tilespmem:$0x1F000] =	vst v63  }
0x150: {  	_ =	swait.ge [sflag:s23], $0x3200  }
0x151: {  	[sflag:s23] =	ssyncset.done $0x0  }
0x152: {  	[sflag:s23] =	ssyncadd.s32 $0xFFFFCE00  }
0x153: {  	[spmem:s3] =	stream.indirect.scatter.add.f32 [tilespmem:s17], [sflag:$0x4], $0x80, s19, s20, $0xb8;
	[tilespmem:$0x1F000] =	vst v63  }
0x154: {  	_ = 	snop  }
0x155: {  	[tilespmem:s26], [sflag:$0x3] =	stream.indirect.gather [hbm4b:s2+s20], $0x80, s24, s20, $0xb8;
	[tilespmem:$0x1F000] =	vst v63  }
0x156: {  	_ =	swait.ge [sflag:s28], $0x3200  }
0x157: {  	[sflag:s28] =	ssyncset.done $0x0  }
0x158: {  	[sflag:s28] =	ssyncadd.s32 $0xFFFFCE00  }
0x159: {  	[spmem:s3] =	stream.indirect.scatter.add.f32 [tilespmem:s22], [sflag:$0x5], $0x80, s29, s20, $0xb8;
	[tilespmem:$0x1F000] =	vst v63  }
0x15a: {  	_ =	swait.ge [sflag:s30], $0x3200  }
0x15b: {  	[sflag:s30] =	ssyncset.done $0x0  }
0x15c: {  	[sflag:s30] =	ssyncadd.s32 $0xFFFFCE00  }
0x15d: {  	[tilespmem:s17], [sflag:$0x1] =	stream.indirect.gather [hbm4b:s2+s20], $0x80, s31, s20, $0xb8;
	[tilespmem:$0x1F000] =	vst v63  }
0x15e: {  	_ =	swait.ge [sflag:s1], $0x3200  }
0x15f: {  	[sflag:s1] =	ssyncset.done $0x0  }
0x160: {  	[sflag:s1] =	ssyncadd.s32 $0xFFFFCE00  }
0x161: {  	[spmem:s3] =	stream.indirect.scatter.add.f32 [tilespmem:s26], [sflag:$0x6], $0x80, s0, s20, $0xb8;
	[tilespmem:$0x1F000] =	vst v63  }
0x162: {  	_ =	swait.ge [sflag:s6], $0x3200  }
0x163: {  	[sflag:s6] =	ssyncset.done $0x0  }
0x164: {  	s16 =	rddreg [dreg:$0x6];
	[sflag:s6] =	ssyncadd.s32 $0xFFFFCE00  }
0x165: {  	[tilespmem:s22], [sflag:$0x2] =	stream.indirect.gather [hbm4b:s2+s20], $0x80, s16, s20, $0xb8;
	[tilespmem:$0x1F000] =	vst v63  }
0x166: {  	_ =	swait.ge [sflag:s23], $0x3200  }
0x167: {  	[sflag:s23] =	ssyncset.done $0x0  }
0x168: {  	[sflag:s23] =	ssyncadd.s32 $0xFFFFCE00  }
0x169: {  	[spmem:s3] =	stream.indirect.scatter.add.f32 [tilespmem:s17], [sflag:$0x4], $0x80, s7, s20, $0xb8;
	[tilespmem:$0x1F000] =	vst v63  }
0x16a: {  	_ =	swait.ge [sflag:s8], $0x3200  }
0x16b: {  	s25 =	smov.u32 s15;
	[sflag:s8] =	ssyncset.done $0x0  }
0x16c: {  	s14 =	smov.u32 s25;
	s25 =	rddreg [dreg:$0x7];
	[sflag:s8] =	ssyncadd.s32 $0xFFFFCE00  }
0x16d: {  	[tilespmem:s26], [sflag:$0x3] =	stream.indirect.gather [hbm4b:s2+s20], $0x80, s25, s20, $0xb8;
	[tilespmem:$0x1F000] =	vst v63  }
0x16e: {  	_ =	swait.ge [sflag:s28], $0x3200  }
0x16f: {  	[sflag:s28] =	ssyncset.done $0x0  }
0x170: {  	s16 =	rddreg [dreg:$0x8];
	[sflag:s28] =	ssyncadd.s32 $0xFFFFCE00  }
0x171: {  	[spmem:s3] =	stream.indirect.scatter.add.f32 [tilespmem:s22], [sflag:$0x5], $0x80, s16, s20, $0xb8;
	[tilespmem:$0x1F000] =	vst v63  }
0x172: {  	_ =	swait.ge [sflag:s30], $0x3200  }
0x173: {  	[sflag:s30] =	ssyncset.done $0x0  }
0x174: {  	s25 =	rddreg [dreg:$0x9];
	[sflag:s30] =	ssyncadd.s32 $0xFFFFCE00  }
0x175: {  	[tilespmem:s17], [sflag:$0x1] =	stream.indirect.gather [hbm4b:s2+s20], $0x80, s25, s20, $0xb8;
	[tilespmem:$0x1F000] =	vst v63  }
0x176: {  	_ =	swait.ge [sflag:s1], $0x3200  }
0x177: {  	[sflag:s1] =	ssyncset.done $0x0  }
0x178: {  	s16 =	rddreg [dreg:$0xa];
	[sflag:s1] =	ssyncadd.s32 $0xFFFFCE00  }
0x179: {  	[spmem:s3] =	stream.indirect.scatter.add.f32 [tilespmem:s26], [sflag:$0x6], $0x80, s16, s20, $0xb8;
	[tilespmem:$0x1F000] =	vst v63  }
0x17a: {  	_ =	swait.ge [sflag:s6], $0x3200  }
0x17b: {  	[sflag:s6] =	ssyncset.done $0x0  }
0x17c: {  	s25 =	rddreg [dreg:$0xb];
	[sflag:s6] =	ssyncadd.s32 $0xFFFFCE00  }
0x17d: {  	[tilespmem:s22], [sflag:$0x2] =	stream.indirect.gather [hbm4b:s2+s20], $0x80, s25, s20, $0xb8;
	[tilespmem:$0x1F000] =	vst v63  }
0x17e: {  	_ =	swait.ge [sflag:s23], $0x3200  }
0x17f: {  	[sflag:s23] =	ssyncset.done $0x0  }
0x180: {  	s16 =	rddreg [dreg:$0xc];
	[sflag:s23] =	ssyncadd.s32 $0xFFFFCE00  }
0x181: {  	[spmem:s3] =	stream.indirect.scatter.add.f32 [tilespmem:s17], [sflag:$0x4], $0x80, s16, s20, $0xb8;
	[tilespmem:$0x1F000] =	vst v63  }
0x182: {  	_ =	swait.ge [sflag:s8], $0x3200  }
0x183: {  	[sflag:s8] =	ssyncset.done $0x0  }
0x184: {  	s25 =	rddreg [dreg:$0xd];
	[sflag:s8] =	ssyncadd.s32 $0xFFFFCE00  }
0x185: {  	[tilespmem:s26], [sflag:$0x3] =	stream.indirect.gather [hbm4b:s2+s20], $0x80, s25, s20, $0xb8;
	[tilespmem:$0x1F000] =	vst v63  }
0x186: {  	_ =	swait.ge [sflag:s28], $0x3200  }
0x187: {  	[sflag:s28] =	ssyncset.done $0x0  }
0x188: {  	s16 =	rddreg [dreg:$0xe];
	[sflag:s28] =	ssyncadd.s32 $0xFFFFCE00  }
0x189: {  	[spmem:s3] =	stream.indirect.scatter.add.f32 [tilespmem:s22], [sflag:$0x5], $0x80, s16, s20, $0xb8;
	[tilespmem:$0x1F000] =	vst v63  }
0x18a: {  	_ =	swait.ge [sflag:s30], $0x3200  }
0x18b: {  	[sflag:s30] =	ssyncset.done $0x0  }
0x18c: {  	s25 =	rddreg [dreg:$0xf];
	[sflag:s30] =	ssyncadd.s32 $0xFFFFCE00  }
0x18d: {  	[tilespmem:s17], [sflag:$0x1] =	stream.indirect.gather [hbm4b:s2+s20], $0x80, s25, s20, $0xb8;
	[tilespmem:$0x1F000] =	vst v63  }
0x18e: {  	_ =	swait.ge [sflag:s1], $0x3200  }
0x18f: {  	[sflag:s1] =	ssyncset.done $0x0  }
0x190: {  	s16 =	rddreg [dreg:$0x10];
	[sflag:s1] =	ssyncadd.s32 $0xFFFFCE00  }
0x191: {  	[spmem:s3] =	stream.indirect.scatter.add.f32 [tilespmem:s26], [sflag:$0x6], $0x80, s16, s20, $0xb8;
	[tilespmem:$0x1F000] =	vst v63  }
0x192: {  	_ =	swait.ge [sflag:s6], $0x3200  }
0x193: {  	[sflag:s6] =	ssyncset.done $0x0  }
0x194: {  	s25 =	rddreg [dreg:$0x11];
	[sflag:s6] =	ssyncadd.s32 $0xFFFFCE00  }
0x195: {  	[tilespmem:s22], [sflag:$0x2] =	stream.indirect.gather [hbm4b:s2+s20], $0x80, s25, s20, $0xb8;
	[tilespmem:$0x1F000] =	vst v63  }
0x196: {  	_ =	swait.ge [sflag:s23], $0x3200  }
0x197: {  	[sflag:s23] =	ssyncset.done $0x0  }
0x198: {  	s16 =	rddreg [dreg:$0x12];
	[sflag:s23] =	ssyncadd.s32 $0xFFFFCE00  }
0x199: {  	[spmem:s3] =	stream.indirect.scatter.add.f32 [tilespmem:s17], [sflag:$0x4], $0x80, s16, s20, $0xb8;
	[tilespmem:$0x1F000] =	vst v63  }
0x19a: {  	_ =	swait.ge [sflag:s8], $0x3200  }
0x19b: {  	[sflag:s8] =	ssyncset.done $0x0  }
0x19c: {  	s25 =	rddreg [dreg:$0x13];
	[sflag:s8] =	ssyncadd.s32 $0xFFFFCE00  }
0x19d: {  	[tilespmem:s26], [sflag:$0x3] =	stream.indirect.gather [hbm4b:s2+s20], $0x80, s25, s20, $0xb8;
	[tilespmem:$0x1F000] =	vst v63  }
0x19e: {  	_ =	swait.ge [sflag:s28], $0x3200  }
0x19f: {  	[sflag:s28] =	ssyncset.done $0x0  }
0x1a0: {  	s16 =	rddreg [dreg:$0x14];
	[sflag:s28] =	ssyncadd.s32 $0xFFFFCE00  }
0x1a1: {  	[spmem:s3] =	stream.indirect.scatter.add.f32 [tilespmem:s22], [sflag:$0x5], $0x80, s16, s20, $0xb8;
	[tilespmem:$0x1F000] =	vst v63  }
0x1a2: {  	_ =	swait.ge [sflag:s30], $0x3200  }
0x1a3: {  	[sflag:s30] =	ssyncset.done $0x0  }
0x1a4: {  	s25 =	rddreg [dreg:$0x15];
	[sflag:s30] =	ssyncadd.s32 $0xFFFFCE00  }
0x1a5: {  	[tilespmem:s17], [sflag:$0x1] =	stream.indirect.gather [hbm4b:s2+s20], $0x80, s25, s20, $0xb8;
	[tilespmem:$0x1F000] =	vst v63  }
0x1a6: {  	_ =	swait.ge [sflag:s1], $0x3200  }
0x1a7: {  	[sflag:s1] =	ssyncset.done $0x0  }
0x1a8: {  	s16 =	rddreg [dreg:$0x16];
	[sflag:s1] =	ssyncadd.s32 $0xFFFFCE00  }
0x1a9: {  	[spmem:s3] =	stream.indirect.scatter.add.f32 [tilespmem:s26], [sflag:$0x6], $0x80, s16, s20, $0xb8;
	[tilespmem:$0x1F000] =	vst v63  }
0x1aa: {  	_ =	swait.ge [sflag:s6], $0x3200  }
0x1ab: {  	[sflag:s6] =	ssyncset.done $0x0  }
0x1ac: {  	s25 =	rddreg [dreg:$0x17];
	[sflag:s6] =	ssyncadd.s32 $0xFFFFCE00  }
0x1ad: {  	[tilespmem:s22], [sflag:$0x2] =	stream.indirect.gather [hbm4b:s2+s20], $0x80, s25, s20, $0xb8;
	[tilespmem:$0x1F000] =	vst v63  }
0x1ae: {  	_ =	swait.ge [sflag:s23], $0x3200  }
0x1af: {  	[sflag:s23] =	ssyncset.done $0x0  }
0x1b0: {  	s16 =	rddreg [dreg:$0x18];
	[sflag:s23] =	ssyncadd.s32 $0xFFFFCE00  }
0x1b1: {  	[spmem:s3] =	stream.indirect.scatter.add.f32 [tilespmem:s17], [sflag:$0x4], $0x80, s16, s20, $0xb8;
	[tilespmem:$0x1F000] =	vst v63  }
0x1b2: {  	_ =	swait.ge [sflag:s8], $0x3200  }
0x1b3: {  	[sflag:s8] =	ssyncset.done $0x0  }
0x1b4: {  	s25 =	rddreg [dreg:$0x19];
	[sflag:s8] =	ssyncadd.s32 $0xFFFFCE00  }
0x1b5: {  	[tilespmem:s26], [sflag:$0x3] =	stream.indirect.gather [hbm4b:s2+s20], $0x80, s25, s20, $0xb8;
	[tilespmem:$0x1F000] =	vst v63  }
0x1b6: {  	_ =	swait.ge [sflag:s28], $0x3200  }
0x1b7: {  	[sflag:s28] =	ssyncset.done $0x0  }
0x1b8: {  	s16 =	rddreg [dreg:$0x1a];
	[sflag:s28] =	ssyncadd.s32 $0xFFFFCE00  }
0x1b9: {  	[spmem:s3] =	stream.indirect.scatter.add.f32 [tilespmem:s22], [sflag:$0x5], $0x80, s16, s20, $0xb8;
	[tilespmem:$0x1F000] =	vst v63  }
0x1ba: {  	_ =	swait.ge [sflag:s30], $0x3200  }
0x1bb: {  	[sflag:s30] =	ssyncset.done $0x0  }
0x1bc: {  	s25 =	rddreg [dreg:$0x1b];
	[sflag:s30] =	ssyncadd.s32 $0xFFFFCE00  }
0x1bd: {  	[tilespmem:s17], [sflag:$0x1] =	stream.indirect.gather [hbm4b:s2+s20], $0x80, s25, s20, $0xb8;
	[tilespmem:$0x1F000] =	vst v63  }
0x1be: {  	_ =	swait.ge [sflag:s1], $0x3200  }
0x1bf: {  	[sflag:s1] =	ssyncset.done $0x0  }
0x1c0: {  	s16 =	rddreg [dreg:$0x1c];
	[sflag:s1] =	ssyncadd.s32 $0xFFFFCE00  }
0x1c1: {  	[spmem:s3] =	stream.indirect.scatter.add.f32 [tilespmem:s26], [sflag:$0x6], $0x80, s16, s20, $0xb8;
	[tilespmem:$0x1F000] =	vst v63  }
0x1c2: {  	_ =	swait.ge [sflag:s6], $0x3200  }
0x1c3: {  	[sflag:s6] =	ssyncset.done $0x0  }
0x1c4: {  	s25 =	rddreg [dreg:$0x1d];
	[sflag:s6] =	ssyncadd.s32 $0xFFFFCE00  }
0x1c5: {  	[tilespmem:s22], [sflag:$0x2] =	stream.indirect.gather [hbm4b:s2+s20], $0x80, s25, s20, $0xb8;
	[tilespmem:$0x1F000] =	vst v63  }
0x1c6: {  	_ =	swait.ge [sflag:s23], $0x3200  }
0x1c7: {  	[sflag:s23] =	ssyncset.done $0x0  }
0x1c8: {  	s16 =	rddreg [dreg:$0x1e];
	[sflag:s23] =	ssyncadd.s32 $0xFFFFCE00  }
0x1c9: {  	[spmem:s3] =	stream.indirect.scatter.add.f32 [tilespmem:s17], [sflag:$0x4], $0x80, s16, s20, $0xb8;
	[tilespmem:$0x1F000] =	vst v63  }
0x1ca: {  	_ =	swait.ge [sflag:s8], $0x3200  }
0x1cb: {  	[sflag:s8] =	ssyncset.done $0x0  }
0x1cc: {  	s25 =	rddreg [dreg:$0x1f];
	[sflag:s8] =	ssyncadd.s32 $0xFFFFCE00  }
0x1cd: {  	[tilespmem:s26], [sflag:$0x3] =	stream.indirect.gather [hbm4b:s2+s20], $0x80, s25, s20, $0xb8;
	[tilespmem:$0x1F000] =	vst v63  }
0x1ce: {  	_ =	swait.ge [sflag:s28], $0x3200  }
0x1cf: {  	s16 =	sld [smem:$0x7F3]  }
0x1d0: {  	[sflag:s28] =	ssyncset.done $0x0  }
0x1d1: {  	[sflag:s28] =	ssyncadd.s32 $0xFFFFCE00  }
0x1d2: {  	[spmem:s3] =	stream.indirect.scatter.add.f32 [tilespmem:s22], [sflag:$0x5], $0x80, s16, s20, $0xb8;
	[tilespmem:$0x1F000] =	vst v63  }
0x1d3: {  	_ =	swait.ge [sflag:s30], $0x3200  }
0x1d4: {  	s25 =	sld [smem:$0x7F4]  }
0x1d5: {  	[sflag:s30] =	ssyncset.done $0x0  }
0x1d6: {  	[sflag:s30] =	ssyncadd.s32 $0xFFFFCE00  }
0x1d7: {  	[tilespmem:s17], [sflag:$0x1] =	stream.indirect.gather [hbm4b:s2+s20], $0x80, s25, s20, $0xb8;
	[tilespmem:$0x1F000] =	vst v63  }
0x1d8: {  	_ =	swait.ge [sflag:s1], $0x3200  }
0x1d9: {  	s16 =	sld [smem:$0x7F5]  }
0x1da: {  	[sflag:s1] =	ssyncset.done $0x0  }
0x1db: {  	[sflag:s1] =	ssyncadd.s32 $0xFFFFCE00  }
0x1dc: {  	[spmem:s3] =	stream.indirect.scatter.add.f32 [tilespmem:s26], [sflag:$0x6], $0x80, s16, s20, $0xb8;
	[tilespmem:$0x1F000] =	vst v63  }
0x1dd: {  	_ =	swait.ge [sflag:s6], $0x3200  }
0x1de: {  	s25 =	sld [smem:$0x7F6]  }
0x1df: {  	[sflag:s6] =	ssyncset.done $0x0  }
0x1e0: {  	[sflag:s6] =	ssyncadd.s32 $0xFFFFCE00  }
0x1e1: {  	[tilespmem:s22], [sflag:$0x2] =	stream.indirect.gather [hbm4b:s2+s20], $0x80, s25, s20, $0xb8;
	[tilespmem:$0x1F000] =	vst v63  }
0x1e2: {  	_ =	swait.ge [sflag:s23], $0x3200  }
0x1e3: {  	s16 =	sld [smem:$0x7F7]  }
0x1e4: {  	[sflag:s23] =	ssyncset.done $0x0  }
0x1e5: {  	[sflag:s23] =	ssyncadd.s32 $0xFFFFCE00  }
0x1e6: {  	[spmem:s3] =	stream.indirect.scatter.add.f32 [tilespmem:s17], [sflag:$0x4], $0x80, s16, s20, $0xb8;
	[tilespmem:$0x1F000] =	vst v63  }
0x1e7: {  	_ =	swait.ge [sflag:s8], $0x3200  }
0x1e8: {  	s25 =	sld [smem:$0x7F8]  }
0x1e9: {  	[sflag:s8] =	ssyncset.done $0x0  }
0x1ea: {  	[sflag:s8] =	ssyncadd.s32 $0xFFFFCE00  }
0x1eb: {  	[tilespmem:s26], [sflag:$0x3] =	stream.indirect.gather [hbm4b:s2+s20], $0x80, s25, s20, $0xb8;
	[tilespmem:$0x1F000] =	vst v63  }
0x1ec: {  	_ =	swait.ge [sflag:s28], $0x3200  }
0x1ed: {  	s16 =	sld [smem:$0x7F9]  }
0x1ee: {  	[sflag:s28] =	ssyncset.done $0x0  }
0x1ef: {  	[sflag:s28] =	ssyncadd.s32 $0xFFFFCE00  }
0x1f0: {  	[spmem:s3] =	stream.indirect.scatter.add.f32 [tilespmem:s22], [sflag:$0x5], $0x80, s16, s20, $0xb8;
	[tilespmem:$0x1F000] =	vst v63  }
0x1f1: {  	_ =	swait.ge [sflag:s30], $0x3200  }
0x1f2: {  	s25 =	sld [smem:$0x7FA]  }
0x1f3: {  	[sflag:s30] =	ssyncset.done $0x0  }
0x1f4: {  	[sflag:s30] =	ssyncadd.s32 $0xFFFFCE00  }
0x1f5: {  	[tilespmem:s17], [sflag:$0x1] =	stream.indirect.gather [hbm4b:s2+s20], $0x80, s25, s20, $0xb8;
	[tilespmem:$0x1F000] =	vst v63  }
0x1f6: {  	_ =	swait.ge [sflag:s1], $0x3200  }
0x1f7: {  	s16 =	sld [smem:$0x7FB]  }
0x1f8: {  	[sflag:s1] =	ssyncset.done $0x0  }
0x1f9: {  	[sflag:s1] =	ssyncadd.s32 $0xFFFFCE00  }
0x1fa: {  	[spmem:s3] =	stream.indirect.scatter.add.f32 [tilespmem:s26], [sflag:$0x6], $0x80, s16, s20, $0xb8;
	[tilespmem:$0x1F000] =	vst v63  }
0x1fb: {  	_ =	swait.ge [sflag:s6], $0x3200  }
0x1fc: {  	s25 =	sld [smem:$0x7FC]  }
0x1fd: {  	[sflag:s6] =	ssyncset.done $0x0  }
0x1fe: {  	[sflag:s6] =	ssyncadd.s32 $0xFFFFCE00  }
0x1ff: {  	[tilespmem:s22], [sflag:$0x2] =	stream.indirect.gather [hbm4b:s2+s20], $0x80, s25, s20, $0xb8;
	[tilespmem:$0x1F000] =	vst v63  }
0x200: {  	_ =	swait.ge [sflag:s23], $0x3200  }
0x201: {  	[sflag:s23] =	ssyncset.done $0x0  }
0x202: {  	[sflag:s23] =	ssyncadd.s32 $0xFFFFCE00  }
0x203: {  	[spmem:s3] =	stream.indirect.scatter.add.f32 [tilespmem:s17], [sflag:$0x4], $0x80, s9, s20, $0xb8;
	[tilespmem:$0x1F000] =	vst v63  }
0x204: {  	_ =	swait.ge [sflag:s8], $0x3200  }
0x205: {  	[sflag:s8] =	ssyncset.done $0x0  }
0x206: {  	s15 =	sadd.s32 $0x180, s15;
	[sflag:s8] =	ssyncadd.s32 $0xFFFFCE00  }
0x207: {  	[tilespmem:s26], [sflag:$0x3] =	stream.indirect.gather [hbm4b:s2+s20], $0x80, s10, s20, $0xb8;
	[tilespmem:$0x1F000] =	vst v63  }
0x208: {  	p1 =	sne.s32 s15, $0x600;
	_ =	swait.ge [sflag:s28], $0x3200  }
.Ltmp1:
0x209: {  	[sflag:s28] =	ssyncset.done $0x0;
	(pc) =	sbr.rel @p1 .LBB2_4-.Ltmp1, $4  }
0x20a: {  	[sflag:s28] =	ssyncadd.s32 $0xFFFFCE00  }
0x20b: {  	[spmem:s3] =	stream.indirect.scatter.add.f32 [tilespmem:s22], [sflag:$0x5], $0x80, s11, s20, $0xb8;
	[tilespmem:$0x1F000] =	vst v63  }
0x20c: {  	_ =	swait.ge [sflag:s1], $0x3200  }
0x20d: {  	p2 =	seq.s32 s14, $0x0;
	[sflag:s1] =	ssyncset.done $0x0  }
0x20e: {  	s5 =	simm.s32 @!p2 $0x4;
	[sflag:s1] =	ssyncadd.s32 $0xFFFFCE00  }
0x20f: {  	[spmem:s3] =	stream.indirect.scatter.add.f32 [tilespmem:s26], [sflag:$0x6], $0x80, s12, s20, $0xb8;
	[tilespmem:$0x1F000] =	vst v63  }
0x210: {  	_ =	swait.ge @!p2 [sflag:s5], $0x3200  }
0x211: {  	[sflag:s5] =	ssyncset.done @!p2 $0x0  }
0x212: {  	[sflag:s5] =	ssyncadd.s32 @!p2 $0xFFFFCE00;
	s5 =	simm.s32 @!p2 $0x5  }
0x213: {  	_ =	swait.ge @!p2 [sflag:s5], $0x3200  }
0x214: {  	[sflag:s5] =	ssyncset.done @!p2 $0x0  }
0x215: {  	[sflag:s5] =	ssyncadd.s32 @!p2 $0xFFFFCE00;
	s5 =	simm.s32 @!p2 $0x6  }
0x216: {  	_ =	swait.ge @!p2 [sflag:s5], $0x3200  }
0x217: {  	s15 =	rddreg [dreg:$0x5];
	[sflag:s5] =	ssyncset.done @!p2 $0x0  }
0x218: {  	[sflag:s5] =	ssyncadd.s32 @!p2 $0xFFFFCE00;
	s16 =	sadd.s32 s14, s15  }
0x219: {  	[tilespmem:s4], [sflag:$0x7] =	stream.linear.gather [hbm4b:s16+s4], $0xC00, $0x38;
	[tilespmem:$0x1F000] =	vst v63  }
0x21a: {  	_ =	swait.ge [sflag:s18], $0xC00  }
0x21b: {  	s25 =	rddreg [dreg:$0x4];
	[sflag:s18] =	ssyncset.done $0x0  }
0x21c: {  	[sflag:s18] =	ssyncadd.s32 $0xFFFFF400;
	s5 =	sadd.s32 s14, s25  }
0x21d: {  	[tilespmem:s19], [sflag:$0x7] =	stream.linear.gather [hbm4b:s5+s4], $0xC00, $0x38;
	[tilespmem:$0x1F000] =	vst v63  }
0x21e: {  	_ =	swait.ge [sflag:s18], $0xC00  }
0x21f: {  	[sflag:s18] =	ssyncset.done $0x0  }
0x220: {  	[sflag:s18] =	ssyncadd.s32 $0xFFFFF400  }
0x221: {  	[tilespmem:s17], [sflag:$0x1] =	stream.indirect.gather [hbm4b:s2+s20], $0x80, s4, s20, $0xb8;
	[tilespmem:$0x1F000] =	vst v63  }
0x222: {  	_ = 	snop  }
0x223: {  	[tilespmem:s22], [sflag:$0x2] =	stream.indirect.gather [hbm4b:s2+s20], $0x80, s21, s20, $0xb8;
	[tilespmem:$0x1F000] =	vst v63  }
0x224: {  	_ =	swait.ge [sflag:s23], $0x3200  }
0x225: {  	[sflag:s23] =	ssyncset.done $0x0  }
0x226: {  	[sflag:s23] =	ssyncadd.s32 $0xFFFFCE00  }
0x227: {  	[spmem:s3] =	stream.indirect.scatter.add.f32 [tilespmem:s17], [sflag:$0x4], $0x80, s19, s20, $0xb8;
	[tilespmem:$0x1F000] =	vst v63  }
0x228: {  	_ = 	snop  }
0x229: {  	[tilespmem:s26], [sflag:$0x3] =	stream.indirect.gather [hbm4b:s2+s20], $0x80, s24, s20, $0xb8;
	[tilespmem:$0x1F000] =	vst v63  }
0x22a: {  	_ =	swait.ge [sflag:s28], $0x3200  }
0x22b: {  	[sflag:s28] =	ssyncset.done $0x0  }
0x22c: {  	[sflag:s28] =	ssyncadd.s32 $0xFFFFCE00  }
0x22d: {  	[spmem:s3] =	stream.indirect.scatter.add.f32 [tilespmem:s22], [sflag:$0x5], $0x80, s29, s20, $0xb8;
	[tilespmem:$0x1F000] =	vst v63  }
0x22e: {  	_ =	swait.ge [sflag:s30], $0x3200  }
0x22f: {  	[sflag:s30] =	ssyncset.done $0x0  }
0x230: {  	[sflag:s30] =	ssyncadd.s32 $0xFFFFCE00  }
0x231: {  	[tilespmem:s17], [sflag:$0x1] =	stream.indirect.gather [hbm4b:s2+s20], $0x80, s31, s20, $0xb8;
	[tilespmem:$0x1F000] =	vst v63  }
0x232: {  	_ =	swait.ge [sflag:s1], $0x3200  }
0x233: {  	[sflag:s1] =	ssyncset.done $0x0  }
0x234: {  	[sflag:s1] =	ssyncadd.s32 $0xFFFFCE00  }
0x235: {  	[spmem:s3] =	stream.indirect.scatter.add.f32 [tilespmem:s26], [sflag:$0x6], $0x80, s0, s20, $0xb8;
	[tilespmem:$0x1F000] =	vst v63  }
0x236: {  	_ =	swait.ge [sflag:s6], $0x3200  }
0x237: {  	[sflag:s6] =	ssyncset.done $0x0  }
0x238: {  	s15 =	rddreg [dreg:$0x6];
	[sflag:s6] =	ssyncadd.s32 $0xFFFFCE00  }
0x239: {  	[tilespmem:s22], [sflag:$0x2] =	stream.indirect.gather [hbm4b:s2+s20], $0x80, s15, s20, $0xb8;
	[tilespmem:$0x1F000] =	vst v63  }
0x23a: {  	_ =	swait.ge [sflag:s23], $0x3200  }
0x23b: {  	[sflag:s23] =	ssyncset.done $0x0  }
0x23c: {  	[sflag:s23] =	ssyncadd.s32 $0xFFFFCE00  }
0x23d: {  	[spmem:s3] =	stream.indirect.scatter.add.f32 [tilespmem:s17], [sflag:$0x4], $0x80, s7, s20, $0xb8;
	[tilespmem:$0x1F000] =	vst v63  }
0x23e: {  	_ =	swait.ge [sflag:s8], $0x3200  }
0x23f: {  	[sflag:s8] =	ssyncset.done $0x0  }
0x240: {  	s16 =	rddreg [dreg:$0x7];
	[sflag:s8] =	ssyncadd.s32 $0xFFFFCE00  }
0x241: {  	[tilespmem:s26], [sflag:$0x3] =	stream.indirect.gather [hbm4b:s2+s20], $0x80, s16, s20, $0xb8;
	[tilespmem:$0x1F000] =	vst v63  }
0x242: {  	_ =	swait.ge [sflag:s28], $0x3200  }
0x243: {  	[sflag:s28] =	ssyncset.done $0x0  }
0x244: {  	s25 =	rddreg [dreg:$0x8];
	[sflag:s28] =	ssyncadd.s32 $0xFFFFCE00  }
0x245: {  	[spmem:s3] =	stream.indirect.scatter.add.f32 [tilespmem:s22], [sflag:$0x5], $0x80, s25, s20, $0xb8;
	[tilespmem:$0x1F000] =	vst v63  }
0x246: {  	_ =	swait.ge [sflag:s30], $0x3200  }
0x247: {  	[sflag:s30] =	ssyncset.done $0x0  }
0x248: {  	s14 =	rddreg [dreg:$0x9];
	[sflag:s30] =	ssyncadd.s32 $0xFFFFCE00  }
0x249: {  	[tilespmem:s17], [sflag:$0x1] =	stream.indirect.gather [hbm4b:s2+s20], $0x80, s14, s20, $0xb8;
	[tilespmem:$0x1F000] =	vst v63  }
0x24a: {  	_ =	swait.ge [sflag:s1], $0x3200  }
0x24b: {  	[sflag:s1] =	ssyncset.done $0x0  }
0x24c: {  	s15 =	rddreg [dreg:$0xa];
	[sflag:s1] =	ssyncadd.s32 $0xFFFFCE00  }
0x24d: {  	[spmem:s3] =	stream.indirect.scatter.add.f32 [tilespmem:s26], [sflag:$0x6], $0x80, s15, s20, $0xb8;
	[tilespmem:$0x1F000] =	vst v63  }
0x24e: {  	_ =	swait.ge [sflag:s6], $0x3200  }
0x24f: {  	[sflag:s6] =	ssyncset.done $0x0  }
0x250: {  	s16 =	rddreg [dreg:$0xb];
	[sflag:s6] =	ssyncadd.s32 $0xFFFFCE00  }
0x251: {  	[tilespmem:s22], [sflag:$0x2] =	stream.indirect.gather [hbm4b:s2+s20], $0x80, s16, s20, $0xb8;
	[tilespmem:$0x1F000] =	vst v63  }
0x252: {  	_ =	swait.ge [sflag:s23], $0x3200  }
0x253: {  	[sflag:s23] =	ssyncset.done $0x0  }
0x254: {  	s25 =	rddreg [dreg:$0xc];
	[sflag:s23] =	ssyncadd.s32 $0xFFFFCE00  }
0x255: {  	[spmem:s3] =	stream.indirect.scatter.add.f32 [tilespmem:s17], [sflag:$0x4], $0x80, s25, s20, $0xb8;
	[tilespmem:$0x1F000] =	vst v63  }
0x256: {  	_ =	swait.ge [sflag:s8], $0x3200  }
0x257: {  	[sflag:s8] =	ssyncset.done $0x0  }
0x258: {  	s14 =	rddreg [dreg:$0xd];
	[sflag:s8] =	ssyncadd.s32 $0xFFFFCE00  }
0x259: {  	[tilespmem:s26], [sflag:$0x3] =	stream.indirect.gather [hbm4b:s2+s20], $0x80, s14, s20, $0xb8;
	[tilespmem:$0x1F000] =	vst v63  }
0x25a: {  	_ =	swait.ge [sflag:s28], $0x3200  }
0x25b: {  	[sflag:s28] =	ssyncset.done $0x0  }
0x25c: {  	s15 =	rddreg [dreg:$0xe];
	[sflag:s28] =	ssyncadd.s32 $0xFFFFCE00  }
0x25d: {  	[spmem:s3] =	stream.indirect.scatter.add.f32 [tilespmem:s22], [sflag:$0x5], $0x80, s15, s20, $0xb8;
	[tilespmem:$0x1F000] =	vst v63  }
0x25e: {  	_ =	swait.ge [sflag:s30], $0x3200  }
0x25f: {  	[sflag:s30] =	ssyncset.done $0x0  }
0x260: {  	s16 =	rddreg [dreg:$0xf];
	[sflag:s30] =	ssyncadd.s32 $0xFFFFCE00  }
0x261: {  	[tilespmem:s17], [sflag:$0x1] =	stream.indirect.gather [hbm4b:s2+s20], $0x80, s16, s20, $0xb8;
	[tilespmem:$0x1F000] =	vst v63  }
0x262: {  	_ =	swait.ge [sflag:s1], $0x3200  }
0x263: {  	[sflag:s1] =	ssyncset.done $0x0  }
0x264: {  	s25 =	rddreg [dreg:$0x10];
	[sflag:s1] =	ssyncadd.s32 $0xFFFFCE00  }
0x265: {  	[spmem:s3] =	stream.indirect.scatter.add.f32 [tilespmem:s26], [sflag:$0x6], $0x80, s25, s20, $0xb8;
	[tilespmem:$0x1F000] =	vst v63  }
0x266: {  	_ =	swait.ge [sflag:s6], $0x3200  }
0x267: {  	[sflag:s6] =	ssyncset.done $0x0  }
0x268: {  	s14 =	rddreg [dreg:$0x11];
	[sflag:s6] =	ssyncadd.s32 $0xFFFFCE00  }
0x269: {  	[tilespmem:s22], [sflag:$0x2] =	stream.indirect.gather [hbm4b:s2+s20], $0x80, s14, s20, $0xb8;
	[tilespmem:$0x1F000] =	vst v63  }
0x26a: {  	_ =	swait.ge [sflag:s23], $0x3200  }
0x26b: {  	[sflag:s23] =	ssyncset.done $0x0  }
0x26c: {  	s15 =	rddreg [dreg:$0x12];
	[sflag:s23] =	ssyncadd.s32 $0xFFFFCE00  }
0x26d: {  	[spmem:s3] =	stream.indirect.scatter.add.f32 [tilespmem:s17], [sflag:$0x4], $0x80, s15, s20, $0xb8;
	[tilespmem:$0x1F000] =	vst v63  }
0x26e: {  	_ =	swait.ge [sflag:s8], $0x3200  }
0x26f: {  	[sflag:s8] =	ssyncset.done $0x0  }
0x270: {  	s16 =	rddreg [dreg:$0x13];
	[sflag:s8] =	ssyncadd.s32 $0xFFFFCE00  }
0x271: {  	[tilespmem:s26], [sflag:$0x3] =	stream.indirect.gather [hbm4b:s2+s20], $0x80, s16, s20, $0xb8;
	[tilespmem:$0x1F000] =	vst v63  }
0x272: {  	_ =	swait.ge [sflag:s28], $0x3200  }
0x273: {  	[sflag:s28] =	ssyncset.done $0x0  }
0x274: {  	s25 =	rddreg [dreg:$0x14];
	[sflag:s28] =	ssyncadd.s32 $0xFFFFCE00  }
0x275: {  	[spmem:s3] =	stream.indirect.scatter.add.f32 [tilespmem:s22], [sflag:$0x5], $0x80, s25, s20, $0xb8;
	[tilespmem:$0x1F000] =	vst v63  }
0x276: {  	_ =	swait.ge [sflag:s30], $0x3200  }
0x277: {  	[sflag:s30] =	ssyncset.done $0x0  }
0x278: {  	s14 =	rddreg [dreg:$0x15];
	[sflag:s30] =	ssyncadd.s32 $0xFFFFCE00  }
0x279: {  	[tilespmem:s17], [sflag:$0x1] =	stream.indirect.gather [hbm4b:s2+s20], $0x80, s14, s20, $0xb8;
	[tilespmem:$0x1F000] =	vst v63  }
0x27a: {  	_ =	swait.ge [sflag:s1], $0x3200  }
0x27b: {  	[sflag:s1] =	ssyncset.done $0x0  }
0x27c: {  	s15 =	rddreg [dreg:$0x16];
	[sflag:s1] =	ssyncadd.s32 $0xFFFFCE00  }
0x27d: {  	[spmem:s3] =	stream.indirect.scatter.add.f32 [tilespmem:s26], [sflag:$0x6], $0x80, s15, s20, $0xb8;
	[tilespmem:$0x1F000] =	vst v63  }
0x27e: {  	_ =	swait.ge [sflag:s6], $0x3200  }
0x27f: {  	[sflag:s6] =	ssyncset.done $0x0  }
0x280: {  	s16 =	rddreg [dreg:$0x17];
	[sflag:s6] =	ssyncadd.s32 $0xFFFFCE00  }
0x281: {  	[tilespmem:s22], [sflag:$0x2] =	stream.indirect.gather [hbm4b:s2+s20], $0x80, s16, s20, $0xb8;
	[tilespmem:$0x1F000] =	vst v63  }
0x282: {  	_ =	swait.ge [sflag:s23], $0x3200  }
0x283: {  	[sflag:s23] =	ssyncset.done $0x0  }
0x284: {  	s25 =	rddreg [dreg:$0x18];
	[sflag:s23] =	ssyncadd.s32 $0xFFFFCE00  }
0x285: {  	[spmem:s3] =	stream.indirect.scatter.add.f32 [tilespmem:s17], [sflag:$0x4], $0x80, s25, s20, $0xb8;
	[tilespmem:$0x1F000] =	vst v63  }
0x286: {  	_ =	swait.ge [sflag:s8], $0x3200  }
0x287: {  	[sflag:s8] =	ssyncset.done $0x0  }
0x288: {  	s14 =	rddreg [dreg:$0x19];
	[sflag:s8] =	ssyncadd.s32 $0xFFFFCE00  }
0x289: {  	[tilespmem:s26], [sflag:$0x3] =	stream.indirect.gather [hbm4b:s2+s20], $0x80, s14, s20, $0xb8;
	[tilespmem:$0x1F000] =	vst v63  }
0x28a: {  	_ =	swait.ge [sflag:s28], $0x3200  }
0x28b: {  	[sflag:s28] =	ssyncset.done $0x0  }
0x28c: {  	s15 =	rddreg [dreg:$0x1a];
	[sflag:s28] =	ssyncadd.s32 $0xFFFFCE00  }
0x28d: {  	[spmem:s3] =	stream.indirect.scatter.add.f32 [tilespmem:s22], [sflag:$0x5], $0x80, s15, s20, $0xb8;
	[tilespmem:$0x1F000] =	vst v63  }
0x28e: {  	_ =	swait.ge [sflag:s30], $0x3200  }
0x28f: {  	[sflag:s30] =	ssyncset.done $0x0  }
0x290: {  	s16 =	rddreg [dreg:$0x1b];
	[sflag:s30] =	ssyncadd.s32 $0xFFFFCE00  }
0x291: {  	[tilespmem:s17], [sflag:$0x1] =	stream.indirect.gather [hbm4b:s2+s20], $0x80, s16, s20, $0xb8;
	[tilespmem:$0x1F000] =	vst v63  }
0x292: {  	_ =	swait.ge [sflag:s1], $0x3200  }
0x293: {  	[sflag:s1] =	ssyncset.done $0x0  }
0x294: {  	s25 =	rddreg [dreg:$0x1c];
	[sflag:s1] =	ssyncadd.s32 $0xFFFFCE00  }
0x295: {  	[spmem:s3] =	stream.indirect.scatter.add.f32 [tilespmem:s26], [sflag:$0x6], $0x80, s25, s20, $0xb8;
	[tilespmem:$0x1F000] =	vst v63  }
0x296: {  	_ =	swait.ge [sflag:s6], $0x3200  }
0x297: {  	[sflag:s6] =	ssyncset.done $0x0  }
0x298: {  	s14 =	rddreg [dreg:$0x1d];
	[sflag:s6] =	ssyncadd.s32 $0xFFFFCE00  }
0x299: {  	[tilespmem:s22], [sflag:$0x2] =	stream.indirect.gather [hbm4b:s2+s20], $0x80, s14, s20, $0xb8;
	[tilespmem:$0x1F000] =	vst v63  }
0x29a: {  	_ =	swait.ge [sflag:s23], $0x3200  }
0x29b: {  	[sflag:s23] =	ssyncset.done $0x0  }
0x29c: {  	s15 =	rddreg [dreg:$0x1e];
	[sflag:s23] =	ssyncadd.s32 $0xFFFFCE00  }
0x29d: {  	[spmem:s3] =	stream.indirect.scatter.add.f32 [tilespmem:s17], [sflag:$0x4], $0x80, s15, s20, $0xb8;
	[tilespmem:$0x1F000] =	vst v63  }
0x29e: {  	_ =	swait.ge [sflag:s8], $0x3200  }
0x29f: {  	[sflag:s8] =	ssyncset.done $0x0  }
0x2a0: {  	s16 =	rddreg [dreg:$0x1f];
	[sflag:s8] =	ssyncadd.s32 $0xFFFFCE00  }
0x2a1: {  	[tilespmem:s26], [sflag:$0x3] =	stream.indirect.gather [hbm4b:s2+s20], $0x80, s16, s20, $0xb8;
	[tilespmem:$0x1F000] =	vst v63  }
0x2a2: {  	_ =	swait.ge [sflag:s28], $0x3200  }
0x2a3: {  	s25 =	sld [smem:$0x7F3]  }
0x2a4: {  	[sflag:s28] =	ssyncset.done $0x0  }
0x2a5: {  	[sflag:s28] =	ssyncadd.s32 $0xFFFFCE00  }
0x2a6: {  	[spmem:s3] =	stream.indirect.scatter.add.f32 [tilespmem:s22], [sflag:$0x5], $0x80, s25, s20, $0xb8;
	[tilespmem:$0x1F000] =	vst v63  }
0x2a7: {  	_ =	swait.ge [sflag:s30], $0x3200  }
0x2a8: {  	s14 =	sld [smem:$0x7F4]  }
0x2a9: {  	[sflag:s30] =	ssyncset.done $0x0  }
0x2aa: {  	[sflag:s30] =	ssyncadd.s32 $0xFFFFCE00  }
0x2ab: {  	[tilespmem:s17], [sflag:$0x1] =	stream.indirect.gather [hbm4b:s2+s20], $0x80, s14, s20, $0xb8;
	[tilespmem:$0x1F000] =	vst v63  }
0x2ac: {  	_ =	swait.ge [sflag:s1], $0x3200  }
0x2ad: {  	s15 =	sld [smem:$0x7F5]  }
0x2ae: {  	[sflag:s1] =	ssyncset.done $0x0  }
0x2af: {  	[sflag:s1] =	ssyncadd.s32 $0xFFFFCE00  }
0x2b0: {  	[spmem:s3] =	stream.indirect.scatter.add.f32 [tilespmem:s26], [sflag:$0x6], $0x80, s15, s20, $0xb8;
	[tilespmem:$0x1F000] =	vst v63  }
0x2b1: {  	_ =	swait.ge [sflag:s6], $0x3200  }
0x2b2: {  	s16 =	sld [smem:$0x7F6]  }
0x2b3: {  	[sflag:s6] =	ssyncset.done $0x0  }
0x2b4: {  	[sflag:s6] =	ssyncadd.s32 $0xFFFFCE00  }
0x2b5: {  	[tilespmem:s22], [sflag:$0x2] =	stream.indirect.gather [hbm4b:s2+s20], $0x80, s16, s20, $0xb8;
	[tilespmem:$0x1F000] =	vst v63  }
0x2b6: {  	_ =	swait.ge [sflag:s23], $0x3200  }
0x2b7: {  	s25 =	sld [smem:$0x7F7]  }
0x2b8: {  	[sflag:s23] =	ssyncset.done $0x0  }
0x2b9: {  	[sflag:s23] =	ssyncadd.s32 $0xFFFFCE00  }
0x2ba: {  	[spmem:s3] =	stream.indirect.scatter.add.f32 [tilespmem:s17], [sflag:$0x4], $0x80, s25, s20, $0xb8;
	[tilespmem:$0x1F000] =	vst v63  }
0x2bb: {  	_ =	swait.ge [sflag:s8], $0x3200  }
0x2bc: {  	s14 =	sld [smem:$0x7F8]  }
0x2bd: {  	[sflag:s8] =	ssyncset.done $0x0  }
0x2be: {  	[sflag:s8] =	ssyncadd.s32 $0xFFFFCE00  }
0x2bf: {  	[tilespmem:s26], [sflag:$0x3] =	stream.indirect.gather [hbm4b:s2+s20], $0x80, s14, s20, $0xb8;
	[tilespmem:$0x1F000] =	vst v63  }
0x2c0: {  	_ =	swait.ge [sflag:s28], $0x3200  }
0x2c1: {  	s15 =	sld [smem:$0x7F9]  }
0x2c2: {  	[sflag:s28] =	ssyncset.done $0x0  }
0x2c3: {  	[sflag:s28] =	ssyncadd.s32 $0xFFFFCE00  }
0x2c4: {  	[spmem:s3] =	stream.indirect.scatter.add.f32 [tilespmem:s22], [sflag:$0x5], $0x80, s15, s20, $0xb8;
	[tilespmem:$0x1F000] =	vst v63  }
0x2c5: {  	_ =	swait.ge [sflag:s30], $0x3200  }
0x2c6: {  	s16 =	sld [smem:$0x7FA]  }
0x2c7: {  	[sflag:s30] =	ssyncset.done $0x0  }
0x2c8: {  	[sflag:s30] =	ssyncadd.s32 $0xFFFFCE00  }
0x2c9: {  	[tilespmem:s17], [sflag:$0x1] =	stream.indirect.gather [hbm4b:s2+s20], $0x80, s16, s20, $0xb8;
	[tilespmem:$0x1F000] =	vst v63  }
0x2ca: {  	_ =	swait.ge [sflag:s1], $0x3200  }
0x2cb: {  	s25 =	sld [smem:$0x7FB]  }
0x2cc: {  	[sflag:s1] =	ssyncset.done $0x0  }
0x2cd: {  	[sflag:s1] =	ssyncadd.s32 $0xFFFFCE00  }
0x2ce: {  	[spmem:s3] =	stream.indirect.scatter.add.f32 [tilespmem:s26], [sflag:$0x6], $0x80, s25, s20, $0xb8;
	[tilespmem:$0x1F000] =	vst v63  }
0x2cf: {  	_ =	swait.ge [sflag:s6], $0x3200  }
0x2d0: {  	s14 =	sld [smem:$0x7FC]  }
0x2d1: {  	[sflag:s6] =	ssyncset.done $0x0  }
0x2d2: {  	[sflag:s6] =	ssyncadd.s32 $0xFFFFCE00  }
0x2d3: {  	[tilespmem:s22], [sflag:$0x2] =	stream.indirect.gather [hbm4b:s2+s20], $0x80, s14, s20, $0xb8;
	[tilespmem:$0x1F000] =	vst v63  }
0x2d4: {  	_ =	swait.ge [sflag:s23], $0x3200  }
0x2d5: {  	[sflag:s23] =	ssyncset.done $0x0  }
0x2d6: {  	[sflag:s23] =	ssyncadd.s32 $0xFFFFCE00  }
0x2d7: {  	[spmem:s3] =	stream.indirect.scatter.add.f32 [tilespmem:s17], [sflag:$0x4], $0x80, s9, s20, $0xb8;
	[tilespmem:$0x1F000] =	vst v63  }
0x2d8: {  	_ =	swait.ge [sflag:s8], $0x3200  }
0x2d9: {  	[sflag:s8] =	ssyncset.done $0x0  }
0x2da: {  	[sflag:s8] =	ssyncadd.s32 $0xFFFFCE00  }
0x2db: {  	[tilespmem:s26], [sflag:$0x3] =	stream.indirect.gather [hbm4b:s2+s20], $0x80, s10, s20, $0xb8;
	[tilespmem:$0x1F000] =	vst v63  }
0x2dc: {  	_ =	swait.ge [sflag:s28], $0x3200  }
0x2dd: {  	[sflag:s28] =	ssyncset.done $0x0  }
0x2de: {  	[sflag:s28] =	ssyncadd.s32 $0xFFFFCE00  }
0x2df: {  	[spmem:s3] =	stream.indirect.scatter.add.f32 [tilespmem:s22], [sflag:$0x5], $0x80, s11, s20, $0xb8;
	[tilespmem:$0x1F000] =	vst v63  }
0x2e0: {  	_ =	swait.ge [sflag:s1], $0x3200  }
0x2e1: {  	[sflag:s1] =	ssyncset.done $0x0  }
0x2e2: {  	[sflag:s1] =	ssyncadd.s32 $0xFFFFCE00  }
0x2e3: {  	[spmem:s3] =	stream.indirect.scatter.add.f32 [tilespmem:s26], [sflag:$0x6], $0x80, s12, s20, $0xb8;
	[tilespmem:$0x1F000] =	vst v63  }
0x2e4: {  	_ =	swait.ge [sflag:s30], $0x3200  }
0x2e5: {  	[sflag:s30] =	ssyncset.done $0x0  }
0x2e6: {  	[sflag:s30] =	ssyncadd.s32 $0xFFFFCE00  }
0x2e7: {  	_ =	swait.ge [sflag:s6], $0x3200  }
0x2e8: {  	[sflag:s6] =	ssyncset.done $0x0  }
0x2e9: {  	[sflag:s6] =	ssyncadd.s32 $0xFFFFCE00  }
0x2ea: {  	_ =	swait.ge [sflag:s8], $0x3200  }
0x2eb: {  	s15 =	sld [smem:$0x7EE]  }
0x2ec: {  	[sflag:s8] =	ssyncset.done $0x0  }
0x2ed: {  	[sflag:s8] =	ssyncadd.s32 $0xFFFFCE00  }
0x2ee: {  	[tilespmem:s4], [sflag:$0x7] =	stream.linear.gather [hbm4b:s15+s4], $0x200, $0x38;
	[tilespmem:$0x1F000] =	vst v63  }
0x2ef: {  	_ =	swait.ge [sflag:s18], $0x200  }
0x2f0: {  	s16 =	sld [smem:$0x7EF]  }
0x2f1: {  	[sflag:s18] =	ssyncset.done $0x0  }
0x2f2: {  	[sflag:s18] =	ssyncadd.s32 $0xFFFFFE00  }
0x2f3: {  	[tilespmem:s19], [sflag:$0x7] =	stream.linear.gather [hbm4b:s16+s4], $0x200, $0x38;
	[tilespmem:$0x1F000] =	vst v63  }
0x2f4: {  	_ =	swait.ge [sflag:s18], $0x200  }
0x2f5: {  	[sflag:s18] =	ssyncset.done $0x0  }
0x2f6: {  	[sflag:s18] =	ssyncadd.s32 $0xFFFFFE00  }
0x2f7: {  	[tilespmem:s17], [sflag:$0x1] =	stream.indirect.gather [hbm4b:s2+s20], $0x80, s4, s20, $0xb8;
	[tilespmem:$0x1F000] =	vst v63  }
0x2f8: {  	_ = 	snop  }
0x2f9: {  	[tilespmem:s22], [sflag:$0x2] =	stream.indirect.gather [hbm4b:s2+s20], $0x80, s21, s20, $0xb8;
	[tilespmem:$0x1F000] =	vst v63  }
0x2fa: {  	_ =	swait.ge [sflag:s23], $0x3200  }
0x2fb: {  	[sflag:s23] =	ssyncset.done $0x0  }
0x2fc: {  	[sflag:s23] =	ssyncadd.s32 $0xFFFFCE00  }
0x2fd: {  	[spmem:s3] =	stream.indirect.scatter.add.f32 [tilespmem:s17], [sflag:$0x4], $0x80, s19, s20, $0xb8;
	[tilespmem:$0x1F000] =	vst v63  }
0x2fe: {  	_ = 	snop  }
0x2ff: {  	[tilespmem:s26], [sflag:$0x3] =	stream.indirect.gather [hbm4b:s2+s20], $0x80, s24, s20, $0xb8;
	[tilespmem:$0x1F000] =	vst v63  }
0x300: {  	_ =	swait.ge [sflag:s28], $0x3200  }
0x301: {  	[sflag:s28] =	ssyncset.done $0x0  }
0x302: {  	[sflag:s28] =	ssyncadd.s32 $0xFFFFCE00  }
0x303: {  	[spmem:s3] =	stream.indirect.scatter.add.f32 [tilespmem:s22], [sflag:$0x5], $0x80, s29, s20, $0xb8;
	[tilespmem:$0x1F000] =	vst v63  }
0x304: {  	_ =	swait.ge [sflag:s30], $0x3200  }
0x305: {  	[sflag:s30] =	ssyncset.done $0x0  }
0x306: {  	[sflag:s30] =	ssyncadd.s32 $0xFFFFCE00  }
0x307: {  	[tilespmem:s17], [sflag:$0x1] =	stream.indirect.gather [hbm4b:s2+s20], $0x80, s31, s20, $0xb8;
	[tilespmem:$0x1F000] =	vst v63  }
0x308: {  	_ =	swait.ge [sflag:s1], $0x3200  }
0x309: {  	[sflag:s1] =	ssyncset.done $0x0  }
0x30a: {  	[sflag:s1] =	ssyncadd.s32 $0xFFFFCE00  }
0x30b: {  	[spmem:s3] =	stream.indirect.scatter.add.f32 [tilespmem:s26], [sflag:$0x6], $0x80, s0, s20, $0xb8;
	[tilespmem:$0x1F000] =	vst v63  }
0x30c: {  	_ =	swait.ge [sflag:s23], $0x3200  }
0x30d: {  	[sflag:s23] =	ssyncset.done $0x0  }
0x30e: {  	[sflag:s23] =	ssyncadd.s32 $0xFFFFCE00  }
0x30f: {  	[spmem:s3] =	stream.indirect.scatter.add.f32 [tilespmem:s17], [sflag:$0x4], $0x80, s7, s20, $0xb8;
	[tilespmem:$0x1F000] =	vst v63  }
0x310: {  	_ =	swait.ge [sflag:s30], $0x3200  }
0x311: {  	[sflag:s30] =	ssyncset.done $0x0  }
0x312: {  	[sflag:s30] =	ssyncadd.s32 $0xFFFFCE00  }
0x313: {  	_ =	swait.ge [sflag:s6], $0x3200  }
0x314: {  	[sflag:s6] =	ssyncset.done $0x0  }
0x315: {  	[sflag:s6] =	ssyncadd.s32 $0xFFFFCE00  }
0x316: {  	_ =	swait.ge [sflag:s8], $0x3200  }
0x317: {  	[sflag:s8] =	ssyncset.done $0x0  }
0x318: {  	[sflag:s8] =	ssyncadd.s32 $0xFFFFCE00  }
0x319: {  	[bflag:$0x0] =	sbarrier.arrive $0xFFFF  }
0x31a: {  	s14 =	sld [smem:$0x7F1]  }
0x31b: {  	s15 =	sld [smem:$0x7FD];
	_ =	sdelay $0x1  }
0x31c: {  	s5 =	simm.s32 @p0 $0x1FC7  }
0x31d: {  	[hbm:s14], [sflag:s5] =	dma.local @p0 [spmem:s15], $0x2080  }
0x31e: {  	s5 =	simm.s32 @p0 $0x7  }
0x31f: {  	s14 =	stileid.u32;
	_ =	swait.ge @p0 [sflag:s5], $0x2080  }
0x320: {  	s14 =	sshll.u32 @!p0 s14, $0x6;
	[sflag:s5] =	ssyncset.done @p0 $0x0  }
0x321: {  	[sflag:s5] =	ssyncadd.s32 @p0 $0xFFFFDF80;
	s5 =	sor.u32 @!p0 $0x1C07, s14;
	s14 =	sld [smem:$0x7EC]  }
0x322: {  	s15 =	sld [smem:$0x7F0];
	_ =	sdelay $0x1  }
0x323: {  	s14 =	sshrl.u32 @!p0 s14, $0x3  }
0x324: {  	[hbm:s15], [sflag:s5] =	dma.local @!p0 [spmem:s14], $0x2780  }
0x325: {  	s5 =	simm.s32 @!p0 $0x7  }
0x326: {  	_ =	swait.ge @!p0 [sflag:s5], $0x2780  }
0x327: {  	s25 =	sld [smem:$0x7F2];
	_ =	sdelay $0x1  }
0x328: {  	s13 =	sadd.s32 $0x1, s13  }
0x329: {  	p1 =	sne.s32 s13, s25  }
.Ltmp2:
0x32a: {  	_ = 	snop;
	(pc) =	sbr.rel @p1 .LBB2_1-.Ltmp2, $3  }
0x32b: {  	_ =	sdelay $0x1  }
0x32c: {  	[sflag:s5] =	ssyncset.done @!p0 $0x0  }
0x32d: {  	[sflag:s5] =	ssyncadd.s32 @!p0 $0xFFFFD880  }
0x32e: {  	_ =	sfence.sel $0x180000  }
0x32f: {  	[bflag:$0x0] =	sbarrier.arrive $0xFFFF  }
0x330: {  	_ =	strace $0x9000004A  }
0x331: {  	s0 =	stileid.u32;
	[bflag:$0x2] =	sbarrier.arrive $0xFFFF  }
0x332: {  	p0 =	sne.s32 s0, $0x0;
	s0 =	rddreg [dreg:$0x3]  }
0x333: {  	s0 =	sadd.s32 @!p0 $0x100000, s0  }
0x334: {  	[sflag:s0] =	ssyncadd.tile.s32 @!p0 $0x1;
	_ =	shalt  }
.Lfunc_end2:
_tile_overlayer_lowered:
.L_overlay_start_2:
0x335: {  	(tag) =	ssettag $0x2  }
0x336: {  	s0 =	rddreg [dreg:$0x0];
	s2 =	stileid.u32  }
0x337: {  	s1 =	rddreg [dreg:$0x1];
	p0 =	sne.s32 s2, $0x0  }
0x338: {  	s3 =	rddreg [dreg:$0x2];
	[bflag:$0x3] =	sbarrier.arrive $0xFFFF;
	s2 =	simm.s32 @!p0 $0x1C07  }
0x339: {  	[timem:s3], [sflag:s2] =	dma.local @!p0 [hbm:s0], s1  }
0x33a: {  	s0 =	simm.s32 @!p0 $0x7  }
0x33b: {  	_ =	swait.ge @!p0 [sflag:s0], s1  }
0x33c: {  	s1 =	ssub.s32 @!p0 $0x0, s1;
	[sflag:s0] =	ssyncset.done @!p0 $0x0  }
0x33d: {  	[sflag:s0] =	ssyncadd.s32 @!p0 s1  }
0x33e: {  	[bflag:$0x3] =	sbarrier.arrive $0xFFFF  }
0x33f: {  	_ =	shalt  }

</sc_bundles>
